<compile_context>
chip_gen: v7x
topology: tpu7x:2x2x1
jax: 0.10.2.dev20260603
libtpu: 0.0.44.dev20260713+nightly
codegen_flags: <defaults>
</compile_context>

<pallas_src>
import functools

import jax
import jax.numpy as jnp
from jax import lax
from jax.experimental import pallas as pl
from jax.experimental.pallas import tpu as pltpu
from jax.experimental.pallas import tpu_sc as plsc

N = 10000; E = 320000; B = 100; NPG = 100
DIN = 128; DGH = 128; DG = 64; DH = 32; RANK = 16; K = 4; FL = 49; DESC = 196

NC = 2
NS = 16
CHUNK = 80
NCHUNK = E // CHUNK
RPS = 640
RPS_LAST = N - RPS * (NS - 1)

_f32 = jnp.float32



def _sc_mesh():
    return plsc.VectorSubcoreMesh(core_axis_name="c", subcore_axis_name="s")


DW = 16


def _deg_body(dst_hbm, zeros_hbm, ones_hbm, out_hbm, dv0, dv1, dv2, dv3,
              onesv, acc_sh, is0, is1, is2, is3, ss0, ss1):
    dstv = [dv0, dv1, dv2, dv3]
    isems = [is0, is1, is2, is3]
    ssems = [ss0, ss1]
    c = lax.axis_index("c")
    s = lax.axis_index("s")
    w = s * NC + c
    NW = NC * NS

    pltpu.sync_copy(ones_hbm, onesv)

    @pl.when(s < NS - 1)
    def _():
        pltpu.sync_copy(zeros_hbm.at[pl.ds(s * RPS, RPS)],
                        acc_sh.at[pl.ds(s * RPS, RPS)])

    @pl.when(s == NS - 1)
    def _():
        pltpu.sync_copy(zeros_hbm.at[pl.ds((NS - 1) * RPS, RPS_LAST)],
                        acc_sh.at[pl.ds((NS - 1) * RPS, RPS_LAST)])

    plsc.subcore_barrier()

    def idx_start(j, b4):
        ci = j * NW + w
        pltpu.async_copy(dst_hbm.at[pl.ds(ci * CHUNK, CHUNK)], dstv[b4],
                         isems[b4])

    def idx_wait(b4):
        pltpu.make_async_copy(dst_hbm.at[pl.ds(0, CHUNK)], dstv[b4],
                              isems[b4]).wait()

    idx_start(0, 0)
    idx_start(1, 1)

    def steady(jo, carry):
        for b in range(4):
            j = jo * 4 + b
            b2 = b % 2

            @pl.when(j >= 2)
            def _():
                pltpu.make_async_copy(onesv, acc_sh.at[dstv[b2]],
                                      ssems[b2]).wait()

            @pl.when(j + 2 < NFULL)
            def _():
                idx_start(j + 2, (b + 2) % 4)

            idx_wait(b)
            pltpu.async_copy(onesv, acc_sh.at[dstv[b]], ssems[b2],
                             add=True)

        return carry

    lax.fori_loop(0, NFULL // 4, steady, 0)
    pltpu.make_async_copy(onesv, acc_sh.at[dstv[0]], ssems[0]).wait()
    pltpu.make_async_copy(onesv, acc_sh.at[dstv[1]], ssems[1]).wait()

    def tail(t, carry):
        ci = (NFULL + t) * NW + w

        @pl.when(ci < NCHUNK)
        def _():
            pltpu.async_copy(dst_hbm.at[pl.ds(ci * CHUNK, CHUNK)], dstv[0],
                             isems[0]).wait()
            pltpu.async_copy(onesv, acc_sh.at[dstv[0]], ssems[0],
                             add=True).wait()

        return carry

    lax.fori_loop(0, NTAIL, tail, 0)
    plsc.subcore_barrier()

    @pl.when(s < NS - 1)
    def _():
        pltpu.sync_copy(acc_sh.at[pl.ds(s * RPS, RPS)],
                        out_hbm.at[c, pl.ds(s * RPS, RPS)])

    @pl.when(s == NS - 1)
    def _():
        pltpu.sync_copy(acc_sh.at[pl.ds((NS - 1) * RPS, RPS_LAST)],
                        out_hbm.at[c, pl.ds((NS - 1) * RPS, RPS_LAST)])


def _sc_degree(dst1d, zeros2d, ones2d):
    return pl.kernel(
        _deg_body,
        out_type=jax.ShapeDtypeStruct((NC, N, DW), _f32),
        mesh=_sc_mesh(),
        compiler_params=pltpu.CompilerParams(use_tc_tiling_on_sc=False),
        scratch_types=[
            pltpu.VMEM((CHUNK,), jnp.int32),
            pltpu.VMEM((CHUNK,), jnp.int32),
            pltpu.VMEM((CHUNK,), jnp.int32),
            pltpu.VMEM((CHUNK,), jnp.int32),
            pltpu.VMEM((CHUNK, DW), _f32),
            pltpu.VMEM_SHARED((N, DW), _f32),
            pltpu.SemaphoreType.DMA,
            pltpu.SemaphoreType.DMA,
            pltpu.SemaphoreType.DMA,
            pltpu.SemaphoreType.DMA,
            pltpu.SemaphoreType.DMA,
            pltpu.SemaphoreType.DMA,
        ],
    )(dst1d, zeros2d, ones2d)


NFULL = 124
NTAIL = 1


def _scatter_body(D, msg_hbm, src_hbm, dst_hbm, zeros_hbm, out_hbm,
                  sv0, sv1, sv2, sv3, dv0, dv1, dv2, dv3,
                  rows0, rows1, rows2, rows3,
                  acc_sh, gs0, gs1, gs2, gs3, is0, is1, is2, is3, ss0, ss1):
    srcv = [sv0, sv1, sv2, sv3]
    dstv = [dv0, dv1, dv2, dv3]
    rows = [rows0, rows1, rows2, rows3]
    gsems = [gs0, gs1, gs2, gs3]
    isems = [is0, is1, is2, is3]
    ssems = [ss0, ss1]
    c = lax.axis_index("c")
    s = lax.axis_index("s")
    w = s * NC + c
    NW = NC * NS

    @pl.when(s < NS - 1)
    def _():
        pltpu.sync_copy(zeros_hbm.at[pl.ds(s * RPS, RPS)],
                        acc_sh.at[pl.ds(s * RPS, RPS)])

    @pl.when(s == NS - 1)
    def _():
        pltpu.sync_copy(zeros_hbm.at[pl.ds((NS - 1) * RPS, RPS_LAST)],
                        acc_sh.at[pl.ds((NS - 1) * RPS, RPS_LAST)])

    plsc.subcore_barrier()

    def idx_start(j, b4):
        ci = j * NW + w
        c1 = pltpu.async_copy(src_hbm.at[pl.ds(ci * CHUNK, CHUNK)],
                              srcv[b4], isems[b4])
        c2 = pltpu.async_copy(dst_hbm.at[pl.ds(ci * CHUNK, CHUNK)],
                              dstv[b4], isems[b4])
        return c1, c2

    def idx_wait(b4):
        pltpu.make_async_copy(src_hbm.at[pl.ds(0, CHUNK)], srcv[b4],
                              isems[b4]).wait()
        pltpu.make_async_copy(dst_hbm.at[pl.ds(0, CHUNK)], dstv[b4],
                              isems[b4]).wait()

    idx_start(0, 0)
    idx_start(1, 1)
    idx_wait(0)
    pltpu.async_copy(msg_hbm.at[srcv[0]], rows[0], gsems[0])

    def steady(jo, carry):
        for b in range(4):
            j = jo * 4 + b
            b2 = b % 2
            nb4 = (b + 1) % 4

            @pl.when(j >= 2)
            def _():
                pltpu.make_async_copy(rows[b2], acc_sh.at[dstv[b2]],
                                      ssems[b2]).wait()

            @pl.when(j + 2 < NFULL)
            def _():
                idx_start(j + 2, (b + 2) % 4)

            @pl.when(j + 1 < NFULL)
            def _():
                idx_wait(nb4)
                pltpu.async_copy(msg_hbm.at[srcv[nb4]], rows[nb4],
                                 gsems[nb4])

            pltpu.make_async_copy(msg_hbm.at[srcv[b]], rows[b],
                                  gsems[b]).wait()
            pltpu.async_copy(rows[b], acc_sh.at[dstv[b]],
                             ssems[b2], add=True)

        return carry

    lax.fori_loop(0, NFULL // 4, steady, 0)

    pltpu.make_async_copy(rows[0], acc_sh.at[dstv[0]], ssems[0]).wait()
    pltpu.make_async_copy(rows[1], acc_sh.at[dstv[1]], ssems[1]).wait()

    def tail(t, carry):
        ci = (NFULL + t) * NW + w

        @pl.when(ci < NCHUNK)
        def _():
            c1 = pltpu.async_copy(src_hbm.at[pl.ds(ci * CHUNK, CHUNK)],
                                  srcv[0], isems[0])
            c2 = pltpu.async_copy(dst_hbm.at[pl.ds(ci * CHUNK, CHUNK)],
                                  dstv[0], isems[0])
            c1.wait()
            c2.wait()
            pltpu.async_copy(msg_hbm.at[srcv[0]], rows[0],
                             gsems[0]).wait()
            pltpu.async_copy(rows[0], acc_sh.at[dstv[0]], ssems[0],
                             add=True).wait()

        return carry

    lax.fori_loop(0, NTAIL, tail, 0)
    plsc.subcore_barrier()

    @pl.when(s < NS - 1)
    def _():
        pltpu.sync_copy(acc_sh.at[pl.ds(s * RPS, RPS)],
                        out_hbm.at[c, pl.ds(s * RPS, RPS)])

    @pl.when(s == NS - 1)
    def _():
        pltpu.sync_copy(acc_sh.at[pl.ds((NS - 1) * RPS, RPS_LAST)],
                        out_hbm.at[c, pl.ds((NS - 1) * RPS, RPS_LAST)])


def _sc_scatter(msg, src1d, dst1d, zeros2d, D, tc_tiling=True):
    body = functools.partial(_scatter_body, D)
    return pl.kernel(
        body,
        out_type=jax.ShapeDtypeStruct((NC, N, D), _f32),
        mesh=_sc_mesh(),
        compiler_params=pltpu.CompilerParams(use_tc_tiling_on_sc=tc_tiling),
        scratch_types=[
            pltpu.VMEM((CHUNK,), jnp.int32),
            pltpu.VMEM((CHUNK,), jnp.int32),
            pltpu.VMEM((CHUNK,), jnp.int32),
            pltpu.VMEM((CHUNK,), jnp.int32),
            pltpu.VMEM((CHUNK,), jnp.int32),
            pltpu.VMEM((CHUNK,), jnp.int32),
            pltpu.VMEM((CHUNK,), jnp.int32),
            pltpu.VMEM((CHUNK,), jnp.int32),
            pltpu.VMEM((CHUNK, D), _f32),
            pltpu.VMEM((CHUNK, D), _f32),
            pltpu.VMEM((CHUNK, D), _f32),
            pltpu.VMEM((CHUNK, D), _f32),
            pltpu.VMEM_SHARED((N, D), _f32),
            pltpu.SemaphoreType.DMA,
            pltpu.SemaphoreType.DMA,
            pltpu.SemaphoreType.DMA,
            pltpu.SemaphoreType.DMA,
            pltpu.SemaphoreType.DMA,
            pltpu.SemaphoreType.DMA,
            pltpu.SemaphoreType.DMA,
            pltpu.SemaphoreType.DMA,
            pltpu.SemaphoreType.DMA,
            pltpu.SemaphoreType.DMA,
        ],
    )(msg, src1d, dst1d, zeros2d)



RB = 1000
NG = N // RB


def _t1_body(deg_ref, x_ref, w1_ref, m1_ref, dis_ref):
    deg = (jnp.sum(deg_ref[0, 0], axis=1)
           + jnp.sum(deg_ref[1, 0], axis=1)) * (1.0 / DW) + 1.0
    dis = lax.rsqrt(deg)
    m = jnp.dot(x_ref[...], w1_ref[...], preferred_element_type=_f32)
    m1_ref[...] = m * dis[:, None]
    dis_ref[0, 0, :] = dis


def _tc1(deg4d, x, W1):
    return pl.pallas_call(
        _t1_body,
        grid=(NG,),
        in_specs=[
            pl.BlockSpec((2, 1, RB, DW), lambda i: (0, i, 0, 0)),
            pl.BlockSpec((RB, DIN), lambda i: (i, 0)),
            pl.BlockSpec((DIN, DGH), lambda i: (0, 0)),
        ],
        out_specs=[
            pl.BlockSpec((RB, DGH), lambda i: (i, 0)),
            pl.BlockSpec((1, 1, RB), lambda i: (i, 0, 0)),
        ],
        out_shape=[
            jax.ShapeDtypeStruct((N, DGH), _f32),
            jax.ShapeDtypeStruct((NG, 1, RB), _f32),
        ],
    )(deg4d, x, W1)


def _t2_body(agg_ref, m1_ref, dis_ref, w2_ref, m2_ref):
    dis = dis_ref[0, 0, :]
    a = agg_ref[0] + agg_ref[1] + m1_ref[...]
    out1 = jnp.maximum(a * dis[:, None], 0.0)
    m2_ref[...] = jnp.dot(out1, w2_ref[...], preferred_element_type=_f32) \
        * dis[:, None]


def _tc2(agg1, m1, dis3d, W2):
    return pl.pallas_call(
        _t2_body,
        grid=(NG,),
        in_specs=[
            pl.BlockSpec((2, RB, DGH), lambda i: (0, i, 0)),
            pl.BlockSpec((RB, DGH), lambda i: (i, 0)),
            pl.BlockSpec((1, 1, RB), lambda i: (i, 0, 0)),
            pl.BlockSpec((DGH, DG), lambda i: (0, 0)),
        ],
        out_specs=pl.BlockSpec((RB, DG), lambda i: (i, 0)),
        out_shape=jax.ShapeDtypeStruct((N, DG), _f32),
    )(agg1, m1, dis3d, W2)


def _t3_body(agg_ref, m2_ref, dis_ref, desc_ref, logscale_ref, wm, out_ref,
             beta_ref, alpha_ref):
    eps = 1e-5
    Hf = agg_ref[0] + agg_ref[1] + m2_ref[...]
    dis2 = dis_ref[...]
    H3 = Hf.reshape(B, NPG, DG) * dis2[:, :, None]
    hg = jnp.mean(H3, axis=1)
    Hs = H3.reshape(N, DG)

    def ln32(t, g, b):
        mu = jnp.dot(t, wm['Gavg'], preferred_element_type=_f32)
        xm = t - mu
        var = jnp.dot(xm * xm, wm['Gavg'], preferred_element_type=_f32)
        return xm * lax.rsqrt(var + eps) * g + b

    tokpre = jnp.dot(desc_ref[...], wm['TokW'], preferred_element_type=_f32) \
        + wm['tokb']
    tok = jnp.maximum(ln32(tokpre, wm['tokg'], wm['tokB']), 0.0)

    kk = jnp.dot(Hs, wm['WkT'], preferred_element_type=_f32)
    v = jnp.dot(Hs, wm['WvT'], preferred_element_type=_f32)
    qf = jnp.dot(tok, wm['WqT'], preferred_element_type=_f32)
    qexp = jnp.broadcast_to(qf[:, None, :], (B, NPG, K * RANK)) \
        .reshape(N, K * RANK)
    scale = jnp.maximum(jnp.exp(logscale_ref[...]), 0.1)
    scores = jnp.dot(kk * qexp, wm['Gsum16'], preferred_element_type=_f32)
    scores3 = scores.reshape(B, NPG, K) / scale[0][None, None, :]
    mx = jnp.max(scores3, axis=1, keepdims=True)
    ex = jnp.exp(scores3 - mx)
    den = jnp.sum(ex, axis=1, keepdims=True)
    alpha3 = ex / den
    aexp = jnp.dot(alpha3.reshape(N, K), wm['Gexp32'],
                   preferred_element_type=_f32)
    ctx = jnp.sum((aexp * v).reshape(B, NPG, K * DH), axis=1)

    fused = (jnp.dot(ctx, wm['P0'], preferred_element_type=_f32)
             + jnp.dot(tok, wm['P1'], preferred_element_type=_f32)
             + jnp.dot(ctx * tok, wm['P2'], preferred_element_type=_f32)
             + jnp.dot(ctx - tok, wm['P3'], preferred_element_type=_f32))
    f1 = jnp.dot(fused, wm['FW1'], preferred_element_type=_f32) + wm['fb1']
    f1 = jnp.maximum(ln32(f1, wm['fg'], wm['fB']), 0.0)
    reps = jnp.dot(f1, wm['FW2'], preferred_element_type=_f32) + wm['fb2']

    gp = jnp.dot(hg, wm['agWT'], preferred_element_type=_f32) + wm['agb']
    fp = jnp.dot(reps, wm['AfT'], preferred_element_type=_f32) + wm['afb']
    gpexp = jnp.dot(gp, wm['Gtile32'], preferred_element_type=_f32)
    t = jnp.tanh(fp + gpexp)
    sc = jnp.dot(t, wm['AsT'], preferred_element_type=_f32) + wm['asb']
    mxs = jnp.max(sc, axis=1, keepdims=True)
    exs = jnp.exp(sc - mxs)
    beta = exs / jnp.sum(exs, axis=1, keepdims=True)
    bexp = jnp.dot(beta, wm['Gexp32'], preferred_element_type=_f32)
    h_fam = jnp.dot(bexp * reps, wm['Gfold'], preferred_element_type=_f32)

    z = (jnp.dot(hg, wm['Pz1'], preferred_element_type=_f32)
         + jnp.dot(h_fam, wm['Pz2'], preferred_element_type=_f32))
    z = jnp.maximum(jnp.dot(z, wm['hW1T'], preferred_element_type=_f32)
                    + wm['hb1'], 0.0)
    z = jnp.maximum(jnp.dot(z, wm['hW2T'], preferred_element_type=_f32)
                    + wm['hb2'], 0.0)
    out_ref[...] = jnp.dot(z, wm['hW3T'], preferred_element_type=_f32) \
        + wm['hb3']
    beta_ref[...] = beta
    alpha_ref[...] = jnp.swapaxes(alpha3, 1, 2)


def _tc3(agg2, m2, dis2d, desc, logscale2d, wmats):
    names = sorted(wmats.keys())
    vals = [wmats[k] for k in names]

    def body(agg_ref, m2_ref, dis_ref, desc_ref, ls_ref, *rest):
        wrefs = {k: r[...] for k, r in zip(names, rest[:len(names)])}
        out_ref, beta_ref, alpha_ref = rest[len(names):]
        _t3_body(agg_ref, m2_ref, dis_ref, desc_ref, ls_ref, wrefs,
                 out_ref, beta_ref, alpha_ref)

    return pl.pallas_call(
        body,
        out_shape=[
            jax.ShapeDtypeStruct((B, 1), _f32),
            jax.ShapeDtypeStruct((B, K), _f32),
            jax.ShapeDtypeStruct((B, K, NPG), _f32),
        ],
    )(agg2, m2, dis2d, desc, logscale2d, *vals)



def _prep_weights(p):
    bd = jax.scipy.linalg.block_diag
    i128 = jnp.arange(128)
    wm = {}
    wm['TokW'] = bd(*[p['tokW'][k].T for k in range(K)])
    wm['tokb'] = p['tokb'].reshape(-1)
    wm['tokg'] = p['tokg'].reshape(-1)
    wm['tokB'] = p['tokB'].reshape(-1)
    wm['Gavg'] = ((i128[:, None] // DH == i128[None, :] // DH)
                  .astype(_f32) / DH)
    wm['WkT'] = p['Wk'].transpose(2, 0, 1).reshape(DG, K * RANK)
    wm['WvT'] = p['Wv'].transpose(2, 0, 1).reshape(DG, K * DH)
    wm['WqT'] = bd(*[p['Wq'][k].T for k in range(K)])
    wm['Gsum16'] = (jnp.arange(K * RANK)[:, None] // RANK
                    == jnp.arange(K)[None, :]).astype(_f32)
    wm['Gexp32'] = (jnp.arange(K)[:, None]
                    == i128[None, :] // DH).astype(_f32)
    for pp in range(4):
        wm[f'P{pp}'] = (jnp.arange(K * 4 * DH)[None, :]
                        == (i128[:, None] // DH) * (4 * DH)
                        + pp * DH + i128[:, None] % DH).astype(_f32)
    wm['FW1'] = bd(*[p['fW1'][k].T for k in range(K)])
    wm['fb1'] = p['fb1'].reshape(-1)
    wm['fg'] = p['fg'].reshape(-1)
    wm['fB'] = p['fB'].reshape(-1)
    wm['FW2'] = bd(*[p['fW2'][k].T for k in range(K)])
    wm['fb2'] = p['fb2'].reshape(-1)
    wm['agWT'] = p['agW'].T
    wm['agb'] = p['agb']
    wm['AfT'] = bd(*[p['afW'].T] * K)
    wm['afb'] = jnp.tile(p['afb'], K)
    wm['Gtile32'] = (jnp.arange(DH)[:, None]
                     == i128[None, :] % DH).astype(_f32)
    wm['AsT'] = bd(*[p['asW'].T] * K)
    wm['asb'] = p['asb']
    wm['Gfold'] = (i128[:, None] % DH
                   == jnp.arange(DH)[None, :]).astype(_f32)
    wm['Pz1'] = jnp.concatenate([jnp.eye(DG, dtype=_f32),
                                 jnp.zeros((DG, DH), _f32)], axis=1)
    wm['Pz2'] = jnp.concatenate([jnp.zeros((DH, DG), _f32),
                                 jnp.eye(DH, dtype=_f32)], axis=1)
    wm['hW1T'] = p['hW1'].T
    wm['hb1'] = p['hb1']
    wm['hW2T'] = p['hW2'].T
    wm['hb2'] = p['hb2']
    wm['hW3T'] = p['hW3'].T
    wm['hb3'] = p['hb3']
    return wm



def kernel(x, edge_index, desc, params):
    p = params
    src1d = edge_index[0].astype(jnp.int32)
    dst1d = edge_index[1].astype(jnp.int32)
    zerosD = jnp.zeros((N, DW), _f32)
    onesD = jnp.ones((CHUNK, DW), _f32)
    zerosA = jnp.zeros((N, DGH), _f32)
    zerosB = jnp.zeros((N, DG), _f32)

    deg_parts = _sc_degree(dst1d, zerosD, onesD)
    deg4d = deg_parts.reshape(2, NG, RB, DW)

    m1, dis3d = _tc1(deg4d, x, p['W1'])
    agg1 = _sc_scatter(m1, src1d, dst1d, zerosA, DGH)
    m2 = _tc2(agg1, m1, dis3d, p['W2'])
    agg2 = _sc_scatter(m2, src1d, dst1d, zerosB, DG,
                       tc_tiling=False)

    dis2d = dis3d.reshape(B, NPG)
    wm = _prep_weights(p)
    out, beta, alpha = _tc3(agg2, m2, dis2d, desc,
                            p['logscale'].reshape(1, K), wm)
    return out, beta, alpha

# --- scband reference (transcript-rebuilt; emitter-appended) ---
"""Pipeline reference for scband-net-4853313044703 (READ-ONLY COPY).

The authoritative reference and input builder live on the scoring server;
editing this copy changes nothing except your own understanding.
"""

import jax, jax.numpy as jnp
import numpy as np

N = 10000; E = 320000; B = 100; NPG = 100
DIN = 128; DGH = 128; DG = 64; DH = 32; RANK = 16; K = 4; FL = 49; DESC = 196


def _ln(x, g, b, eps=1e-5):
    mu = jnp.mean(x, axis=-1, keepdims=True)
    var = jnp.var(x, axis=-1, keepdims=True)
    return (x - mu) / jnp.sqrt(var + eps) * g + b


def setup_inputs(seed: int = 0) -> dict:
    key = jax.random.key(seed)
    ks = jax.random.split(key, 20)
    x = jax.random.normal(ks[0], (N, DIN), dtype=jnp.float32)
    edge_index = jax.random.randint(ks[1], (2, E), 0, N)
    desc = jax.random.normal(ks[2], (B, DESC), dtype=jnp.float32)

    def w(k, shape, scale=0.05):
        return jax.random.normal(k, shape, dtype=jnp.float32) * scale

    params = {
        'W1': w(ks[3], (DIN, DGH)),
        'W2': w(ks[4], (DGH, DG)),
        'tokW': w(ks[5], (K, DH, FL)),
        'tokb': jnp.zeros((K, DH), jnp.float32),
        'tokg': jnp.ones((K, DH), jnp.float32),
        'tokB': jnp.zeros((K, DH), jnp.float32),
        'Wq': w(ks[6], (K, RANK, DH)),
        'Wk': w(ks[7], (K, RANK, DG)),
        'Wv': w(ks[8], (K, DH, DG)),
        'logscale': jnp.zeros((K, 1), jnp.float32),
        'fW1': w(ks[9], (K, DH, 4 * DH)),
        'fb1': jnp.zeros((K, DH), jnp.float32),
        'fg': jnp.ones((K, DH), jnp.float32),
        'fB': jnp.zeros((K, DH), jnp.float32),
        'fW2': w(ks[10], (K, DH, DH)),
        'fb2': jnp.zeros((K, DH), jnp.float32),
        'agW': w(ks[11], (DH, DG)),
        'agb': jnp.zeros((DH,), jnp.float32),
        'afW': w(ks[12], (DH, DH)),
        'afb': jnp.zeros((DH,), jnp.float32),
        'asW': w(ks[13], (1, DH)),
        'asb': jnp.zeros((1,), jnp.float32),
        'hW1': w(ks[14], (128, DG + DH)),
        'hb1': jnp.zeros((128,), jnp.float32),
        'hW2': w(ks[15], (32, 128)),
        'hb2': jnp.zeros((32,), jnp.float32),
        'hW3': w(ks[16], (1, 32)),
        'hb3': jnp.zeros((1,), jnp.float32),
    }
    return {'x': x, 'edge_index': edge_index, 'desc': desc, 'params': params}


def _gcn(feat, W, src, dst):
    # GCNConv with self-loop: deg = in_degree + 1, symmetric normalization
    deg = jnp.bincount(dst, length=N).astype(jnp.float32) + 1.0
    dis = jnp.clip(deg, 1e-12) ** -0.5
    h = (feat @ W) * dis[:, None]
    agg = jnp.zeros_like(h).at[dst].add(h[src]) + h  # copy_u + sum, plus self-loop message
    return agg * dis[:, None]


def _forward(x, desc, p, src, dst):
    h = jax.nn.relu(_gcn(x, p['W1'], src, dst))
    h = _gcn(h, p['W2'], src, dst)
    # split_pad_node_embeddings: B equal-sized graphs (NPG nodes each) -> no padding needed
    H_pad = h.reshape(B, NPG, DG)
    mask = jnp.ones((B, NPG), dtype=bool)
    hg = H_pad.mean(axis=1)  # dgl.mean_nodes
    # FamilyTokenizer: K families of FL contiguous descriptors each
    desc_r = desc.reshape(B, K, FL)
    tok = jnp.einsum('bkf,kdf->bkd', desc_r, p['tokW']) + p['tokb']
    tok = jax.nn.relu(_ln(tok, p['tokg'], p['tokB']))  # dropout = identity (eval)
    # FamilyBilinearAttention (vectorized over K families)
    q = jnp.einsum('bkd,krd->bkr', tok, p['Wq'])
    kk = jnp.einsum('bng,krg->bknr', H_pad, p['Wk'])
    scale = jnp.clip(jnp.exp(p['logscale']), 0.1)  # [K,1]
    scores = jnp.einsum('bkr,bknr->bkn', q, kk) / scale[None]
    scores = jnp.where(mask[:, None, :], scores, -jnp.inf)
    alpha = jax.nn.softmax(scores, axis=-1)
    v = jnp.einsum('bng,kdg->bknd', H_pad, p['Wv'])
    ctx = jnp.einsum('bkn,bknd->bkd', alpha, v)
    # FamilyFusion
    fused = jnp.concatenate([ctx, tok, ctx * tok, ctx - tok], axis=-1)
    f1 = jax.nn.relu(_ln(jnp.einsum('bkf,kdf->bkd', fused, p['fW1']) + p['fb1'], p['fg'], p['fB']))
    reps = jnp.einsum('bkf,kdf->bkd', f1, p['fW2']) + p['fb2']  # [B,K,DH]
    # FamilyAggregator
    gp = (hg @ p['agW'].T + p['agb'])[:, None, :]
    fp = reps @ p['afW'].T + p['afb']
    sc = (jnp.tanh(fp + gp) @ p['asW'].T + p['asb'])[..., 0]
    beta = jax.nn.softmax(sc, axis=-1)
    h_fam = jnp.sum(beta[..., None] * reps, axis=1)  # dropout = identity (eval)
    # head
    z = jnp.concatenate([hg, h_fam], axis=-1)
    z = jax.nn.relu(z @ p['hW1'].T + p['hb1'])
    z = jax.nn.relu(z @ p['hW2'].T + p['hb2'])
    out = z @ p['hW3'].T + p['hb3']
    return out, beta, alpha


def reference(x, edge_index, desc, params):
    src, dst = edge_index[0], edge_index[1]
    return _forward(x, desc, params, src, dst)

if __name__ == "__main__":
    import jax
    _d = setup_inputs()
    print(jax.jit(kernel)(*tuple(_d.values())))

</pallas_src>

<mosaic_0001>
#map = affine_map<(d0, d1) -> (0, 0)>
#map1 = affine_map<(d0, d1) -> (0)>
#map2 = affine_map<(d0, d1) -> (0, 0, 0)>
module attributes {stable_mosaic.version = 14 : i64} {
  func.func @_scatter_body(%arg0: i32, %arg1: i32, %arg2: memref<10000x64xf32, #tpu.memory_space<hbm>>, %arg3: memref<320000xi32, #tpu.memory_space<hbm>>, %arg4: memref<320000xi32, #tpu.memory_space<hbm>>, %arg5: memref<10000x64xf32, #tpu.memory_space<hbm>>, %arg6: memref<2x10000x64xf32, #tpu.memory_space<hbm>>, %arg7: memref<80xi32, #tpu.memory_space<vmem>>, %arg8: memref<80xi32, #tpu.memory_space<vmem>>, %arg9: memref<80xi32, #tpu.memory_space<vmem>>, %arg10: memref<80xi32, #tpu.memory_space<vmem>>, %arg11: memref<80xi32, #tpu.memory_space<vmem>>, %arg12: memref<80xi32, #tpu.memory_space<vmem>>, %arg13: memref<80xi32, #tpu.memory_space<vmem>>, %arg14: memref<80xi32, #tpu.memory_space<vmem>>, %arg15: memref<80x64xf32, #tpu.memory_space<vmem>>, %arg16: memref<80x64xf32, #tpu.memory_space<vmem>>, %arg17: memref<80x64xf32, #tpu.memory_space<vmem>>, %arg18: memref<80x64xf32, #tpu.memory_space<vmem>>, %arg19: memref<10000x64xf32, #tpu.memory_space<vmem_shared>>, %arg20: memref<!tpu.dma_semaphore, #tpu.memory_space<semaphore_mem>>, %arg21: memref<!tpu.dma_semaphore, #tpu.memory_space<semaphore_mem>>, %arg22: memref<!tpu.dma_semaphore, #tpu.memory_space<semaphore_mem>>, %arg23: memref<!tpu.dma_semaphore, #tpu.memory_space<semaphore_mem>>, %arg24: memref<!tpu.dma_semaphore, #tpu.memory_space<semaphore_mem>>, %arg25: memref<!tpu.dma_semaphore, #tpu.memory_space<semaphore_mem>>, %arg26: memref<!tpu.dma_semaphore, #tpu.memory_space<semaphore_mem>>, %arg27: memref<!tpu.dma_semaphore, #tpu.memory_space<semaphore_mem>>, %arg28: memref<!tpu.dma_semaphore, #tpu.memory_space<semaphore_mem>>, %arg29: memref<!tpu.dma_semaphore, #tpu.memory_space<semaphore_mem>>) attributes {dimension_semantics = [#tpu.dimension_semantics<core_parallel>, #tpu.dimension_semantics<subcore_parallel>], iteration_bounds = array<i64: 2, 16>, scalar_prefetch = 0 : i64, scratch_operands = 23 : i64, tpu.core_type = #tpu.core_type<sc_vector_subcore>, window_params = [{transform_indices = #map}, {transform_indices = #map1}, {transform_indices = #map1}, {transform_indices = #map}, {transform_indices = #map2}]} {
    %mul3A = arith.constant 2 : i32
    %mul3A_0 = arith.muli %arg1, %mul3A : i32
    %add3A = arith.addi %mul3A_0, %arg0 : i32
    %lt3A = arith.constant 15 : i32
    %lt3A_1 = arith.cmpi slt, %arg1, %lt3A : i32
    %convert_element_type3A = arith.extui %lt3A_1 : i1 to i32
    %cond3A = arith.constant 0 : i32
    %cond3A_2 = arith.cmpi ne, %convert_element_type3A, %cond3A : i32
    scf.if %cond3A_2 {
      %mul3A_71 = arith.constant 640 : i32
      %mul3A_72 = arith.muli %arg1, %mul3A_71 : i32
      %mul3A_73 = arith.constant 640 : i32
      %mul3A_74 = arith.muli %arg1, %mul3A_73 : i32
      "tpu.region"() ({
        %run_scoped3A = tpu.sem_alloc : memref<!tpu.dma_semaphore, #tpu.memory_space<semaphore_mem>>
        %dma_start3A_75 = arith.constant 0 : i32
        %dma_start3A_76 = tpu.memref_slice %arg19[%mul3A_74, %dma_start3A_75] : memref<10000x64xf32, #tpu.memory_space<vmem_shared>> -> memref<640x64xf32, #tpu.memory_space<vmem_shared>>
        %dma_start3A_77 = arith.constant 0 : i32
        %dma_start3A_78 = tpu.memref_slice %arg5[%mul3A_72, %dma_start3A_77] : memref<10000x64xf32, #tpu.memory_space<hbm>> -> memref<640x64xf32, #tpu.memory_space<hbm>>
        tpu.enqueue_dma source(%dma_start3A_78 : memref<640x64xf32, #tpu.memory_space<hbm>>) target(%dma_start3A_76 : memref<640x64xf32, #tpu.memory_space<vmem_shared>>) target_semaphore(%run_scoped3A : memref<!tpu.dma_semaphore, #tpu.memory_space<semaphore_mem>>)
        %dma_wait3A_79 = arith.constant 0 : i32
        %dma_wait3A_80 = tpu.memref_slice %arg19[%mul3A_74, %dma_wait3A_79] : memref<10000x64xf32, #tpu.memory_space<vmem_shared>> -> memref<640x64xf32, #tpu.memory_space<vmem_shared>>
        %dma_wait3A_81 = arith.constant 0 : i32
        %dma_wait3A_82 = tpu.memref_slice %arg5[%mul3A_72, %dma_wait3A_81] : memref<10000x64xf32, #tpu.memory_space<hbm>> -> memref<640x64xf32, #tpu.memory_space<hbm>>
        tpu.wait_dma2 semaphore(%run_scoped3A : memref<!tpu.dma_semaphore, #tpu.memory_space<semaphore_mem>>) src(%dma_wait3A_82 : memref<640x64xf32, #tpu.memory_space<hbm>>) dst(%dma_wait3A_80 : memref<640x64xf32, #tpu.memory_space<vmem_shared>>)
        tpu.yield
      }) : () -> ()
    } else {
    }
    %eq3A = arith.constant 15 : i32
    %eq3A_3 = arith.cmpi eq, %arg1, %eq3A : i32
    %convert_element_type3A_4 = arith.extui %eq3A_3 : i1 to i32
    %cond3A_5 = arith.constant 0 : i32
    %cond3A_6 = arith.cmpi ne, %convert_element_type3A_4, %cond3A_5 : i32
    scf.if %cond3A_6 {
      "tpu.region"() ({
        %run_scoped3A = tpu.sem_alloc : memref<!tpu.dma_semaphore, #tpu.memory_space<semaphore_mem>>
        %dma_start3A_71 = arith.constant 9600 : i32
        %dma_start3A_72 = arith.constant 0 : i32
        %dma_start3A_73 = tpu.memref_slice %arg19[%dma_start3A_71, %dma_start3A_72] : memref<10000x64xf32, #tpu.memory_space<vmem_shared>> -> memref<400x64xf32, #tpu.memory_space<vmem_shared>>
        %dma_start3A_74 = arith.constant 9600 : i32
        %dma_start3A_75 = arith.constant 0 : i32
        %dma_start3A_76 = tpu.memref_slice %arg5[%dma_start3A_74, %dma_start3A_75] : memref<10000x64xf32, #tpu.memory_space<hbm>> -> memref<400x64xf32, #tpu.memory_space<hbm>>
        tpu.enqueue_dma source(%dma_start3A_76 : memref<400x64xf32, #tpu.memory_space<hbm>>) target(%dma_start3A_73 : memref<400x64xf32, #tpu.memory_space<vmem_shared>>) target_semaphore(%run_scoped3A : memref<!tpu.dma_semaphore, #tpu.memory_space<semaphore_mem>>)
        %dma_wait3A_77 = arith.constant 9600 : i32
        %dma_wait3A_78 = arith.constant 0 : i32
        %dma_wait3A_79 = tpu.memref_slice %arg19[%dma_wait3A_77, %dma_wait3A_78] : memref<10000x64xf32, #tpu.memory_space<vmem_shared>> -> memref<400x64xf32, #tpu.memory_space<vmem_shared>>
        %dma_wait3A_80 = arith.constant 9600 : i32
        %dma_wait3A_81 = arith.constant 0 : i32
        %dma_wait3A_82 = tpu.memref_slice %arg5[%dma_wait3A_80, %dma_wait3A_81] : memref<10000x64xf32, #tpu.memory_space<hbm>> -> memref<400x64xf32, #tpu.memory_space<hbm>>
        tpu.wait_dma2 semaphore(%run_scoped3A : memref<!tpu.dma_semaphore, #tpu.memory_space<semaphore_mem>>) src(%dma_wait3A_82 : memref<400x64xf32, #tpu.memory_space<hbm>>) dst(%dma_wait3A_79 : memref<400x64xf32, #tpu.memory_space<vmem_shared>>)
        tpu.yield
      }) : () -> ()
    } else {
    }
    %barrier3A = arith.constant 0 : index
    tpu.barrier barrier_id(%barrier3A)
    %add3A_7 = arith.constant 0 : i32
    %add3A_8 = arith.addi %add3A_7, %add3A : i32
    %mul3A_9 = arith.constant 80 : i32
    %mul3A_10 = arith.muli %add3A_8, %mul3A_9 : i32
    %dma_start3A = tpu.memref_slice %arg3[%mul3A_10] : memref<320000xi32, #tpu.memory_space<hbm>> -> memref<80xi32, #tpu.memory_space<hbm>>
    %dma_start3A_11 = tpu.memref_slice %arg3[%mul3A_10] : memref<320000xi32, #tpu.memory_space<hbm>> -> memref<80xi32, #tpu.memory_space<hbm>>
    tpu.enqueue_dma source(%dma_start3A_11 : memref<80xi32, #tpu.memory_space<hbm>>) target(%arg7 : memref<80xi32, #tpu.memory_space<vmem>>) target_semaphore(%arg24 : memref<!tpu.dma_semaphore, #tpu.memory_space<semaphore_mem>>)
    %mul3A_12 = arith.constant 80 : i32
    %mul3A_13 = arith.muli %add3A_8, %mul3A_12 : i32
    %dma_start3A_14 = tpu.memref_slice %arg4[%mul3A_13] : memref<320000xi32, #tpu.memory_space<hbm>> -> memref<80xi32, #tpu.memory_space<hbm>>
    %dma_start3A_15 = tpu.memref_slice %arg4[%mul3A_13] : memref<320000xi32, #tpu.memory_space<hbm>> -> memref<80xi32, #tpu.memory_space<hbm>>
    tpu.enqueue_dma source(%dma_start3A_15 : memref<80xi32, #tpu.memory_space<hbm>>) target(%arg11 : memref<80xi32, #tpu.memory_space<vmem>>) target_semaphore(%arg24 : memref<!tpu.dma_semaphore, #tpu.memory_space<semaphore_mem>>)
    %add3A_16 = arith.constant 32 : i32
    %add3A_17 = arith.addi %add3A_16, %add3A : i32
    %mul3A_18 = arith.constant 80 : i32
    %mul3A_19 = arith.muli %add3A_17, %mul3A_18 : i32
    %dma_start3A_20 = tpu.memref_slice %arg3[%mul3A_19] : memref<320000xi32, #tpu.memory_space<hbm>> -> memref<80xi32, #tpu.memory_space<hbm>>
    %dma_start3A_21 = tpu.memref_slice %arg3[%mul3A_19] : memref<320000xi32, #tpu.memory_space<hbm>> -> memref<80xi32, #tpu.memory_space<hbm>>
    tpu.enqueue_dma source(%dma_start3A_21 : memref<80xi32, #tpu.memory_space<hbm>>) target(%arg8 : memref<80xi32, #tpu.memory_space<vmem>>) target_semaphore(%arg25 : memref<!tpu.dma_semaphore, #tpu.memory_space<semaphore_mem>>)
    %mul3A_22 = arith.constant 80 : i32
    %mul3A_23 = arith.muli %add3A_17, %mul3A_22 : i32
    %dma_start3A_24 = tpu.memref_slice %arg4[%mul3A_23] : memref<320000xi32, #tpu.memory_space<hbm>> -> memref<80xi32, #tpu.memory_space<hbm>>
    %dma_start3A_25 = tpu.memref_slice %arg4[%mul3A_23] : memref<320000xi32, #tpu.memory_space<hbm>> -> memref<80xi32, #tpu.memory_space<hbm>>
    tpu.enqueue_dma source(%dma_start3A_25 : memref<80xi32, #tpu.memory_space<hbm>>) target(%arg12 : memref<80xi32, #tpu.memory_space<vmem>>) target_semaphore(%arg25 : memref<!tpu.dma_semaphore, #tpu.memory_space<semaphore_mem>>)
    %dma_wait3A = arith.constant 0 : i32
    %dma_wait3A_26 = tpu.memref_slice %arg3[%dma_wait3A] : memref<320000xi32, #tpu.memory_space<hbm>> -> memref<80xi32, #tpu.memory_space<hbm>>
    %dma_wait3A_27 = arith.constant 0 : i32
    %dma_wait3A_28 = tpu.memref_slice %arg3[%dma_wait3A_27] : memref<320000xi32, #tpu.memory_space<hbm>> -> memref<80xi32, #tpu.memory_space<hbm>>
    tpu.wait_dma2 semaphore(%arg24 : memref<!tpu.dma_semaphore, #tpu.memory_space<semaphore_mem>>) src(%dma_wait3A_28 : memref<80xi32, #tpu.memory_space<hbm>>) dst(%arg7 : memref<80xi32, #tpu.memory_space<vmem>>)
    %dma_wait3A_29 = arith.constant 0 : i32
    %dma_wait3A_30 = tpu.memref_slice %arg4[%dma_wait3A_29] : memref<320000xi32, #tpu.memory_space<hbm>> -> memref<80xi32, #tpu.memory_space<hbm>>
    %dma_wait3A_31 = arith.constant 0 : i32
    %dma_wait3A_32 = tpu.memref_slice %arg4[%dma_wait3A_31] : memref<320000xi32, #tpu.memory_space<hbm>> -> memref<80xi32, #tpu.memory_space<hbm>>
    tpu.wait_dma2 semaphore(%arg24 : memref<!tpu.dma_semaphore, #tpu.memory_space<semaphore_mem>>) src(%dma_wait3A_32 : memref<80xi32, #tpu.memory_space<hbm>>) dst(%arg11 : memref<80xi32, #tpu.memory_space<vmem>>)
    %dma_start3A_33 = arith.constant 0 : i32
    %dma_start3A_34 = arith.constant 0 : i32
    %dma_start3A_35 = tpu.memref_slice %arg2[%dma_start3A_33, %dma_start3A_34] : memref<10000x64xf32, #tpu.memory_space<hbm>> -> memref<10000x64xf32, #tpu.memory_space<hbm>>
    tpu.enqueue_indirect_dma source(%dma_start3A_35 : memref<10000x64xf32, #tpu.memory_space<hbm>>) target(%arg15 : memref<80x64xf32, #tpu.memory_space<vmem>>) offsets(%arg7 : memref<80xi32, #tpu.memory_space<vmem>>) semaphore(%arg20 : memref<!tpu.dma_semaphore, #tpu.memory_space<semaphore_mem>>)
    %scan3A = arith.constant 0 : i32
    %scan3A_36 = arith.constant 0 : i32
    %scan3A_37 = arith.constant 31 : i32
    %scan3A_38 = arith.addi %scan3A_36, %scan3A_37 : i32
    %scan3A_39 = arith.constant 1 : i32
    scf.for %scan3A_71 = %scan3A_36 to %scan3A_38 step %scan3A_39  : i32 {
      %mul3A_72 = arith.constant 4 : i32
      %mul3A_73 = arith.muli %scan3A_71, %mul3A_72 : i32
      %add3A_74 = arith.constant 0 : i32
      %add3A_75 = arith.addi %mul3A_73, %add3A_74 : i32
      %ge3A = arith.constant 2 : i32
      %ge3A_76 = arith.cmpi sge, %add3A_75, %ge3A : i32
      %convert_element_type3A_77 = arith.extui %ge3A_76 : i1 to i32
      %cond3A_78 = arith.constant 0 : i32
      %cond3A_79 = arith.cmpi ne, %convert_element_type3A_77, %cond3A_78 : i32
      scf.if %cond3A_79 {
        %dma_wait3A_187 = arith.constant 0 : i32
        %dma_wait3A_188 = arith.constant 0 : i32
        %dma_wait3A_189 = tpu.memref_slice %arg19[%dma_wait3A_187, %dma_wait3A_188] : memref<10000x64xf32, #tpu.memory_space<vmem_shared>> -> memref<10000x64xf32, #tpu.memory_space<vmem_shared>>
        tpu.wait_indirect_dma semaphore(%arg28 : memref<!tpu.dma_semaphore, #tpu.memory_space<semaphore_mem>>) src(%arg15 : memref<80x64xf32, #tpu.memory_space<vmem>>) dst(%dma_wait3A_189 : memref<10000x64xf32, #tpu.memory_space<vmem_shared>>)
      } else {
      }
      %add3A_80 = arith.constant 2 : i32
      %add3A_81 = arith.addi %add3A_75, %add3A_80 : i32
      %lt3A_82 = arith.constant 124 : i32
      %lt3A_83 = arith.cmpi slt, %add3A_81, %lt3A_82 : i32
      %convert_element_type3A_84 = arith.extui %lt3A_83 : i1 to i32
      %cond3A_85 = arith.constant 0 : i32
      %cond3A_86 = arith.cmpi ne, %convert_element_type3A_84, %cond3A_85 : i32
      scf.if %cond3A_86 {
        %add3A_187 = arith.constant 2 : i32
        %add3A_188 = arith.addi %add3A_75, %add3A_187 : i32
        %mul3A_189 = arith.constant 32 : i32
        %mul3A_190 = arith.muli %add3A_188, %mul3A_189 : i32
        %add3A_191 = arith.addi %mul3A_190, %add3A : i32
        %mul3A_192 = arith.constant 80 : i32
        %mul3A_193 = arith.muli %add3A_191, %mul3A_192 : i32
        %dma_start3A_194 = tpu.memref_slice %arg3[%mul3A_193] : memref<320000xi32, #tpu.memory_space<hbm>> -> memref<80xi32, #tpu.memory_space<hbm>>
        %dma_start3A_195 = tpu.memref_slice %arg3[%mul3A_193] : memref<320000xi32, #tpu.memory_space<hbm>> -> memref<80xi32, #tpu.memory_space<hbm>>
        tpu.enqueue_dma source(%dma_start3A_195 : memref<80xi32, #tpu.memory_space<hbm>>) target(%arg9 : memref<80xi32, #tpu.memory_space<vmem>>) target_semaphore(%arg26 : memref<!tpu.dma_semaphore, #tpu.memory_space<semaphore_mem>>)
        %mul3A_196 = arith.constant 80 : i32
        %mul3A_197 = arith.muli %add3A_191, %mul3A_196 : i32
        %dma_start3A_198 = tpu.memref_slice %arg4[%mul3A_197] : memref<320000xi32, #tpu.memory_space<hbm>> -> memref<80xi32, #tpu.memory_space<hbm>>
        %dma_start3A_199 = tpu.memref_slice %arg4[%mul3A_197] : memref<320000xi32, #tpu.memory_space<hbm>> -> memref<80xi32, #tpu.memory_space<hbm>>
        tpu.enqueue_dma source(%dma_start3A_199 : memref<80xi32, #tpu.memory_space<hbm>>) target(%arg13 : memref<80xi32, #tpu.memory_space<vmem>>) target_semaphore(%arg26 : memref<!tpu.dma_semaphore, #tpu.memory_space<semaphore_mem>>)
      } else {
      }
      %add3A_87 = arith.constant 1 : i32
      %add3A_88 = arith.addi %add3A_75, %add3A_87 : i32
      %lt3A_89 = arith.constant 124 : i32
      %lt3A_90 = arith.cmpi slt, %add3A_88, %lt3A_89 : i32
      %convert_element_type3A_91 = arith.extui %lt3A_90 : i1 to i32
      %cond3A_92 = arith.constant 0 : i32
      %cond3A_93 = arith.cmpi ne, %convert_element_type3A_91, %cond3A_92 : i32
      scf.if %cond3A_93 {
        %dma_wait3A_187 = arith.constant 0 : i32
        %dma_wait3A_188 = tpu.memref_slice %arg3[%dma_wait3A_187] : memref<320000xi32, #tpu.memory_space<hbm>> -> memref<80xi32, #tpu.memory_space<hbm>>
        %dma_wait3A_189 = arith.constant 0 : i32
        %dma_wait3A_190 = tpu.memref_slice %arg3[%dma_wait3A_189] : memref<320000xi32, #tpu.memory_space<hbm>> -> memref<80xi32, #tpu.memory_space<hbm>>
        tpu.wait_dma2 semaphore(%arg25 : memref<!tpu.dma_semaphore, #tpu.memory_space<semaphore_mem>>) src(%dma_wait3A_190 : memref<80xi32, #tpu.memory_space<hbm>>) dst(%arg8 : memref<80xi32, #tpu.memory_space<vmem>>)
        %dma_wait3A_191 = arith.constant 0 : i32
        %dma_wait3A_192 = tpu.memref_slice %arg4[%dma_wait3A_191] : memref<320000xi32, #tpu.memory_space<hbm>> -> memref<80xi32, #tpu.memory_space<hbm>>
        %dma_wait3A_193 = arith.constant 0 : i32
        %dma_wait3A_194 = tpu.memref_slice %arg4[%dma_wait3A_193] : memref<320000xi32, #tpu.memory_space<hbm>> -> memref<80xi32, #tpu.memory_space<hbm>>
        tpu.wait_dma2 semaphore(%arg25 : memref<!tpu.dma_semaphore, #tpu.memory_space<semaphore_mem>>) src(%dma_wait3A_194 : memref<80xi32, #tpu.memory_space<hbm>>) dst(%arg12 : memref<80xi32, #tpu.memory_space<vmem>>)
        %dma_start3A_195 = arith.constant 0 : i32
        %dma_start3A_196 = arith.constant 0 : i32
        %dma_start3A_197 = tpu.memref_slice %arg2[%dma_start3A_195, %dma_start3A_196] : memref<10000x64xf32, #tpu.memory_space<hbm>> -> memref<10000x64xf32, #tpu.memory_space<hbm>>
        tpu.enqueue_indirect_dma source(%dma_start3A_197 : memref<10000x64xf32, #tpu.memory_space<hbm>>) target(%arg16 : memref<80x64xf32, #tpu.memory_space<vmem>>) offsets(%arg8 : memref<80xi32, #tpu.memory_space<vmem>>) semaphore(%arg21 : memref<!tpu.dma_semaphore, #tpu.memory_space<semaphore_mem>>)
      } else {
      }
      %dma_wait3A_94 = arith.constant 0 : i32
      %dma_wait3A_95 = arith.constant 0 : i32
      %dma_wait3A_96 = tpu.memref_slice %arg2[%dma_wait3A_94, %dma_wait3A_95] : memref<10000x64xf32, #tpu.memory_space<hbm>> -> memref<10000x64xf32, #tpu.memory_space<hbm>>
      tpu.wait_indirect_dma semaphore(%arg20 : memref<!tpu.dma_semaphore, #tpu.memory_space<semaphore_mem>>) src(%dma_wait3A_96 : memref<10000x64xf32, #tpu.memory_space<hbm>>) dst(%arg15 : memref<80x64xf32, #tpu.memory_space<vmem>>)
      %dma_start3A_97 = arith.constant 0 : i32
      %dma_start3A_98 = arith.constant 0 : i32
      %dma_start3A_99 = tpu.memref_slice %arg19[%dma_start3A_97, %dma_start3A_98] : memref<10000x64xf32, #tpu.memory_space<vmem_shared>> -> memref<10000x64xf32, #tpu.memory_space<vmem_shared>>
      tpu.enqueue_indirect_dma source(%arg15 : memref<80x64xf32, #tpu.memory_space<vmem>>) target(%dma_start3A_99 : memref<10000x64xf32, #tpu.memory_space<vmem_shared>>) offsets(%arg11 : memref<80xi32, #tpu.memory_space<vmem>>) semaphore(%arg28 : memref<!tpu.dma_semaphore, #tpu.memory_space<semaphore_mem>>) {add = true}
      %mul3A_100 = arith.constant 4 : i32
      %mul3A_101 = arith.muli %scan3A_71, %mul3A_100 : i32
      %add3A_102 = arith.constant 1 : i32
      %add3A_103 = arith.addi %mul3A_101, %add3A_102 : i32
      %ge3A_104 = arith.constant 2 : i32
      %ge3A_105 = arith.cmpi sge, %add3A_103, %ge3A_104 : i32
      %convert_element_type3A_106 = arith.extui %ge3A_105 : i1 to i32
      %cond3A_107 = arith.constant 0 : i32
      %cond3A_108 = arith.cmpi ne, %convert_element_type3A_106, %cond3A_107 : i32
      scf.if %cond3A_108 {
        %dma_wait3A_187 = arith.constant 0 : i32
        %dma_wait3A_188 = arith.constant 0 : i32
        %dma_wait3A_189 = tpu.memref_slice %arg19[%dma_wait3A_187, %dma_wait3A_188] : memref<10000x64xf32, #tpu.memory_space<vmem_shared>> -> memref<10000x64xf32, #tpu.memory_space<vmem_shared>>
        tpu.wait_indirect_dma semaphore(%arg29 : memref<!tpu.dma_semaphore, #tpu.memory_space<semaphore_mem>>) src(%arg16 : memref<80x64xf32, #tpu.memory_space<vmem>>) dst(%dma_wait3A_189 : memref<10000x64xf32, #tpu.memory_space<vmem_shared>>)
      } else {
      }
      %add3A_109 = arith.constant 2 : i32
      %add3A_110 = arith.addi %add3A_103, %add3A_109 : i32
      %lt3A_111 = arith.constant 124 : i32
      %lt3A_112 = arith.cmpi slt, %add3A_110, %lt3A_111 : i32
      %convert_element_type3A_113 = arith.extui %lt3A_112 : i1 to i32
      %cond3A_114 = arith.constant 0 : i32
      %cond3A_115 = arith.cmpi ne, %convert_element_type3A_113, %cond3A_114 : i32
      scf.if %cond3A_115 {
        %add3A_187 = arith.constant 2 : i32
        %add3A_188 = arith.addi %add3A_103, %add3A_187 : i32
        %mul3A_189 = arith.constant 32 : i32
        %mul3A_190 = arith.muli %add3A_188, %mul3A_189 : i32
        %add3A_191 = arith.addi %mul3A_190, %add3A : i32
        %mul3A_192 = arith.constant 80 : i32
        %mul3A_193 = arith.muli %add3A_191, %mul3A_192 : i32
        %dma_start3A_194 = tpu.memref_slice %arg3[%mul3A_193] : memref<320000xi32, #tpu.memory_space<hbm>> -> memref<80xi32, #tpu.memory_space<hbm>>
        %dma_start3A_195 = tpu.memref_slice %arg3[%mul3A_193] : memref<320000xi32, #tpu.memory_space<hbm>> -> memref<80xi32, #tpu.memory_space<hbm>>
        tpu.enqueue_dma source(%dma_start3A_195 : memref<80xi32, #tpu.memory_space<hbm>>) target(%arg10 : memref<80xi32, #tpu.memory_space<vmem>>) target_semaphore(%arg27 : memref<!tpu.dma_semaphore, #tpu.memory_space<semaphore_mem>>)
        %mul3A_196 = arith.constant 80 : i32
        %mul3A_197 = arith.muli %add3A_191, %mul3A_196 : i32
        %dma_start3A_198 = tpu.memref_slice %arg4[%mul3A_197] : memref<320000xi32, #tpu.memory_space<hbm>> -> memref<80xi32, #tpu.memory_space<hbm>>
        %dma_start3A_199 = tpu.memref_slice %arg4[%mul3A_197] : memref<320000xi32, #tpu.memory_space<hbm>> -> memref<80xi32, #tpu.memory_space<hbm>>
        tpu.enqueue_dma source(%dma_start3A_199 : memref<80xi32, #tpu.memory_space<hbm>>) target(%arg14 : memref<80xi32, #tpu.memory_space<vmem>>) target_semaphore(%arg27 : memref<!tpu.dma_semaphore, #tpu.memory_space<semaphore_mem>>)
      } else {
      }
      %add3A_116 = arith.constant 1 : i32
      %add3A_117 = arith.addi %add3A_103, %add3A_116 : i32
      %lt3A_118 = arith.constant 124 : i32
      %lt3A_119 = arith.cmpi slt, %add3A_117, %lt3A_118 : i32
      %convert_element_type3A_120 = arith.extui %lt3A_119 : i1 to i32
      %cond3A_121 = arith.constant 0 : i32
      %cond3A_122 = arith.cmpi ne, %convert_element_type3A_120, %cond3A_121 : i32
      scf.if %cond3A_122 {
        %dma_wait3A_187 = arith.constant 0 : i32
        %dma_wait3A_188 = tpu.memref_slice %arg3[%dma_wait3A_187] : memref<320000xi32, #tpu.memory_space<hbm>> -> memref<80xi32, #tpu.memory_space<hbm>>
        %dma_wait3A_189 = arith.constant 0 : i32
        %dma_wait3A_190 = tpu.memref_slice %arg3[%dma_wait3A_189] : memref<320000xi32, #tpu.memory_space<hbm>> -> memref<80xi32, #tpu.memory_space<hbm>>
        tpu.wait_dma2 semaphore(%arg26 : memref<!tpu.dma_semaphore, #tpu.memory_space<semaphore_mem>>) src(%dma_wait3A_190 : memref<80xi32, #tpu.memory_space<hbm>>) dst(%arg9 : memref<80xi32, #tpu.memory_space<vmem>>)
        %dma_wait3A_191 = arith.constant 0 : i32
        %dma_wait3A_192 = tpu.memref_slice %arg4[%dma_wait3A_191] : memref<320000xi32, #tpu.memory_space<hbm>> -> memref<80xi32, #tpu.memory_space<hbm>>
        %dma_wait3A_193 = arith.constant 0 : i32
        %dma_wait3A_194 = tpu.memref_slice %arg4[%dma_wait3A_193] : memref<320000xi32, #tpu.memory_space<hbm>> -> memref<80xi32, #tpu.memory_space<hbm>>
        tpu.wait_dma2 semaphore(%arg26 : memref<!tpu.dma_semaphore, #tpu.memory_space<semaphore_mem>>) src(%dma_wait3A_194 : memref<80xi32, #tpu.memory_space<hbm>>) dst(%arg13 : memref<80xi32, #tpu.memory_space<vmem>>)
        %dma_start3A_195 = arith.constant 0 : i32
        %dma_start3A_196 = arith.constant 0 : i32
        %dma_start3A_197 = tpu.memref_slice %arg2[%dma_start3A_195, %dma_start3A_196] : memref<10000x64xf32, #tpu.memory_space<hbm>> -> memref<10000x64xf32, #tpu.memory_space<hbm>>
        tpu.enqueue_indirect_dma source(%dma_start3A_197 : memref<10000x64xf32, #tpu.memory_space<hbm>>) target(%arg17 : memref<80x64xf32, #tpu.memory_space<vmem>>) offsets(%arg9 : memref<80xi32, #tpu.memory_space<vmem>>) semaphore(%arg22 : memref<!tpu.dma_semaphore, #tpu.memory_space<semaphore_mem>>)
      } else {
      }
      %dma_wait3A_123 = arith.constant 0 : i32
      %dma_wait3A_124 = arith.constant 0 : i32
      %dma_wait3A_125 = tpu.memref_slice %arg2[%dma_wait3A_123, %dma_wait3A_124] : memref<10000x64xf32, #tpu.memory_space<hbm>> -> memref<10000x64xf32, #tpu.memory_space<hbm>>
      tpu.wait_indirect_dma semaphore(%arg21 : memref<!tpu.dma_semaphore, #tpu.memory_space<semaphore_mem>>) src(%dma_wait3A_125 : memref<10000x64xf32, #tpu.memory_space<hbm>>) dst(%arg16 : memref<80x64xf32, #tpu.memory_space<vmem>>)
      %dma_start3A_126 = arith.constant 0 : i32
      %dma_start3A_127 = arith.constant 0 : i32
      %dma_start3A_128 = tpu.memref_slice %arg19[%dma_start3A_126, %dma_start3A_127] : memref<10000x64xf32, #tpu.memory_space<vmem_shared>> -> memref<10000x64xf32, #tpu.memory_space<vmem_shared>>
      tpu.enqueue_indirect_dma source(%arg16 : memref<80x64xf32, #tpu.memory_space<vmem>>) target(%dma_start3A_128 : memref<10000x64xf32, #tpu.memory_space<vmem_shared>>) offsets(%arg12 : memref<80xi32, #tpu.memory_space<vmem>>) semaphore(%arg29 : memref<!tpu.dma_semaphore, #tpu.memory_space<semaphore_mem>>) {add = true}
      %mul3A_129 = arith.constant 4 : i32
      %mul3A_130 = arith.muli %scan3A_71, %mul3A_129 : i32
      %add3A_131 = arith.constant 2 : i32
      %add3A_132 = arith.addi %mul3A_130, %add3A_131 : i32
      %ge3A_133 = arith.constant 2 : i32
      %ge3A_134 = arith.cmpi sge, %add3A_132, %ge3A_133 : i32
      %convert_element_type3A_135 = arith.extui %ge3A_134 : i1 to i32
      %cond3A_136 = arith.constant 0 : i32
      %cond3A_137 = arith.cmpi ne, %convert_element_type3A_135, %cond3A_136 : i32
      scf.if %cond3A_137 {
        %dma_wait3A_187 = arith.constant 0 : i32
        %dma_wait3A_188 = arith.constant 0 : i32
        %dma_wait3A_189 = tpu.memref_slice %arg19[%dma_wait3A_187, %dma_wait3A_188] : memref<10000x64xf32, #tpu.memory_space<vmem_shared>> -> memref<10000x64xf32, #tpu.memory_space<vmem_shared>>
        tpu.wait_indirect_dma semaphore(%arg28 : memref<!tpu.dma_semaphore, #tpu.memory_space<semaphore_mem>>) src(%arg15 : memref<80x64xf32, #tpu.memory_space<vmem>>) dst(%dma_wait3A_189 : memref<10000x64xf32, #tpu.memory_space<vmem_shared>>)
      } else {
      }
      %add3A_138 = arith.constant 2 : i32
      %add3A_139 = arith.addi %add3A_132, %add3A_138 : i32
      %lt3A_140 = arith.constant 124 : i32
      %lt3A_141 = arith.cmpi slt, %add3A_139, %lt3A_140 : i32
      %convert_element_type3A_142 = arith.extui %lt3A_141 : i1 to i32
      %cond3A_143 = arith.constant 0 : i32
      %cond3A_144 = arith.cmpi ne, %convert_element_type3A_142, %cond3A_143 : i32
      scf.if %cond3A_144 {
        %add3A_187 = arith.constant 2 : i32
        %add3A_188 = arith.addi %add3A_132, %add3A_187 : i32
        %mul3A_189 = arith.constant 32 : i32
        %mul3A_190 = arith.muli %add3A_188, %mul3A_189 : i32
        %add3A_191 = arith.addi %mul3A_190, %add3A : i32
        %mul3A_192 = arith.constant 80 : i32
        %mul3A_193 = arith.muli %add3A_191, %mul3A_192 : i32
        %dma_start3A_194 = tpu.memref_slice %arg3[%mul3A_193] : memref<320000xi32, #tpu.memory_space<hbm>> -> memref<80xi32, #tpu.memory_space<hbm>>
        %dma_start3A_195 = tpu.memref_slice %arg3[%mul3A_193] : memref<320000xi32, #tpu.memory_space<hbm>> -> memref<80xi32, #tpu.memory_space<hbm>>
        tpu.enqueue_dma source(%dma_start3A_195 : memref<80xi32, #tpu.memory_space<hbm>>) target(%arg7 : memref<80xi32, #tpu.memory_space<vmem>>) target_semaphore(%arg24 : memref<!tpu.dma_semaphore, #tpu.memory_space<semaphore_mem>>)
        %mul3A_196 = arith.constant 80 : i32
        %mul3A_197 = arith.muli %add3A_191, %mul3A_196 : i32
        %dma_start3A_198 = tpu.memref_slice %arg4[%mul3A_197] : memref<320000xi32, #tpu.memory_space<hbm>> -> memref<80xi32, #tpu.memory_space<hbm>>
        %dma_start3A_199 = tpu.memref_slice %arg4[%mul3A_197] : memref<320000xi32, #tpu.memory_space<hbm>> -> memref<80xi32, #tpu.memory_space<hbm>>
        tpu.enqueue_dma source(%dma_start3A_199 : memref<80xi32, #tpu.memory_space<hbm>>) target(%arg11 : memref<80xi32, #tpu.memory_space<vmem>>) target_semaphore(%arg24 : memref<!tpu.dma_semaphore, #tpu.memory_space<semaphore_mem>>)
      } else {
      }
      %add3A_145 = arith.constant 1 : i32
      %add3A_146 = arith.addi %add3A_132, %add3A_145 : i32
      %lt3A_147 = arith.constant 124 : i32
      %lt3A_148 = arith.cmpi slt, %add3A_146, %lt3A_147 : i32
      %convert_element_type3A_149 = arith.extui %lt3A_148 : i1 to i32
      %cond3A_150 = arith.constant 0 : i32
      %cond3A_151 = arith.cmpi ne, %convert_element_type3A_149, %cond3A_150 : i32
      scf.if %cond3A_151 {
        %dma_wait3A_187 = arith.constant 0 : i32
        %dma_wait3A_188 = tpu.memref_slice %arg3[%dma_wait3A_187] : memref<320000xi32, #tpu.memory_space<hbm>> -> memref<80xi32, #tpu.memory_space<hbm>>
        %dma_wait3A_189 = arith.constant 0 : i32
        %dma_wait3A_190 = tpu.memref_slice %arg3[%dma_wait3A_189] : memref<320000xi32, #tpu.memory_space<hbm>> -> memref<80xi32, #tpu.memory_space<hbm>>
        tpu.wait_dma2 semaphore(%arg27 : memref<!tpu.dma_semaphore, #tpu.memory_space<semaphore_mem>>) src(%dma_wait3A_190 : memref<80xi32, #tpu.memory_space<hbm>>) dst(%arg10 : memref<80xi32, #tpu.memory_space<vmem>>)
        %dma_wait3A_191 = arith.constant 0 : i32
        %dma_wait3A_192 = tpu.memref_slice %arg4[%dma_wait3A_191] : memref<320000xi32, #tpu.memory_space<hbm>> -> memref<80xi32, #tpu.memory_space<hbm>>
        %dma_wait3A_193 = arith.constant 0 : i32
        %dma_wait3A_194 = tpu.memref_slice %arg4[%dma_wait3A_193] : memref<320000xi32, #tpu.memory_space<hbm>> -> memref<80xi32, #tpu.memory_space<hbm>>
        tpu.wait_dma2 semaphore(%arg27 : memref<!tpu.dma_semaphore, #tpu.memory_space<semaphore_mem>>) src(%dma_wait3A_194 : memref<80xi32, #tpu.memory_space<hbm>>) dst(%arg14 : memref<80xi32, #tpu.memory_space<vmem>>)
        %dma_start3A_195 = arith.constant 0 : i32
        %dma_start3A_196 = arith.constant 0 : i32
        %dma_start3A_197 = tpu.memref_slice %arg2[%dma_start3A_195, %dma_start3A_196] : memref<10000x64xf32, #tpu.memory_space<hbm>> -> memref<10000x64xf32, #tpu.memory_space<hbm>>
        tpu.enqueue_indirect_dma source(%dma_start3A_197 : memref<10000x64xf32, #tpu.memory_space<hbm>>) target(%arg18 : memref<80x64xf32, #tpu.memory_space<vmem>>) offsets(%arg10 : memref<80xi32, #tpu.memory_space<vmem>>) semaphore(%arg23 : memref<!tpu.dma_semaphore, #tpu.memory_space<semaphore_mem>>)
      } else {
      }
      %dma_wait3A_152 = arith.constant 0 : i32
      %dma_wait3A_153 = arith.constant 0 : i32
      %dma_wait3A_154 = tpu.memref_slice %arg2[%dma_wait3A_152, %dma_wait3A_153] : memref<10000x64xf32, #tpu.memory_space<hbm>> -> memref<10000x64xf32, #tpu.memory_space<hbm>>
      tpu.wait_indirect_dma semaphore(%arg22 : memref<!tpu.dma_semaphore, #tpu.memory_space<semaphore_mem>>) src(%dma_wait3A_154 : memref<10000x64xf32, #tpu.memory_space<hbm>>) dst(%arg17 : memref<80x64xf32, #tpu.memory_space<vmem>>)
      %dma_start3A_155 = arith.constant 0 : i32
      %dma_start3A_156 = arith.constant 0 : i32
      %dma_start3A_157 = tpu.memref_slice %arg19[%dma_start3A_155, %dma_start3A_156] : memref<10000x64xf32, #tpu.memory_space<vmem_shared>> -> memref<10000x64xf32, #tpu.memory_space<vmem_shared>>
      tpu.enqueue_indirect_dma source(%arg17 : memref<80x64xf32, #tpu.memory_space<vmem>>) target(%dma_start3A_157 : memref<10000x64xf32, #tpu.memory_space<vmem_shared>>) offsets(%arg13 : memref<80xi32, #tpu.memory_space<vmem>>) semaphore(%arg28 : memref<!tpu.dma_semaphore, #tpu.memory_space<semaphore_mem>>) {add = true}
      %mul3A_158 = arith.constant 4 : i32
      %mul3A_159 = arith.muli %scan3A_71, %mul3A_158 : i32
      %add3A_160 = arith.constant 3 : i32
      %add3A_161 = arith.addi %mul3A_159, %add3A_160 : i32
      %ge3A_162 = arith.constant 2 : i32
      %ge3A_163 = arith.cmpi sge, %add3A_161, %ge3A_162 : i32
      %convert_element_type3A_164 = arith.extui %ge3A_163 : i1 to i32
      %cond3A_165 = arith.constant 0 : i32
      %cond3A_166 = arith.cmpi ne, %convert_element_type3A_164, %cond3A_165 : i32
      scf.if %cond3A_166 {
        %dma_wait3A_187 = arith.constant 0 : i32
        %dma_wait3A_188 = arith.constant 0 : i32
        %dma_wait3A_189 = tpu.memref_slice %arg19[%dma_wait3A_187, %dma_wait3A_188] : memref<10000x64xf32, #tpu.memory_space<vmem_shared>> -> memref<10000x64xf32, #tpu.memory_space<vmem_shared>>
        tpu.wait_indirect_dma semaphore(%arg29 : memref<!tpu.dma_semaphore, #tpu.memory_space<semaphore_mem>>) src(%arg16 : memref<80x64xf32, #tpu.memory_space<vmem>>) dst(%dma_wait3A_189 : memref<10000x64xf32, #tpu.memory_space<vmem_shared>>)
      } else {
      }
      %add3A_167 = arith.constant 2 : i32
      %add3A_168 = arith.addi %add3A_161, %add3A_167 : i32
      %lt3A_169 = arith.constant 124 : i32
      %lt3A_170 = arith.cmpi slt, %add3A_168, %lt3A_169 : i32
      %convert_element_type3A_171 = arith.extui %lt3A_170 : i1 to i32
      %cond3A_172 = arith.constant 0 : i32
      %cond3A_173 = arith.cmpi ne, %convert_element_type3A_171, %cond3A_172 : i32
      scf.if %cond3A_173 {
        %add3A_187 = arith.constant 2 : i32
        %add3A_188 = arith.addi %add3A_161, %add3A_187 : i32
        %mul3A_189 = arith.constant 32 : i32
        %mul3A_190 = arith.muli %add3A_188, %mul3A_189 : i32
        %add3A_191 = arith.addi %mul3A_190, %add3A : i32
        %mul3A_192 = arith.constant 80 : i32
        %mul3A_193 = arith.muli %add3A_191, %mul3A_192 : i32
        %dma_start3A_194 = tpu.memref_slice %arg3[%mul3A_193] : memref<320000xi32, #tpu.memory_space<hbm>> -> memref<80xi32, #tpu.memory_space<hbm>>
        %dma_start3A_195 = tpu.memref_slice %arg3[%mul3A_193] : memref<320000xi32, #tpu.memory_space<hbm>> -> memref<80xi32, #tpu.memory_space<hbm>>
        tpu.enqueue_dma source(%dma_start3A_195 : memref<80xi32, #tpu.memory_space<hbm>>) target(%arg8 : memref<80xi32, #tpu.memory_space<vmem>>) target_semaphore(%arg25 : memref<!tpu.dma_semaphore, #tpu.memory_space<semaphore_mem>>)
        %mul3A_196 = arith.constant 80 : i32
        %mul3A_197 = arith.muli %add3A_191, %mul3A_196 : i32
        %dma_start3A_198 = tpu.memref_slice %arg4[%mul3A_197] : memref<320000xi32, #tpu.memory_space<hbm>> -> memref<80xi32, #tpu.memory_space<hbm>>
        %dma_start3A_199 = tpu.memref_slice %arg4[%mul3A_197] : memref<320000xi32, #tpu.memory_space<hbm>> -> memref<80xi32, #tpu.memory_space<hbm>>
        tpu.enqueue_dma source(%dma_start3A_199 : memref<80xi32, #tpu.memory_space<hbm>>) target(%arg12 : memref<80xi32, #tpu.memory_space<vmem>>) target_semaphore(%arg25 : memref<!tpu.dma_semaphore, #tpu.memory_space<semaphore_mem>>)
      } else {
      }
      %add3A_174 = arith.constant 1 : i32
      %add3A_175 = arith.addi %add3A_161, %add3A_174 : i32
      %lt3A_176 = arith.constant 124 : i32
      %lt3A_177 = arith.cmpi slt, %add3A_175, %lt3A_176 : i32
      %convert_element_type3A_178 = arith.extui %lt3A_177 : i1 to i32
      %cond3A_179 = arith.constant 0 : i32
      %cond3A_180 = arith.cmpi ne, %convert_element_type3A_178, %cond3A_179 : i32
      scf.if %cond3A_180 {
        %dma_wait3A_187 = arith.constant 0 : i32
        %dma_wait3A_188 = tpu.memref_slice %arg3[%dma_wait3A_187] : memref<320000xi32, #tpu.memory_space<hbm>> -> memref<80xi32, #tpu.memory_space<hbm>>
        %dma_wait3A_189 = arith.constant 0 : i32
        %dma_wait3A_190 = tpu.memref_slice %arg3[%dma_wait3A_189] : memref<320000xi32, #tpu.memory_space<hbm>> -> memref<80xi32, #tpu.memory_space<hbm>>
        tpu.wait_dma2 semaphore(%arg24 : memref<!tpu.dma_semaphore, #tpu.memory_space<semaphore_mem>>) src(%dma_wait3A_190 : memref<80xi32, #tpu.memory_space<hbm>>) dst(%arg7 : memref<80xi32, #tpu.memory_space<vmem>>)
        %dma_wait3A_191 = arith.constant 0 : i32
        %dma_wait3A_192 = tpu.memref_slice %arg4[%dma_wait3A_191] : memref<320000xi32, #tpu.memory_space<hbm>> -> memref<80xi32, #tpu.memory_space<hbm>>
        %dma_wait3A_193 = arith.constant 0 : i32
        %dma_wait3A_194 = tpu.memref_slice %arg4[%dma_wait3A_193] : memref<320000xi32, #tpu.memory_space<hbm>> -> memref<80xi32, #tpu.memory_space<hbm>>
        tpu.wait_dma2 semaphore(%arg24 : memref<!tpu.dma_semaphore, #tpu.memory_space<semaphore_mem>>) src(%dma_wait3A_194 : memref<80xi32, #tpu.memory_space<hbm>>) dst(%arg11 : memref<80xi32, #tpu.memory_space<vmem>>)
        %dma_start3A_195 = arith.constant 0 : i32
        %dma_start3A_196 = arith.constant 0 : i32
        %dma_start3A_197 = tpu.memref_slice %arg2[%dma_start3A_195, %dma_start3A_196] : memref<10000x64xf32, #tpu.memory_space<hbm>> -> memref<10000x64xf32, #tpu.memory_space<hbm>>
        tpu.enqueue_indirect_dma source(%dma_start3A_197 : memref<10000x64xf32, #tpu.memory_space<hbm>>) target(%arg15 : memref<80x64xf32, #tpu.memory_space<vmem>>) offsets(%arg7 : memref<80xi32, #tpu.memory_space<vmem>>) semaphore(%arg20 : memref<!tpu.dma_semaphore, #tpu.memory_space<semaphore_mem>>)
      } else {
      }
      %dma_wait3A_181 = arith.constant 0 : i32
      %dma_wait3A_182 = arith.constant 0 : i32
      %dma_wait3A_183 = tpu.memref_slice %arg2[%dma_wait3A_181, %dma_wait3A_182] : memref<10000x64xf32, #tpu.memory_space<hbm>> -> memref<10000x64xf32, #tpu.memory_space<hbm>>
      tpu.wait_indirect_dma semaphore(%arg23 : memref<!tpu.dma_semaphore, #tpu.memory_space<semaphore_mem>>) src(%dma_wait3A_183 : memref<10000x64xf32, #tpu.memory_space<hbm>>) dst(%arg18 : memref<80x64xf32, #tpu.memory_space<vmem>>)
      %dma_start3A_184 = arith.constant 0 : i32
      %dma_start3A_185 = arith.constant 0 : i32
      %dma_start3A_186 = tpu.memref_slice %arg19[%dma_start3A_184, %dma_start3A_185] : memref<10000x64xf32, #tpu.memory_space<vmem_shared>> -> memref<10000x64xf32, #tpu.memory_space<vmem_shared>>
      tpu.enqueue_indirect_dma source(%arg18 : memref<80x64xf32, #tpu.memory_space<vmem>>) target(%dma_start3A_186 : memref<10000x64xf32, #tpu.memory_space<vmem_shared>>) offsets(%arg14 : memref<80xi32, #tpu.memory_space<vmem>>) semaphore(%arg29 : memref<!tpu.dma_semaphore, #tpu.memory_space<semaphore_mem>>) {add = true}
    }
    %scan3A_40 = arith.constant 31 : i32
    %dma_wait3A_41 = arith.constant 0 : i32
    %dma_wait3A_42 = arith.constant 0 : i32
    %dma_wait3A_43 = tpu.memref_slice %arg19[%dma_wait3A_41, %dma_wait3A_42] : memref<10000x64xf32, #tpu.memory_space<vmem_shared>> -> memref<10000x64xf32, #tpu.memory_space<vmem_shared>>
    tpu.wait_indirect_dma semaphore(%arg28 : memref<!tpu.dma_semaphore, #tpu.memory_space<semaphore_mem>>) src(%arg15 : memref<80x64xf32, #tpu.memory_space<vmem>>) dst(%dma_wait3A_43 : memref<10000x64xf32, #tpu.memory_space<vmem_shared>>)
    %dma_wait3A_44 = arith.constant 0 : i32
    %dma_wait3A_45 = arith.constant 0 : i32
    %dma_wait3A_46 = tpu.memref_slice %arg19[%dma_wait3A_44, %dma_wait3A_45] : memref<10000x64xf32, #tpu.memory_space<vmem_shared>> -> memref<10000x64xf32, #tpu.memory_space<vmem_shared>>
    tpu.wait_indirect_dma semaphore(%arg29 : memref<!tpu.dma_semaphore, #tpu.memory_space<semaphore_mem>>) src(%arg16 : memref<80x64xf32, #tpu.memory_space<vmem>>) dst(%dma_wait3A_46 : memref<10000x64xf32, #tpu.memory_space<vmem_shared>>)
    %scan3A_47 = arith.constant 0 : i32
    %scan3A_48 = arith.constant 0 : i32
    %add3A_49 = arith.constant 124 : i32
    %add3A_50 = arith.addi %add3A_49, %scan3A_48 : i32
    %mul3A_51 = arith.constant 32 : i32
    %mul3A_52 = arith.muli %add3A_50, %mul3A_51 : i32
    %add3A_53 = arith.addi %mul3A_52, %add3A : i32
    %lt3A_54 = arith.constant 4000 : i32
    %lt3A_55 = arith.cmpi slt, %add3A_53, %lt3A_54 : i32
    %convert_element_type3A_56 = arith.extui %lt3A_55 : i1 to i32
    %cond3A_57 = arith.constant 0 : i32
    %cond3A_58 = arith.cmpi ne, %convert_element_type3A_56, %cond3A_57 : i32
    scf.if %cond3A_58 {
      %mul3A_71 = arith.constant 80 : i32
      %mul3A_72 = arith.muli %add3A_53, %mul3A_71 : i32
      %dma_start3A_73 = tpu.memref_slice %arg3[%mul3A_72] : memref<320000xi32, #tpu.memory_space<hbm>> -> memref<80xi32, #tpu.memory_space<hbm>>
      %dma_start3A_74 = tpu.memref_slice %arg3[%mul3A_72] : memref<320000xi32, #tpu.memory_space<hbm>> -> memref<80xi32, #tpu.memory_space<hbm>>
      tpu.enqueue_dma source(%dma_start3A_74 : memref<80xi32, #tpu.memory_space<hbm>>) target(%arg7 : memref<80xi32, #tpu.memory_space<vmem>>) target_semaphore(%arg24 : memref<!tpu.dma_semaphore, #tpu.memory_space<semaphore_mem>>)
      %mul3A_75 = arith.constant 80 : i32
      %mul3A_76 = arith.muli %add3A_53, %mul3A_75 : i32
      %dma_start3A_77 = tpu.memref_slice %arg4[%mul3A_76] : memref<320000xi32, #tpu.memory_space<hbm>> -> memref<80xi32, #tpu.memory_space<hbm>>
      %dma_start3A_78 = tpu.memref_slice %arg4[%mul3A_76] : memref<320000xi32, #tpu.memory_space<hbm>> -> memref<80xi32, #tpu.memory_space<hbm>>
      tpu.enqueue_dma source(%dma_start3A_78 : memref<80xi32, #tpu.memory_space<hbm>>) target(%arg11 : memref<80xi32, #tpu.memory_space<vmem>>) target_semaphore(%arg24 : memref<!tpu.dma_semaphore, #tpu.memory_space<semaphore_mem>>)
      %dma_wait3A_79 = tpu.memref_slice %arg3[%mul3A_72] : memref<320000xi32, #tpu.memory_space<hbm>> -> memref<80xi32, #tpu.memory_space<hbm>>
      %dma_wait3A_80 = tpu.memref_slice %arg3[%mul3A_72] : memref<320000xi32, #tpu.memory_space<hbm>> -> memref<80xi32, #tpu.memory_space<hbm>>
      tpu.wait_dma2 semaphore(%arg24 : memref<!tpu.dma_semaphore, #tpu.memory_space<semaphore_mem>>) src(%dma_wait3A_80 : memref<80xi32, #tpu.memory_space<hbm>>) dst(%arg7 : memref<80xi32, #tpu.memory_space<vmem>>)
      %dma_wait3A_81 = tpu.memref_slice %arg4[%mul3A_76] : memref<320000xi32, #tpu.memory_space<hbm>> -> memref<80xi32, #tpu.memory_space<hbm>>
      %dma_wait3A_82 = tpu.memref_slice %arg4[%mul3A_76] : memref<320000xi32, #tpu.memory_space<hbm>> -> memref<80xi32, #tpu.memory_space<hbm>>
      tpu.wait_dma2 semaphore(%arg24 : memref<!tpu.dma_semaphore, #tpu.memory_space<semaphore_mem>>) src(%dma_wait3A_82 : memref<80xi32, #tpu.memory_space<hbm>>) dst(%arg11 : memref<80xi32, #tpu.memory_space<vmem>>)
      %dma_start3A_83 = arith.constant 0 : i32
      %dma_start3A_84 = arith.constant 0 : i32
      %dma_start3A_85 = tpu.memref_slice %arg2[%dma_start3A_83, %dma_start3A_84] : memref<10000x64xf32, #tpu.memory_space<hbm>> -> memref<10000x64xf32, #tpu.memory_space<hbm>>
      tpu.enqueue_indirect_dma source(%dma_start3A_85 : memref<10000x64xf32, #tpu.memory_space<hbm>>) target(%arg15 : memref<80x64xf32, #tpu.memory_space<vmem>>) offsets(%arg7 : memref<80xi32, #tpu.memory_space<vmem>>) semaphore(%arg20 : memref<!tpu.dma_semaphore, #tpu.memory_space<semaphore_mem>>)
      %dma_wait3A_86 = arith.constant 0 : i32
      %dma_wait3A_87 = arith.constant 0 : i32
      %dma_wait3A_88 = tpu.memref_slice %arg2[%dma_wait3A_86, %dma_wait3A_87] : memref<10000x64xf32, #tpu.memory_space<hbm>> -> memref<10000x64xf32, #tpu.memory_space<hbm>>
      tpu.wait_indirect_dma semaphore(%arg20 : memref<!tpu.dma_semaphore, #tpu.memory_space<semaphore_mem>>) src(%dma_wait3A_88 : memref<10000x64xf32, #tpu.memory_space<hbm>>) dst(%arg15 : memref<80x64xf32, #tpu.memory_space<vmem>>)
      %dma_start3A_89 = arith.constant 0 : i32
      %dma_start3A_90 = arith.constant 0 : i32
      %dma_start3A_91 = tpu.memref_slice %arg19[%dma_start3A_89, %dma_start3A_90] : memref<10000x64xf32, #tpu.memory_space<vmem_shared>> -> memref<10000x64xf32, #tpu.memory_space<vmem_shared>>
      tpu.enqueue_indirect_dma source(%arg15 : memref<80x64xf32, #tpu.memory_space<vmem>>) target(%dma_start3A_91 : memref<10000x64xf32, #tpu.memory_space<vmem_shared>>) offsets(%arg11 : memref<80xi32, #tpu.memory_space<vmem>>) semaphore(%arg28 : memref<!tpu.dma_semaphore, #tpu.memory_space<semaphore_mem>>) {add = true}
      %dma_wait3A_92 = arith.constant 0 : i32
      %dma_wait3A_93 = arith.constant 0 : i32
      %dma_wait3A_94 = tpu.memref_slice %arg19[%dma_wait3A_92, %dma_wait3A_93] : memref<10000x64xf32, #tpu.memory_space<vmem_shared>> -> memref<10000x64xf32, #tpu.memory_space<vmem_shared>>
      tpu.wait_indirect_dma semaphore(%arg28 : memref<!tpu.dma_semaphore, #tpu.memory_space<semaphore_mem>>) src(%arg15 : memref<80x64xf32, #tpu.memory_space<vmem>>) dst(%dma_wait3A_94 : memref<10000x64xf32, #tpu.memory_space<vmem_shared>>)
    } else {
    }
    %scan3A_59 = arith.constant 1 : i32
    %barrier3A_60 = arith.constant 0 : index
    tpu.barrier barrier_id(%barrier3A_60)
    %lt3A_61 = arith.constant 15 : i32
    %lt3A_62 = arith.cmpi slt, %arg1, %lt3A_61 : i32
    %convert_element_type3A_63 = arith.extui %lt3A_62 : i1 to i32
    %cond3A_64 = arith.constant 0 : i32
    %cond3A_65 = arith.cmpi ne, %convert_element_type3A_63, %cond3A_64 : i32
    scf.if %cond3A_65 {
      %mul3A_71 = arith.constant 640 : i32
      %mul3A_72 = arith.muli %arg1, %mul3A_71 : i32
      %mul3A_73 = arith.constant 640 : i32
      %mul3A_74 = arith.muli %arg1, %mul3A_73 : i32
      "tpu.region"() ({
        %run_scoped3A = tpu.sem_alloc : memref<!tpu.dma_semaphore, #tpu.memory_space<semaphore_mem>>
        %dma_start3A_75 = arith.constant 0 : i32
        %dma_start3A_76 = tpu.memref_slice %arg6[%arg0, %mul3A_74, %dma_start3A_75] : memref<2x10000x64xf32, #tpu.memory_space<hbm>> -> memref<1x640x64xf32, #tpu.memory_space<hbm>>
        %dma_start3A_77 = tpu.memref_squeeze %dma_start3A_76 : memref<1x640x64xf32, #tpu.memory_space<hbm>> -> memref<640x64xf32, #tpu.memory_space<hbm>>
        %dma_start3A_78 = arith.constant 0 : i32
        %dma_start3A_79 = tpu.memref_slice %arg19[%mul3A_72, %dma_start3A_78] : memref<10000x64xf32, #tpu.memory_space<vmem_shared>> -> memref<640x64xf32, #tpu.memory_space<vmem_shared>>
        tpu.enqueue_dma source(%dma_start3A_79 : memref<640x64xf32, #tpu.memory_space<vmem_shared>>) target(%dma_start3A_77 : memref<640x64xf32, #tpu.memory_space<hbm>>) target_semaphore(%run_scoped3A : memref<!tpu.dma_semaphore, #tpu.memory_space<semaphore_mem>>)
        %dma_wait3A_80 = arith.constant 0 : i32
        %dma_wait3A_81 = tpu.memref_slice %arg6[%arg0, %mul3A_74, %dma_wait3A_80] : memref<2x10000x64xf32, #tpu.memory_space<hbm>> -> memref<1x640x64xf32, #tpu.memory_space<hbm>>
        %dma_wait3A_82 = tpu.memref_squeeze %dma_wait3A_81 : memref<1x640x64xf32, #tpu.memory_space<hbm>> -> memref<640x64xf32, #tpu.memory_space<hbm>>
        %dma_wait3A_83 = arith.constant 0 : i32
        %dma_wait3A_84 = tpu.memref_slice %arg19[%mul3A_72, %dma_wait3A_83] : memref<10000x64xf32, #tpu.memory_space<vmem_shared>> -> memref<640x64xf32, #tpu.memory_space<vmem_shared>>
        tpu.wait_dma2 semaphore(%run_scoped3A : memref<!tpu.dma_semaphore, #tpu.memory_space<semaphore_mem>>) src(%dma_wait3A_84 : memref<640x64xf32, #tpu.memory_space<vmem_shared>>) dst(%dma_wait3A_82 : memref<640x64xf32, #tpu.memory_space<hbm>>)
        tpu.yield
      }) : () -> ()
    } else {
    }
    %eq3A_66 = arith.constant 15 : i32
    %eq3A_67 = arith.cmpi eq, %arg1, %eq3A_66 : i32
    %convert_element_type3A_68 = arith.extui %eq3A_67 : i1 to i32
    %cond3A_69 = arith.constant 0 : i32
    %cond3A_70 = arith.cmpi ne, %convert_element_type3A_68, %cond3A_69 : i32
    scf.if %cond3A_70 {
      "tpu.region"() ({
        %run_scoped3A = tpu.sem_alloc : memref<!tpu.dma_semaphore, #tpu.memory_space<semaphore_mem>>
        %dma_start3A_71 = arith.constant 9600 : i32
        %dma_start3A_72 = arith.constant 0 : i32
        %dma_start3A_73 = tpu.memref_slice %arg6[%arg0, %dma_start3A_71, %dma_start3A_72] : memref<2x10000x64xf32, #tpu.memory_space<hbm>> -> memref<1x400x64xf32, #tpu.memory_space<hbm>>
        %dma_start3A_74 = tpu.memref_squeeze %dma_start3A_73 : memref<1x400x64xf32, #tpu.memory_space<hbm>> -> memref<400x64xf32, #tpu.memory_space<hbm>>
        %dma_start3A_75 = arith.constant 9600 : i32
        %dma_start3A_76 = arith.constant 0 : i32
        %dma_start3A_77 = tpu.memref_slice %arg19[%dma_start3A_75, %dma_start3A_76] : memref<10000x64xf32, #tpu.memory_space<vmem_shared>> -> memref<400x64xf32, #tpu.memory_space<vmem_shared>>
        tpu.enqueue_dma source(%dma_start3A_77 : memref<400x64xf32, #tpu.memory_space<vmem_shared>>) target(%dma_start3A_74 : memref<400x64xf32, #tpu.memory_space<hbm>>) target_semaphore(%run_scoped3A : memref<!tpu.dma_semaphore, #tpu.memory_space<semaphore_mem>>)
        %dma_wait3A_78 = arith.constant 9600 : i32
        %dma_wait3A_79 = arith.constant 0 : i32
        %dma_wait3A_80 = tpu.memref_slice %arg6[%arg0, %dma_wait3A_78, %dma_wait3A_79] : memref<2x10000x64xf32, #tpu.memory_space<hbm>> -> memref<1x400x64xf32, #tpu.memory_space<hbm>>
        %dma_wait3A_81 = tpu.memref_squeeze %dma_wait3A_80 : memref<1x400x64xf32, #tpu.memory_space<hbm>> -> memref<400x64xf32, #tpu.memory_space<hbm>>
        %dma_wait3A_82 = arith.constant 9600 : i32
        %dma_wait3A_83 = arith.constant 0 : i32
        %dma_wait3A_84 = tpu.memref_slice %arg19[%dma_wait3A_82, %dma_wait3A_83] : memref<10000x64xf32, #tpu.memory_space<vmem_shared>> -> memref<400x64xf32, #tpu.memory_space<vmem_shared>>
        tpu.wait_dma2 semaphore(%run_scoped3A : memref<!tpu.dma_semaphore, #tpu.memory_space<semaphore_mem>>) src(%dma_wait3A_84 : memref<400x64xf32, #tpu.memory_space<vmem_shared>>) dst(%dma_wait3A_81 : memref<400x64xf32, #tpu.memory_space<hbm>>)
        tpu.yield
      }) : () -> ()
    } else {
    }
    return
  }
}

#map = affine_map<(d0, d1) -> (0)>
#map1 = affine_map<(d0, d1) -> (0, 0)>
#map2 = affine_map<(d0, d1) -> (0, 0, 0)>
module attributes {stable_mosaic.version = 14 : i64} {
  func.func @_deg_body(%arg0: i32, %arg1: i32, %arg2: memref<320000xi32, #tpu.memory_space<hbm>>, %arg3: memref<10000x16xf32, #tpu.memory_space<hbm>>, %arg4: memref<80x16xf32, #tpu.memory_space<hbm>>, %arg5: memref<2x10000x16xf32, #tpu.memory_space<hbm>>, %arg6: memref<80xi32, #tpu.memory_space<vmem>>, %arg7: memref<80xi32, #tpu.memory_space<vmem>>, %arg8: memref<80xi32, #tpu.memory_space<vmem>>, %arg9: memref<80xi32, #tpu.memory_space<vmem>>, %arg10: memref<80x16xf32, #tpu.memory_space<vmem>>, %arg11: memref<10000x16xf32, #tpu.memory_space<vmem_shared>>, %arg12: memref<!tpu.dma_semaphore, #tpu.memory_space<semaphore_mem>>, %arg13: memref<!tpu.dma_semaphore, #tpu.memory_space<semaphore_mem>>, %arg14: memref<!tpu.dma_semaphore, #tpu.memory_space<semaphore_mem>>, %arg15: memref<!tpu.dma_semaphore, #tpu.memory_space<semaphore_mem>>, %arg16: memref<!tpu.dma_semaphore, #tpu.memory_space<semaphore_mem>>, %arg17: memref<!tpu.dma_semaphore, #tpu.memory_space<semaphore_mem>>) attributes {dimension_semantics = [#tpu.dimension_semantics<core_parallel>, #tpu.dimension_semantics<subcore_parallel>], iteration_bounds = array<i64: 2, 16>, scalar_prefetch = 0 : i64, scratch_operands = 12 : i64, tpu.core_type = #tpu.core_type<sc_vector_subcore>, window_params = [{transform_indices = #map}, {transform_indices = #map1}, {transform_indices = #map1}, {transform_indices = #map2}]} {
    %mul3A = arith.constant 2 : i32
    %mul3A_0 = arith.muli %arg1, %mul3A : i32
    %add3A = arith.addi %mul3A_0, %arg0 : i32
    "tpu.region"() ({
      %run_scoped3A = tpu.sem_alloc : memref<!tpu.dma_semaphore, #tpu.memory_space<semaphore_mem>>
      tpu.enqueue_dma source(%arg4 : memref<80x16xf32, #tpu.memory_space<hbm>>) target(%arg10 : memref<80x16xf32, #tpu.memory_space<vmem>>) target_semaphore(%run_scoped3A : memref<!tpu.dma_semaphore, #tpu.memory_space<semaphore_mem>>)
      tpu.wait_dma2 semaphore(%run_scoped3A : memref<!tpu.dma_semaphore, #tpu.memory_space<semaphore_mem>>) src(%arg4 : memref<80x16xf32, #tpu.memory_space<hbm>>) dst(%arg10 : memref<80x16xf32, #tpu.memory_space<vmem>>)
      tpu.yield
    }) : () -> ()
    %lt3A = arith.constant 15 : i32
    %lt3A_1 = arith.cmpi slt, %arg1, %lt3A : i32
    %convert_element_type3A = arith.extui %lt3A_1 : i1 to i32
    %cond3A = arith.constant 0 : i32
    %cond3A_2 = arith.cmpi ne, %convert_element_type3A, %cond3A : i32
    scf.if %cond3A_2 {
      %mul3A_52 = arith.constant 640 : i32
      %mul3A_53 = arith.muli %arg1, %mul3A_52 : i32
      %mul3A_54 = arith.constant 640 : i32
      %mul3A_55 = arith.muli %arg1, %mul3A_54 : i32
      "tpu.region"() ({
        %run_scoped3A = tpu.sem_alloc : memref<!tpu.dma_semaphore, #tpu.memory_space<semaphore_mem>>
        %dma_start3A_56 = arith.constant 0 : i32
        %dma_start3A_57 = tpu.memref_slice %arg11[%mul3A_55, %dma_start3A_56] : memref<10000x16xf32, #tpu.memory_space<vmem_shared>> -> memref<640x16xf32, #tpu.memory_space<vmem_shared>>
        %dma_start3A_58 = arith.constant 0 : i32
        %dma_start3A_59 = tpu.memref_slice %arg3[%mul3A_53, %dma_start3A_58] : memref<10000x16xf32, #tpu.memory_space<hbm>> -> memref<640x16xf32, #tpu.memory_space<hbm>>
        tpu.enqueue_dma source(%dma_start3A_59 : memref<640x16xf32, #tpu.memory_space<hbm>>) target(%dma_start3A_57 : memref<640x16xf32, #tpu.memory_space<vmem_shared>>) target_semaphore(%run_scoped3A : memref<!tpu.dma_semaphore, #tpu.memory_space<semaphore_mem>>)
        %dma_wait3A_60 = arith.constant 0 : i32
        %dma_wait3A_61 = tpu.memref_slice %arg11[%mul3A_55, %dma_wait3A_60] : memref<10000x16xf32, #tpu.memory_space<vmem_shared>> -> memref<640x16xf32, #tpu.memory_space<vmem_shared>>
        %dma_wait3A_62 = arith.constant 0 : i32
        %dma_wait3A_63 = tpu.memref_slice %arg3[%mul3A_53, %dma_wait3A_62] : memref<10000x16xf32, #tpu.memory_space<hbm>> -> memref<640x16xf32, #tpu.memory_space<hbm>>
        tpu.wait_dma2 semaphore(%run_scoped3A : memref<!tpu.dma_semaphore, #tpu.memory_space<semaphore_mem>>) src(%dma_wait3A_63 : memref<640x16xf32, #tpu.memory_space<hbm>>) dst(%dma_wait3A_61 : memref<640x16xf32, #tpu.memory_space<vmem_shared>>)
        tpu.yield
      }) : () -> ()
    } else {
    }
    %eq3A = arith.constant 15 : i32
    %eq3A_3 = arith.cmpi eq, %arg1, %eq3A : i32
    %convert_element_type3A_4 = arith.extui %eq3A_3 : i1 to i32
    %cond3A_5 = arith.constant 0 : i32
    %cond3A_6 = arith.cmpi ne, %convert_element_type3A_4, %cond3A_5 : i32
    scf.if %cond3A_6 {
      "tpu.region"() ({
        %run_scoped3A = tpu.sem_alloc : memref<!tpu.dma_semaphore, #tpu.memory_space<semaphore_mem>>
        %dma_start3A_52 = arith.constant 9600 : i32
        %dma_start3A_53 = arith.constant 0 : i32
        %dma_start3A_54 = tpu.memref_slice %arg11[%dma_start3A_52, %dma_start3A_53] : memref<10000x16xf32, #tpu.memory_space<vmem_shared>> -> memref<400x16xf32, #tpu.memory_space<vmem_shared>>
        %dma_start3A_55 = arith.constant 9600 : i32
        %dma_start3A_56 = arith.constant 0 : i32
        %dma_start3A_57 = tpu.memref_slice %arg3[%dma_start3A_55, %dma_start3A_56] : memref<10000x16xf32, #tpu.memory_space<hbm>> -> memref<400x16xf32, #tpu.memory_space<hbm>>
        tpu.enqueue_dma source(%dma_start3A_57 : memref<400x16xf32, #tpu.memory_space<hbm>>) target(%dma_start3A_54 : memref<400x16xf32, #tpu.memory_space<vmem_shared>>) target_semaphore(%run_scoped3A : memref<!tpu.dma_semaphore, #tpu.memory_space<semaphore_mem>>)
        %dma_wait3A_58 = arith.constant 9600 : i32
        %dma_wait3A_59 = arith.constant 0 : i32
        %dma_wait3A_60 = tpu.memref_slice %arg11[%dma_wait3A_58, %dma_wait3A_59] : memref<10000x16xf32, #tpu.memory_space<vmem_shared>> -> memref<400x16xf32, #tpu.memory_space<vmem_shared>>
        %dma_wait3A_61 = arith.constant 9600 : i32
        %dma_wait3A_62 = arith.constant 0 : i32
        %dma_wait3A_63 = tpu.memref_slice %arg3[%dma_wait3A_61, %dma_wait3A_62] : memref<10000x16xf32, #tpu.memory_space<hbm>> -> memref<400x16xf32, #tpu.memory_space<hbm>>
        tpu.wait_dma2 semaphore(%run_scoped3A : memref<!tpu.dma_semaphore, #tpu.memory_space<semaphore_mem>>) src(%dma_wait3A_63 : memref<400x16xf32, #tpu.memory_space<hbm>>) dst(%dma_wait3A_60 : memref<400x16xf32, #tpu.memory_space<vmem_shared>>)
        tpu.yield
      }) : () -> ()
    } else {
    }
    %barrier3A = arith.constant 0 : index
    tpu.barrier barrier_id(%barrier3A)
    %add3A_7 = arith.constant 0 : i32
    %add3A_8 = arith.addi %add3A_7, %add3A : i32
    %mul3A_9 = arith.constant 80 : i32
    %mul3A_10 = arith.muli %add3A_8, %mul3A_9 : i32
    %dma_start3A = tpu.memref_slice %arg2[%mul3A_10] : memref<320000xi32, #tpu.memory_space<hbm>> -> memref<80xi32, #tpu.memory_space<hbm>>
    %dma_start3A_11 = tpu.memref_slice %arg2[%mul3A_10] : memref<320000xi32, #tpu.memory_space<hbm>> -> memref<80xi32, #tpu.memory_space<hbm>>
    tpu.enqueue_dma source(%dma_start3A_11 : memref<80xi32, #tpu.memory_space<hbm>>) target(%arg6 : memref<80xi32, #tpu.memory_space<vmem>>) target_semaphore(%arg12 : memref<!tpu.dma_semaphore, #tpu.memory_space<semaphore_mem>>)
    %add3A_12 = arith.constant 32 : i32
    %add3A_13 = arith.addi %add3A_12, %add3A : i32
    %mul3A_14 = arith.constant 80 : i32
    %mul3A_15 = arith.muli %add3A_13, %mul3A_14 : i32
    %dma_start3A_16 = tpu.memref_slice %arg2[%mul3A_15] : memref<320000xi32, #tpu.memory_space<hbm>> -> memref<80xi32, #tpu.memory_space<hbm>>
    %dma_start3A_17 = tpu.memref_slice %arg2[%mul3A_15] : memref<320000xi32, #tpu.memory_space<hbm>> -> memref<80xi32, #tpu.memory_space<hbm>>
    tpu.enqueue_dma source(%dma_start3A_17 : memref<80xi32, #tpu.memory_space<hbm>>) target(%arg7 : memref<80xi32, #tpu.memory_space<vmem>>) target_semaphore(%arg13 : memref<!tpu.dma_semaphore, #tpu.memory_space<semaphore_mem>>)
    %scan3A = arith.constant 0 : i32
    %scan3A_18 = arith.constant 0 : i32
    %scan3A_19 = arith.constant 31 : i32
    %scan3A_20 = arith.addi %scan3A_18, %scan3A_19 : i32
    %scan3A_21 = arith.constant 1 : i32
    scf.for %scan3A_52 = %scan3A_18 to %scan3A_20 step %scan3A_21  : i32 {
      %mul3A_53 = arith.constant 4 : i32
      %mul3A_54 = arith.muli %scan3A_52, %mul3A_53 : i32
      %add3A_55 = arith.constant 0 : i32
      %add3A_56 = arith.addi %mul3A_54, %add3A_55 : i32
      %ge3A = arith.constant 2 : i32
      %ge3A_57 = arith.cmpi sge, %add3A_56, %ge3A : i32
      %convert_element_type3A_58 = arith.extui %ge3A_57 : i1 to i32
      %cond3A_59 = arith.constant 0 : i32
      %cond3A_60 = arith.cmpi ne, %convert_element_type3A_58, %cond3A_59 : i32
      scf.if %cond3A_60 {
        %dma_wait3A_144 = arith.constant 0 : i32
        %dma_wait3A_145 = arith.constant 0 : i32
        %dma_wait3A_146 = tpu.memref_slice %arg11[%dma_wait3A_144, %dma_wait3A_145] : memref<10000x16xf32, #tpu.memory_space<vmem_shared>> -> memref<10000x16xf32, #tpu.memory_space<vmem_shared>>
        tpu.wait_indirect_dma semaphore(%arg16 : memref<!tpu.dma_semaphore, #tpu.memory_space<semaphore_mem>>) src(%arg10 : memref<80x16xf32, #tpu.memory_space<vmem>>) dst(%dma_wait3A_146 : memref<10000x16xf32, #tpu.memory_space<vmem_shared>>)
      } else {
      }
      %add3A_61 = arith.constant 2 : i32
      %add3A_62 = arith.addi %add3A_56, %add3A_61 : i32
      %lt3A_63 = arith.constant 124 : i32
      %lt3A_64 = arith.cmpi slt, %add3A_62, %lt3A_63 : i32
      %convert_element_type3A_65 = arith.extui %lt3A_64 : i1 to i32
      %cond3A_66 = arith.constant 0 : i32
      %cond3A_67 = arith.cmpi ne, %convert_element_type3A_65, %cond3A_66 : i32
      scf.if %cond3A_67 {
        %add3A_144 = arith.constant 2 : i32
        %add3A_145 = arith.addi %add3A_56, %add3A_144 : i32
        %mul3A_146 = arith.constant 32 : i32
        %mul3A_147 = arith.muli %add3A_145, %mul3A_146 : i32
        %add3A_148 = arith.addi %mul3A_147, %add3A : i32
        %mul3A_149 = arith.constant 80 : i32
        %mul3A_150 = arith.muli %add3A_148, %mul3A_149 : i32
        %dma_start3A_151 = tpu.memref_slice %arg2[%mul3A_150] : memref<320000xi32, #tpu.memory_space<hbm>> -> memref<80xi32, #tpu.memory_space<hbm>>
        %dma_start3A_152 = tpu.memref_slice %arg2[%mul3A_150] : memref<320000xi32, #tpu.memory_space<hbm>> -> memref<80xi32, #tpu.memory_space<hbm>>
        tpu.enqueue_dma source(%dma_start3A_152 : memref<80xi32, #tpu.memory_space<hbm>>) target(%arg8 : memref<80xi32, #tpu.memory_space<vmem>>) target_semaphore(%arg14 : memref<!tpu.dma_semaphore, #tpu.memory_space<semaphore_mem>>)
      } else {
      }
      %dma_wait3A_68 = arith.constant 0 : i32
      %dma_wait3A_69 = tpu.memref_slice %arg2[%dma_wait3A_68] : memref<320000xi32, #tpu.memory_space<hbm>> -> memref<80xi32, #tpu.memory_space<hbm>>
      %dma_wait3A_70 = arith.constant 0 : i32
      %dma_wait3A_71 = tpu.memref_slice %arg2[%dma_wait3A_70] : memref<320000xi32, #tpu.memory_space<hbm>> -> memref<80xi32, #tpu.memory_space<hbm>>
      tpu.wait_dma2 semaphore(%arg12 : memref<!tpu.dma_semaphore, #tpu.memory_space<semaphore_mem>>) src(%dma_wait3A_71 : memref<80xi32, #tpu.memory_space<hbm>>) dst(%arg6 : memref<80xi32, #tpu.memory_space<vmem>>)
      %dma_start3A_72 = arith.constant 0 : i32
      %dma_start3A_73 = arith.constant 0 : i32
      %dma_start3A_74 = tpu.memref_slice %arg11[%dma_start3A_72, %dma_start3A_73] : memref<10000x16xf32, #tpu.memory_space<vmem_shared>> -> memref<10000x16xf32, #tpu.memory_space<vmem_shared>>
      tpu.enqueue_indirect_dma source(%arg10 : memref<80x16xf32, #tpu.memory_space<vmem>>) target(%dma_start3A_74 : memref<10000x16xf32, #tpu.memory_space<vmem_shared>>) offsets(%arg6 : memref<80xi32, #tpu.memory_space<vmem>>) semaphore(%arg16 : memref<!tpu.dma_semaphore, #tpu.memory_space<semaphore_mem>>) {add = true}
      %mul3A_75 = arith.constant 4 : i32
      %mul3A_76 = arith.muli %scan3A_52, %mul3A_75 : i32
      %add3A_77 = arith.constant 1 : i32
      %add3A_78 = arith.addi %mul3A_76, %add3A_77 : i32
      %ge3A_79 = arith.constant 2 : i32
      %ge3A_80 = arith.cmpi sge, %add3A_78, %ge3A_79 : i32
      %convert_element_type3A_81 = arith.extui %ge3A_80 : i1 to i32
      %cond3A_82 = arith.constant 0 : i32
      %cond3A_83 = arith.cmpi ne, %convert_element_type3A_81, %cond3A_82 : i32
      scf.if %cond3A_83 {
        %dma_wait3A_144 = arith.constant 0 : i32
        %dma_wait3A_145 = arith.constant 0 : i32
        %dma_wait3A_146 = tpu.memref_slice %arg11[%dma_wait3A_144, %dma_wait3A_145] : memref<10000x16xf32, #tpu.memory_space<vmem_shared>> -> memref<10000x16xf32, #tpu.memory_space<vmem_shared>>
        tpu.wait_indirect_dma semaphore(%arg17 : memref<!tpu.dma_semaphore, #tpu.memory_space<semaphore_mem>>) src(%arg10 : memref<80x16xf32, #tpu.memory_space<vmem>>) dst(%dma_wait3A_146 : memref<10000x16xf32, #tpu.memory_space<vmem_shared>>)
      } else {
      }
      %add3A_84 = arith.constant 2 : i32
      %add3A_85 = arith.addi %add3A_78, %add3A_84 : i32
      %lt3A_86 = arith.constant 124 : i32
      %lt3A_87 = arith.cmpi slt, %add3A_85, %lt3A_86 : i32
      %convert_element_type3A_88 = arith.extui %lt3A_87 : i1 to i32
      %cond3A_89 = arith.constant 0 : i32
      %cond3A_90 = arith.cmpi ne, %convert_element_type3A_88, %cond3A_89 : i32
      scf.if %cond3A_90 {
        %add3A_144 = arith.constant 2 : i32
        %add3A_145 = arith.addi %add3A_78, %add3A_144 : i32
        %mul3A_146 = arith.constant 32 : i32
        %mul3A_147 = arith.muli %add3A_145, %mul3A_146 : i32
        %add3A_148 = arith.addi %mul3A_147, %add3A : i32
        %mul3A_149 = arith.constant 80 : i32
        %mul3A_150 = arith.muli %add3A_148, %mul3A_149 : i32
        %dma_start3A_151 = tpu.memref_slice %arg2[%mul3A_150] : memref<320000xi32, #tpu.memory_space<hbm>> -> memref<80xi32, #tpu.memory_space<hbm>>
        %dma_start3A_152 = tpu.memref_slice %arg2[%mul3A_150] : memref<320000xi32, #tpu.memory_space<hbm>> -> memref<80xi32, #tpu.memory_space<hbm>>
        tpu.enqueue_dma source(%dma_start3A_152 : memref<80xi32, #tpu.memory_space<hbm>>) target(%arg9 : memref<80xi32, #tpu.memory_space<vmem>>) target_semaphore(%arg15 : memref<!tpu.dma_semaphore, #tpu.memory_space<semaphore_mem>>)
      } else {
      }
      %dma_wait3A_91 = arith.constant 0 : i32
      %dma_wait3A_92 = tpu.memref_slice %arg2[%dma_wait3A_91] : memref<320000xi32, #tpu.memory_space<hbm>> -> memref<80xi32, #tpu.memory_space<hbm>>
      %dma_wait3A_93 = arith.constant 0 : i32
      %dma_wait3A_94 = tpu.memref_slice %arg2[%dma_wait3A_93] : memref<320000xi32, #tpu.memory_space<hbm>> -> memref<80xi32, #tpu.memory_space<hbm>>
      tpu.wait_dma2 semaphore(%arg13 : memref<!tpu.dma_semaphore, #tpu.memory_space<semaphore_mem>>) src(%dma_wait3A_94 : memref<80xi32, #tpu.memory_space<hbm>>) dst(%arg7 : memref<80xi32, #tpu.memory_space<vmem>>)
      %dma_start3A_95 = arith.constant 0 : i32
      %dma_start3A_96 = arith.constant 0 : i32
      %dma_start3A_97 = tpu.memref_slice %arg11[%dma_start3A_95, %dma_start3A_96] : memref<10000x16xf32, #tpu.memory_space<vmem_shared>> -> memref<10000x16xf32, #tpu.memory_space<vmem_shared>>
      tpu.enqueue_indirect_dma source(%arg10 : memref<80x16xf32, #tpu.memory_space<vmem>>) target(%dma_start3A_97 : memref<10000x16xf32, #tpu.memory_space<vmem_shared>>) offsets(%arg7 : memref<80xi32, #tpu.memory_space<vmem>>) semaphore(%arg17 : memref<!tpu.dma_semaphore, #tpu.memory_space<semaphore_mem>>) {add = true}
      %mul3A_98 = arith.constant 4 : i32
      %mul3A_99 = arith.muli %scan3A_52, %mul3A_98 : i32
      %add3A_100 = arith.constant 2 : i32
      %add3A_101 = arith.addi %mul3A_99, %add3A_100 : i32
      %ge3A_102 = arith.constant 2 : i32
      %ge3A_103 = arith.cmpi sge, %add3A_101, %ge3A_102 : i32
      %convert_element_type3A_104 = arith.extui %ge3A_103 : i1 to i32
      %cond3A_105 = arith.constant 0 : i32
      %cond3A_106 = arith.cmpi ne, %convert_element_type3A_104, %cond3A_105 : i32
      scf.if %cond3A_106 {
        %dma_wait3A_144 = arith.constant 0 : i32
        %dma_wait3A_145 = arith.constant 0 : i32
        %dma_wait3A_146 = tpu.memref_slice %arg11[%dma_wait3A_144, %dma_wait3A_145] : memref<10000x16xf32, #tpu.memory_space<vmem_shared>> -> memref<10000x16xf32, #tpu.memory_space<vmem_shared>>
        tpu.wait_indirect_dma semaphore(%arg16 : memref<!tpu.dma_semaphore, #tpu.memory_space<semaphore_mem>>) src(%arg10 : memref<80x16xf32, #tpu.memory_space<vmem>>) dst(%dma_wait3A_146 : memref<10000x16xf32, #tpu.memory_space<vmem_shared>>)
      } else {
      }
      %add3A_107 = arith.constant 2 : i32
      %add3A_108 = arith.addi %add3A_101, %add3A_107 : i32
      %lt3A_109 = arith.constant 124 : i32
      %lt3A_110 = arith.cmpi slt, %add3A_108, %lt3A_109 : i32
      %convert_element_type3A_111 = arith.extui %lt3A_110 : i1 to i32
      %cond3A_112 = arith.constant 0 : i32
      %cond3A_113 = arith.cmpi ne, %convert_element_type3A_111, %cond3A_112 : i32
      scf.if %cond3A_113 {
        %add3A_144 = arith.constant 2 : i32
        %add3A_145 = arith.addi %add3A_101, %add3A_144 : i32
        %mul3A_146 = arith.constant 32 : i32
        %mul3A_147 = arith.muli %add3A_145, %mul3A_146 : i32
        %add3A_148 = arith.addi %mul3A_147, %add3A : i32
        %mul3A_149 = arith.constant 80 : i32
        %mul3A_150 = arith.muli %add3A_148, %mul3A_149 : i32
        %dma_start3A_151 = tpu.memref_slice %arg2[%mul3A_150] : memref<320000xi32, #tpu.memory_space<hbm>> -> memref<80xi32, #tpu.memory_space<hbm>>
        %dma_start3A_152 = tpu.memref_slice %arg2[%mul3A_150] : memref<320000xi32, #tpu.memory_space<hbm>> -> memref<80xi32, #tpu.memory_space<hbm>>
        tpu.enqueue_dma source(%dma_start3A_152 : memref<80xi32, #tpu.memory_space<hbm>>) target(%arg6 : memref<80xi32, #tpu.memory_space<vmem>>) target_semaphore(%arg12 : memref<!tpu.dma_semaphore, #tpu.memory_space<semaphore_mem>>)
      } else {
      }
      %dma_wait3A_114 = arith.constant 0 : i32
      %dma_wait3A_115 = tpu.memref_slice %arg2[%dma_wait3A_114] : memref<320000xi32, #tpu.memory_space<hbm>> -> memref<80xi32, #tpu.memory_space<hbm>>
      %dma_wait3A_116 = arith.constant 0 : i32
      %dma_wait3A_117 = tpu.memref_slice %arg2[%dma_wait3A_116] : memref<320000xi32, #tpu.memory_space<hbm>> -> memref<80xi32, #tpu.memory_space<hbm>>
      tpu.wait_dma2 semaphore(%arg14 : memref<!tpu.dma_semaphore, #tpu.memory_space<semaphore_mem>>) src(%dma_wait3A_117 : memref<80xi32, #tpu.memory_space<hbm>>) dst(%arg8 : memref<80xi32, #tpu.memory_space<vmem>>)
      %dma_start3A_118 = arith.constant 0 : i32
      %dma_start3A_119 = arith.constant 0 : i32
      %dma_start3A_120 = tpu.memref_slice %arg11[%dma_start3A_118, %dma_start3A_119] : memref<10000x16xf32, #tpu.memory_space<vmem_shared>> -> memref<10000x16xf32, #tpu.memory_space<vmem_shared>>
      tpu.enqueue_indirect_dma source(%arg10 : memref<80x16xf32, #tpu.memory_space<vmem>>) target(%dma_start3A_120 : memref<10000x16xf32, #tpu.memory_space<vmem_shared>>) offsets(%arg8 : memref<80xi32, #tpu.memory_space<vmem>>) semaphore(%arg16 : memref<!tpu.dma_semaphore, #tpu.memory_space<semaphore_mem>>) {add = true}
      %mul3A_121 = arith.constant 4 : i32
      %mul3A_122 = arith.muli %scan3A_52, %mul3A_121 : i32
      %add3A_123 = arith.constant 3 : i32
      %add3A_124 = arith.addi %mul3A_122, %add3A_123 : i32
      %ge3A_125 = arith.constant 2 : i32
      %ge3A_126 = arith.cmpi sge, %add3A_124, %ge3A_125 : i32
      %convert_element_type3A_127 = arith.extui %ge3A_126 : i1 to i32
      %cond3A_128 = arith.constant 0 : i32
      %cond3A_129 = arith.cmpi ne, %convert_element_type3A_127, %cond3A_128 : i32
      scf.if %cond3A_129 {
        %dma_wait3A_144 = arith.constant 0 : i32
        %dma_wait3A_145 = arith.constant 0 : i32
        %dma_wait3A_146 = tpu.memref_slice %arg11[%dma_wait3A_144, %dma_wait3A_145] : memref<10000x16xf32, #tpu.memory_space<vmem_shared>> -> memref<10000x16xf32, #tpu.memory_space<vmem_shared>>
        tpu.wait_indirect_dma semaphore(%arg17 : memref<!tpu.dma_semaphore, #tpu.memory_space<semaphore_mem>>) src(%arg10 : memref<80x16xf32, #tpu.memory_space<vmem>>) dst(%dma_wait3A_146 : memref<10000x16xf32, #tpu.memory_space<vmem_shared>>)
      } else {
      }
      %add3A_130 = arith.constant 2 : i32
      %add3A_131 = arith.addi %add3A_124, %add3A_130 : i32
      %lt3A_132 = arith.constant 124 : i32
      %lt3A_133 = arith.cmpi slt, %add3A_131, %lt3A_132 : i32
      %convert_element_type3A_134 = arith.extui %lt3A_133 : i1 to i32
      %cond3A_135 = arith.constant 0 : i32
      %cond3A_136 = arith.cmpi ne, %convert_element_type3A_134, %cond3A_135 : i32
      scf.if %cond3A_136 {
        %add3A_144 = arith.constant 2 : i32
        %add3A_145 = arith.addi %add3A_124, %add3A_144 : i32
        %mul3A_146 = arith.constant 32 : i32
        %mul3A_147 = arith.muli %add3A_145, %mul3A_146 : i32
        %add3A_148 = arith.addi %mul3A_147, %add3A : i32
        %mul3A_149 = arith.constant 80 : i32
        %mul3A_150 = arith.muli %add3A_148, %mul3A_149 : i32
        %dma_start3A_151 = tpu.memref_slice %arg2[%mul3A_150] : memref<320000xi32, #tpu.memory_space<hbm>> -> memref<80xi32, #tpu.memory_space<hbm>>
        %dma_start3A_152 = tpu.memref_slice %arg2[%mul3A_150] : memref<320000xi32, #tpu.memory_space<hbm>> -> memref<80xi32, #tpu.memory_space<hbm>>
        tpu.enqueue_dma source(%dma_start3A_152 : memref<80xi32, #tpu.memory_space<hbm>>) target(%arg7 : memref<80xi32, #tpu.memory_space<vmem>>) target_semaphore(%arg13 : memref<!tpu.dma_semaphore, #tpu.memory_space<semaphore_mem>>)
      } else {
      }
      %dma_wait3A_137 = arith.constant 0 : i32
      %dma_wait3A_138 = tpu.memref_slice %arg2[%dma_wait3A_137] : memref<320000xi32, #tpu.memory_space<hbm>> -> memref<80xi32, #tpu.memory_space<hbm>>
      %dma_wait3A_139 = arith.constant 0 : i32
      %dma_wait3A_140 = tpu.memref_slice %arg2[%dma_wait3A_139] : memref<320000xi32, #tpu.memory_space<hbm>> -> memref<80xi32, #tpu.memory_space<hbm>>
      tpu.wait_dma2 semaphore(%arg15 : memref<!tpu.dma_semaphore, #tpu.memory_space<semaphore_mem>>) src(%dma_wait3A_140 : memref<80xi32, #tpu.memory_space<hbm>>) dst(%arg9 : memref<80xi32, #tpu.memory_space<vmem>>)
      %dma_start3A_141 = arith.constant 0 : i32
      %dma_start3A_142 = arith.constant 0 : i32
      %dma_start3A_143 = tpu.memref_slice %arg11[%dma_start3A_141, %dma_start3A_142] : memref<10000x16xf32, #tpu.memory_space<vmem_shared>> -> memref<10000x16xf32, #tpu.memory_space<vmem_shared>>
      tpu.enqueue_indirect_dma source(%arg10 : memref<80x16xf32, #tpu.memory_space<vmem>>) target(%dma_start3A_143 : memref<10000x16xf32, #tpu.memory_space<vmem_shared>>) offsets(%arg9 : memref<80xi32, #tpu.memory_space<vmem>>) semaphore(%arg17 : memref<!tpu.dma_semaphore, #tpu.memory_space<semaphore_mem>>) {add = true}
    }
    %scan3A_22 = arith.constant 31 : i32
    %dma_wait3A = arith.constant 0 : i32
    %dma_wait3A_23 = arith.constant 0 : i32
    %dma_wait3A_24 = tpu.memref_slice %arg11[%dma_wait3A, %dma_wait3A_23] : memref<10000x16xf32, #tpu.memory_space<vmem_shared>> -> memref<10000x16xf32, #tpu.memory_space<vmem_shared>>
    tpu.wait_indirect_dma semaphore(%arg16 : memref<!tpu.dma_semaphore, #tpu.memory_space<semaphore_mem>>) src(%arg10 : memref<80x16xf32, #tpu.memory_space<vmem>>) dst(%dma_wait3A_24 : memref<10000x16xf32, #tpu.memory_space<vmem_shared>>)
    %dma_wait3A_25 = arith.constant 0 : i32
    %dma_wait3A_26 = arith.constant 0 : i32
    %dma_wait3A_27 = tpu.memref_slice %arg11[%dma_wait3A_25, %dma_wait3A_26] : memref<10000x16xf32, #tpu.memory_space<vmem_shared>> -> memref<10000x16xf32, #tpu.memory_space<vmem_shared>>
    tpu.wait_indirect_dma semaphore(%arg17 : memref<!tpu.dma_semaphore, #tpu.memory_space<semaphore_mem>>) src(%arg10 : memref<80x16xf32, #tpu.memory_space<vmem>>) dst(%dma_wait3A_27 : memref<10000x16xf32, #tpu.memory_space<vmem_shared>>)
    %scan3A_28 = arith.constant 0 : i32
    %scan3A_29 = arith.constant 0 : i32
    %add3A_30 = arith.constant 124 : i32
    %add3A_31 = arith.addi %add3A_30, %scan3A_29 : i32
    %mul3A_32 = arith.constant 32 : i32
    %mul3A_33 = arith.muli %add3A_31, %mul3A_32 : i32
    %add3A_34 = arith.addi %mul3A_33, %add3A : i32
    %lt3A_35 = arith.constant 4000 : i32
    %lt3A_36 = arith.cmpi slt, %add3A_34, %lt3A_35 : i32
    %convert_element_type3A_37 = arith.extui %lt3A_36 : i1 to i32
    %cond3A_38 = arith.constant 0 : i32
    %cond3A_39 = arith.cmpi ne, %convert_element_type3A_37, %cond3A_38 : i32
    scf.if %cond3A_39 {
      %mul3A_52 = arith.constant 80 : i32
      %mul3A_53 = arith.muli %add3A_34, %mul3A_52 : i32
      %dma_start3A_54 = tpu.memref_slice %arg2[%mul3A_53] : memref<320000xi32, #tpu.memory_space<hbm>> -> memref<80xi32, #tpu.memory_space<hbm>>
      %dma_start3A_55 = tpu.memref_slice %arg2[%mul3A_53] : memref<320000xi32, #tpu.memory_space<hbm>> -> memref<80xi32, #tpu.memory_space<hbm>>
      tpu.enqueue_dma source(%dma_start3A_55 : memref<80xi32, #tpu.memory_space<hbm>>) target(%arg6 : memref<80xi32, #tpu.memory_space<vmem>>) target_semaphore(%arg12 : memref<!tpu.dma_semaphore, #tpu.memory_space<semaphore_mem>>)
      %dma_wait3A_56 = tpu.memref_slice %arg2[%mul3A_53] : memref<320000xi32, #tpu.memory_space<hbm>> -> memref<80xi32, #tpu.memory_space<hbm>>
      %dma_wait3A_57 = tpu.memref_slice %arg2[%mul3A_53] : memref<320000xi32, #tpu.memory_space<hbm>> -> memref<80xi32, #tpu.memory_space<hbm>>
      tpu.wait_dma2 semaphore(%arg12 : memref<!tpu.dma_semaphore, #tpu.memory_space<semaphore_mem>>) src(%dma_wait3A_57 : memref<80xi32, #tpu.memory_space<hbm>>) dst(%arg6 : memref<80xi32, #tpu.memory_space<vmem>>)
      %dma_start3A_58 = arith.constant 0 : i32
      %dma_start3A_59 = arith.constant 0 : i32
      %dma_start3A_60 = tpu.memref_slice %arg11[%dma_start3A_58, %dma_start3A_59] : memref<10000x16xf32, #tpu.memory_space<vmem_shared>> -> memref<10000x16xf32, #tpu.memory_space<vmem_shared>>
      tpu.enqueue_indirect_dma source(%arg10 : memref<80x16xf32, #tpu.memory_space<vmem>>) target(%dma_start3A_60 : memref<10000x16xf32, #tpu.memory_space<vmem_shared>>) offsets(%arg6 : memref<80xi32, #tpu.memory_space<vmem>>) semaphore(%arg16 : memref<!tpu.dma_semaphore, #tpu.memory_space<semaphore_mem>>) {add = true}
      %dma_wait3A_61 = arith.constant 0 : i32
      %dma_wait3A_62 = arith.constant 0 : i32
      %dma_wait3A_63 = tpu.memref_slice %arg11[%dma_wait3A_61, %dma_wait3A_62] : memref<10000x16xf32, #tpu.memory_space<vmem_shared>> -> memref<10000x16xf32, #tpu.memory_space<vmem_shared>>
      tpu.wait_indirect_dma semaphore(%arg16 : memref<!tpu.dma_semaphore, #tpu.memory_space<semaphore_mem>>) src(%arg10 : memref<80x16xf32, #tpu.memory_space<vmem>>) dst(%dma_wait3A_63 : memref<10000x16xf32, #tpu.memory_space<vmem_shared>>)
    } else {
    }
    %scan3A_40 = arith.constant 1 : i32
    %barrier3A_41 = arith.constant 0 : index
    tpu.barrier barrier_id(%barrier3A_41)
    %lt3A_42 = arith.constant 15 : i32
    %lt3A_43 = arith.cmpi slt, %arg1, %lt3A_42 : i32
    %convert_element_type3A_44 = arith.extui %lt3A_43 : i1 to i32
    %cond3A_45 = arith.constant 0 : i32
    %cond3A_46 = arith.cmpi ne, %convert_element_type3A_44, %cond3A_45 : i32
    scf.if %cond3A_46 {
      %mul3A_52 = arith.constant 640 : i32
      %mul3A_53 = arith.muli %arg1, %mul3A_52 : i32
      %mul3A_54 = arith.constant 640 : i32
      %mul3A_55 = arith.muli %arg1, %mul3A_54 : i32
      "tpu.region"() ({
        %run_scoped3A = tpu.sem_alloc : memref<!tpu.dma_semaphore, #tpu.memory_space<semaphore_mem>>
        %dma_start3A_56 = arith.constant 0 : i32
        %dma_start3A_57 = tpu.memref_slice %arg5[%arg0, %mul3A_55, %dma_start3A_56] : memref<2x10000x16xf32, #tpu.memory_space<hbm>> -> memref<1x640x16xf32, #tpu.memory_space<hbm>>
        %dma_start3A_58 = tpu.memref_squeeze %dma_start3A_57 : memref<1x640x16xf32, #tpu.memory_space<hbm>> -> memref<640x16xf32, #tpu.memory_space<hbm>>
        %dma_start3A_59 = arith.constant 0 : i32
        %dma_start3A_60 = tpu.memref_slice %arg11[%mul3A_53, %dma_start3A_59] : memref<10000x16xf32, #tpu.memory_space<vmem_shared>> -> memref<640x16xf32, #tpu.memory_space<vmem_shared>>
        tpu.enqueue_dma source(%dma_start3A_60 : memref<640x16xf32, #tpu.memory_space<vmem_shared>>) target(%dma_start3A_58 : memref<640x16xf32, #tpu.memory_space<hbm>>) target_semaphore(%run_scoped3A : memref<!tpu.dma_semaphore, #tpu.memory_space<semaphore_mem>>)
        %dma_wait3A_61 = arith.constant 0 : i32
        %dma_wait3A_62 = tpu.memref_slice %arg5[%arg0, %mul3A_55, %dma_wait3A_61] : memref<2x10000x16xf32, #tpu.memory_space<hbm>> -> memref<1x640x16xf32, #tpu.memory_space<hbm>>
        %dma_wait3A_63 = tpu.memref_squeeze %dma_wait3A_62 : memref<1x640x16xf32, #tpu.memory_space<hbm>> -> memref<640x16xf32, #tpu.memory_space<hbm>>
        %dma_wait3A_64 = arith.constant 0 : i32
        %dma_wait3A_65 = tpu.memref_slice %arg11[%mul3A_53, %dma_wait3A_64] : memref<10000x16xf32, #tpu.memory_space<vmem_shared>> -> memref<640x16xf32, #tpu.memory_space<vmem_shared>>
        tpu.wait_dma2 semaphore(%run_scoped3A : memref<!tpu.dma_semaphore, #tpu.memory_space<semaphore_mem>>) src(%dma_wait3A_65 : memref<640x16xf32, #tpu.memory_space<vmem_shared>>) dst(%dma_wait3A_63 : memref<640x16xf32, #tpu.memory_space<hbm>>)
        tpu.yield
      }) : () -> ()
    } else {
    }
    %eq3A_47 = arith.constant 15 : i32
    %eq3A_48 = arith.cmpi eq, %arg1, %eq3A_47 : i32
    %convert_element_type3A_49 = arith.extui %eq3A_48 : i1 to i32
    %cond3A_50 = arith.constant 0 : i32
    %cond3A_51 = arith.cmpi ne, %convert_element_type3A_49, %cond3A_50 : i32
    scf.if %cond3A_51 {
      "tpu.region"() ({
        %run_scoped3A = tpu.sem_alloc : memref<!tpu.dma_semaphore, #tpu.memory_space<semaphore_mem>>
        %dma_start3A_52 = arith.constant 9600 : i32
        %dma_start3A_53 = arith.constant 0 : i32
        %dma_start3A_54 = tpu.memref_slice %arg5[%arg0, %dma_start3A_52, %dma_start3A_53] : memref<2x10000x16xf32, #tpu.memory_space<hbm>> -> memref<1x400x16xf32, #tpu.memory_space<hbm>>
        %dma_start3A_55 = tpu.memref_squeeze %dma_start3A_54 : memref<1x400x16xf32, #tpu.memory_space<hbm>> -> memref<400x16xf32, #tpu.memory_space<hbm>>
        %dma_start3A_56 = arith.constant 9600 : i32
        %dma_start3A_57 = arith.constant 0 : i32
        %dma_start3A_58 = tpu.memref_slice %arg11[%dma_start3A_56, %dma_start3A_57] : memref<10000x16xf32, #tpu.memory_space<vmem_shared>> -> memref<400x16xf32, #tpu.memory_space<vmem_shared>>
        tpu.enqueue_dma source(%dma_start3A_58 : memref<400x16xf32, #tpu.memory_space<vmem_shared>>) target(%dma_start3A_55 : memref<400x16xf32, #tpu.memory_space<hbm>>) target_semaphore(%run_scoped3A : memref<!tpu.dma_semaphore, #tpu.memory_space<semaphore_mem>>)
        %dma_wait3A_59 = arith.constant 9600 : i32
        %dma_wait3A_60 = arith.constant 0 : i32
        %dma_wait3A_61 = tpu.memref_slice %arg5[%arg0, %dma_wait3A_59, %dma_wait3A_60] : memref<2x10000x16xf32, #tpu.memory_space<hbm>> -> memref<1x400x16xf32, #tpu.memory_space<hbm>>
        %dma_wait3A_62 = tpu.memref_squeeze %dma_wait3A_61 : memref<1x400x16xf32, #tpu.memory_space<hbm>> -> memref<400x16xf32, #tpu.memory_space<hbm>>
        %dma_wait3A_63 = arith.constant 9600 : i32
        %dma_wait3A_64 = arith.constant 0 : i32
        %dma_wait3A_65 = tpu.memref_slice %arg11[%dma_wait3A_63, %dma_wait3A_64] : memref<10000x16xf32, #tpu.memory_space<vmem_shared>> -> memref<400x16xf32, #tpu.memory_space<vmem_shared>>
        tpu.wait_dma2 semaphore(%run_scoped3A : memref<!tpu.dma_semaphore, #tpu.memory_space<semaphore_mem>>) src(%dma_wait3A_65 : memref<400x16xf32, #tpu.memory_space<vmem_shared>>) dst(%dma_wait3A_62 : memref<400x16xf32, #tpu.memory_space<hbm>>)
        tpu.yield
      }) : () -> ()
    } else {
    }
    return
  }
}

#map = affine_map<(d0, d1) -> (0, 0)>
#map1 = affine_map<(d0, d1) -> (0)>
#map2 = affine_map<(d0, d1) -> (0, 0, 0)>
module attributes {stable_mosaic.version = 14 : i64} {
  func.func @_scatter_body(%arg0: i32, %arg1: i32, %arg2: memref<10000x128xf32, #tpu.memory_space<hbm>>, %arg3: memref<320000xi32, #tpu.memory_space<hbm>>, %arg4: memref<320000xi32, #tpu.memory_space<hbm>>, %arg5: memref<10000x128xf32, #tpu.memory_space<hbm>>, %arg6: memref<2x10000x128xf32, #tpu.memory_space<hbm>>, %arg7: memref<80xi32, #tpu.memory_space<vmem>>, %arg8: memref<80xi32, #tpu.memory_space<vmem>>, %arg9: memref<80xi32, #tpu.memory_space<vmem>>, %arg10: memref<80xi32, #tpu.memory_space<vmem>>, %arg11: memref<80xi32, #tpu.memory_space<vmem>>, %arg12: memref<80xi32, #tpu.memory_space<vmem>>, %arg13: memref<80xi32, #tpu.memory_space<vmem>>, %arg14: memref<80xi32, #tpu.memory_space<vmem>>, %arg15: memref<80x128xf32, #tpu.memory_space<vmem>>, %arg16: memref<80x128xf32, #tpu.memory_space<vmem>>, %arg17: memref<80x128xf32, #tpu.memory_space<vmem>>, %arg18: memref<80x128xf32, #tpu.memory_space<vmem>>, %arg19: memref<10000x128xf32, #tpu.memory_space<vmem_shared>>, %arg20: memref<!tpu.dma_semaphore, #tpu.memory_space<semaphore_mem>>, %arg21: memref<!tpu.dma_semaphore, #tpu.memory_space<semaphore_mem>>, %arg22: memref<!tpu.dma_semaphore, #tpu.memory_space<semaphore_mem>>, %arg23: memref<!tpu.dma_semaphore, #tpu.memory_space<semaphore_mem>>, %arg24: memref<!tpu.dma_semaphore, #tpu.memory_space<semaphore_mem>>, %arg25: memref<!tpu.dma_semaphore, #tpu.memory_space<semaphore_mem>>, %arg26: memref<!tpu.dma_semaphore, #tpu.memory_space<semaphore_mem>>, %arg27: memref<!tpu.dma_semaphore, #tpu.memory_space<semaphore_mem>>, %arg28: memref<!tpu.dma_semaphore, #tpu.memory_space<semaphore_mem>>, %arg29: memref<!tpu.dma_semaphore, #tpu.memory_space<semaphore_mem>>) attributes {dimension_semantics = [#tpu.dimension_semantics<core_parallel>, #tpu.dimension_semantics<subcore_parallel>], iteration_bounds = array<i64: 2, 16>, scalar_prefetch = 0 : i64, scratch_operands = 23 : i64, tpu.core_type = #tpu.core_type<sc_vector_subcore>, window_params = [{transform_indices = #map}, {transform_indices = #map1}, {transform_indices = #map1}, {transform_indices = #map}, {transform_indices = #map2}]} {
    %mul3A = arith.constant 2 : i32
    %mul3A_0 = arith.muli %arg1, %mul3A : i32
    %add3A = arith.addi %mul3A_0, %arg0 : i32
    %lt3A = arith.constant 15 : i32
    %lt3A_1 = arith.cmpi slt, %arg1, %lt3A : i32
    %convert_element_type3A = arith.extui %lt3A_1 : i1 to i32
    %cond3A = arith.constant 0 : i32
    %cond3A_2 = arith.cmpi ne, %convert_element_type3A, %cond3A : i32
    scf.if %cond3A_2 {
      %mul3A_71 = arith.constant 640 : i32
      %mul3A_72 = arith.muli %arg1, %mul3A_71 : i32
      %mul3A_73 = arith.constant 640 : i32
      %mul3A_74 = arith.muli %arg1, %mul3A_73 : i32
      "tpu.region"() ({
        %run_scoped3A = tpu.sem_alloc : memref<!tpu.dma_semaphore, #tpu.memory_space<semaphore_mem>>
        %dma_start3A_75 = arith.constant 0 : i32
        %dma_start3A_76 = tpu.memref_slice %arg19[%mul3A_74, %dma_start3A_75] : memref<10000x128xf32, #tpu.memory_space<vmem_shared>> -> memref<640x128xf32, #tpu.memory_space<vmem_shared>>
        %dma_start3A_77 = arith.constant 0 : i32
        %dma_start3A_78 = tpu.memref_slice %arg5[%mul3A_72, %dma_start3A_77] : memref<10000x128xf32, #tpu.memory_space<hbm>> -> memref<640x128xf32, #tpu.memory_space<hbm>>
        tpu.enqueue_dma source(%dma_start3A_78 : memref<640x128xf32, #tpu.memory_space<hbm>>) target(%dma_start3A_76 : memref<640x128xf32, #tpu.memory_space<vmem_shared>>) target_semaphore(%run_scoped3A : memref<!tpu.dma_semaphore, #tpu.memory_space<semaphore_mem>>)
        %dma_wait3A_79 = arith.constant 0 : i32
        %dma_wait3A_80 = tpu.memref_slice %arg19[%mul3A_74, %dma_wait3A_79] : memref<10000x128xf32, #tpu.memory_space<vmem_shared>> -> memref<640x128xf32, #tpu.memory_space<vmem_shared>>
        %dma_wait3A_81 = arith.constant 0 : i32
        %dma_wait3A_82 = tpu.memref_slice %arg5[%mul3A_72, %dma_wait3A_81] : memref<10000x128xf32, #tpu.memory_space<hbm>> -> memref<640x128xf32, #tpu.memory_space<hbm>>
        tpu.wait_dma2 semaphore(%run_scoped3A : memref<!tpu.dma_semaphore, #tpu.memory_space<semaphore_mem>>) src(%dma_wait3A_82 : memref<640x128xf32, #tpu.memory_space<hbm>>) dst(%dma_wait3A_80 : memref<640x128xf32, #tpu.memory_space<vmem_shared>>)
        tpu.yield
      }) : () -> ()
    } else {
    }
    %eq3A = arith.constant 15 : i32
    %eq3A_3 = arith.cmpi eq, %arg1, %eq3A : i32
    %convert_element_type3A_4 = arith.extui %eq3A_3 : i1 to i32
    %cond3A_5 = arith.constant 0 : i32
    %cond3A_6 = arith.cmpi ne, %convert_element_type3A_4, %cond3A_5 : i32
    scf.if %cond3A_6 {
      "tpu.region"() ({
        %run_scoped3A = tpu.sem_alloc : memref<!tpu.dma_semaphore, #tpu.memory_space<semaphore_mem>>
        %dma_start3A_71 = arith.constant 9600 : i32
        %dma_start3A_72 = arith.constant 0 : i32
        %dma_start3A_73 = tpu.memref_slice %arg19[%dma_start3A_71, %dma_start3A_72] : memref<10000x128xf32, #tpu.memory_space<vmem_shared>> -> memref<400x128xf32, #tpu.memory_space<vmem_shared>>
        %dma_start3A_74 = arith.constant 9600 : i32
        %dma_start3A_75 = arith.constant 0 : i32
        %dma_start3A_76 = tpu.memref_slice %arg5[%dma_start3A_74, %dma_start3A_75] : memref<10000x128xf32, #tpu.memory_space<hbm>> -> memref<400x128xf32, #tpu.memory_space<hbm>>
        tpu.enqueue_dma source(%dma_start3A_76 : memref<400x128xf32, #tpu.memory_space<hbm>>) target(%dma_start3A_73 : memref<400x128xf32, #tpu.memory_space<vmem_shared>>) target_semaphore(%run_scoped3A : memref<!tpu.dma_semaphore, #tpu.memory_space<semaphore_mem>>)
        %dma_wait3A_77 = arith.constant 9600 : i32
        %dma_wait3A_78 = arith.constant 0 : i32
        %dma_wait3A_79 = tpu.memref_slice %arg19[%dma_wait3A_77, %dma_wait3A_78] : memref<10000x128xf32, #tpu.memory_space<vmem_shared>> -> memref<400x128xf32, #tpu.memory_space<vmem_shared>>
        %dma_wait3A_80 = arith.constant 9600 : i32
        %dma_wait3A_81 = arith.constant 0 : i32
        %dma_wait3A_82 = tpu.memref_slice %arg5[%dma_wait3A_80, %dma_wait3A_81] : memref<10000x128xf32, #tpu.memory_space<hbm>> -> memref<400x128xf32, #tpu.memory_space<hbm>>
        tpu.wait_dma2 semaphore(%run_scoped3A : memref<!tpu.dma_semaphore, #tpu.memory_space<semaphore_mem>>) src(%dma_wait3A_82 : memref<400x128xf32, #tpu.memory_space<hbm>>) dst(%dma_wait3A_79 : memref<400x128xf32, #tpu.memory_space<vmem_shared>>)
        tpu.yield
      }) : () -> ()
    } else {
    }
    %barrier3A = arith.constant 0 : index
    tpu.barrier barrier_id(%barrier3A)
    %add3A_7 = arith.constant 0 : i32
    %add3A_8 = arith.addi %add3A_7, %add3A : i32
    %mul3A_9 = arith.constant 80 : i32
    %mul3A_10 = arith.muli %add3A_8, %mul3A_9 : i32
    %dma_start3A = tpu.memref_slice %arg3[%mul3A_10] : memref<320000xi32, #tpu.memory_space<hbm>> -> memref<80xi32, #tpu.memory_space<hbm>>
    %dma_start3A_11 = tpu.memref_slice %arg3[%mul3A_10] : memref<320000xi32, #tpu.memory_space<hbm>> -> memref<80xi32, #tpu.memory_space<hbm>>
    tpu.enqueue_dma source(%dma_start3A_11 : memref<80xi32, #tpu.memory_space<hbm>>) target(%arg7 : memref<80xi32, #tpu.memory_space<vmem>>) target_semaphore(%arg24 : memref<!tpu.dma_semaphore, #tpu.memory_space<semaphore_mem>>)
    %mul3A_12 = arith.constant 80 : i32
    %mul3A_13 = arith.muli %add3A_8, %mul3A_12 : i32
    %dma_start3A_14 = tpu.memref_slice %arg4[%mul3A_13] : memref<320000xi32, #tpu.memory_space<hbm>> -> memref<80xi32, #tpu.memory_space<hbm>>
    %dma_start3A_15 = tpu.memref_slice %arg4[%mul3A_13] : memref<320000xi32, #tpu.memory_space<hbm>> -> memref<80xi32, #tpu.memory_space<hbm>>
    tpu.enqueue_dma source(%dma_start3A_15 : memref<80xi32, #tpu.memory_space<hbm>>) target(%arg11 : memref<80xi32, #tpu.memory_space<vmem>>) target_semaphore(%arg24 : memref<!tpu.dma_semaphore, #tpu.memory_space<semaphore_mem>>)
    %add3A_16 = arith.constant 32 : i32
    %add3A_17 = arith.addi %add3A_16, %add3A : i32
    %mul3A_18 = arith.constant 80 : i32
    %mul3A_19 = arith.muli %add3A_17, %mul3A_18 : i32
    %dma_start3A_20 = tpu.memref_slice %arg3[%mul3A_19] : memref<320000xi32, #tpu.memory_space<hbm>> -> memref<80xi32, #tpu.memory_space<hbm>>
    %dma_start3A_21 = tpu.memref_slice %arg3[%mul3A_19] : memref<320000xi32, #tpu.memory_space<hbm>> -> memref<80xi32, #tpu.memory_space<hbm>>
    tpu.enqueue_dma source(%dma_start3A_21 : memref<80xi32, #tpu.memory_space<hbm>>) target(%arg8 : memref<80xi32, #tpu.memory_space<vmem>>) target_semaphore(%arg25 : memref<!tpu.dma_semaphore, #tpu.memory_space<semaphore_mem>>)
    %mul3A_22 = arith.constant 80 : i32
    %mul3A_23 = arith.muli %add3A_17, %mul3A_22 : i32
    %dma_start3A_24 = tpu.memref_slice %arg4[%mul3A_23] : memref<320000xi32, #tpu.memory_space<hbm>> -> memref<80xi32, #tpu.memory_space<hbm>>
    %dma_start3A_25 = tpu.memref_slice %arg4[%mul3A_23] : memref<320000xi32, #tpu.memory_space<hbm>> -> memref<80xi32, #tpu.memory_space<hbm>>
    tpu.enqueue_dma source(%dma_start3A_25 : memref<80xi32, #tpu.memory_space<hbm>>) target(%arg12 : memref<80xi32, #tpu.memory_space<vmem>>) target_semaphore(%arg25 : memref<!tpu.dma_semaphore, #tpu.memory_space<semaphore_mem>>)
    %dma_wait3A = arith.constant 0 : i32
    %dma_wait3A_26 = tpu.memref_slice %arg3[%dma_wait3A] : memref<320000xi32, #tpu.memory_space<hbm>> -> memref<80xi32, #tpu.memory_space<hbm>>
    %dma_wait3A_27 = arith.constant 0 : i32
    %dma_wait3A_28 = tpu.memref_slice %arg3[%dma_wait3A_27] : memref<320000xi32, #tpu.memory_space<hbm>> -> memref<80xi32, #tpu.memory_space<hbm>>
    tpu.wait_dma2 semaphore(%arg24 : memref<!tpu.dma_semaphore, #tpu.memory_space<semaphore_mem>>) src(%dma_wait3A_28 : memref<80xi32, #tpu.memory_space<hbm>>) dst(%arg7 : memref<80xi32, #tpu.memory_space<vmem>>)
    %dma_wait3A_29 = arith.constant 0 : i32
    %dma_wait3A_30 = tpu.memref_slice %arg4[%dma_wait3A_29] : memref<320000xi32, #tpu.memory_space<hbm>> -> memref<80xi32, #tpu.memory_space<hbm>>
    %dma_wait3A_31 = arith.constant 0 : i32
    %dma_wait3A_32 = tpu.memref_slice %arg4[%dma_wait3A_31] : memref<320000xi32, #tpu.memory_space<hbm>> -> memref<80xi32, #tpu.memory_space<hbm>>
    tpu.wait_dma2 semaphore(%arg24 : memref<!tpu.dma_semaphore, #tpu.memory_space<semaphore_mem>>) src(%dma_wait3A_32 : memref<80xi32, #tpu.memory_space<hbm>>) dst(%arg11 : memref<80xi32, #tpu.memory_space<vmem>>)
    %dma_start3A_33 = arith.constant 0 : i32
    %dma_start3A_34 = arith.constant 0 : i32
    %dma_start3A_35 = tpu.memref_slice %arg2[%dma_start3A_33, %dma_start3A_34] : memref<10000x128xf32, #tpu.memory_space<hbm>> -> memref<10000x128xf32, #tpu.memory_space<hbm>>
    tpu.enqueue_indirect_dma source(%dma_start3A_35 : memref<10000x128xf32, #tpu.memory_space<hbm>>) target(%arg15 : memref<80x128xf32, #tpu.memory_space<vmem>>) offsets(%arg7 : memref<80xi32, #tpu.memory_space<vmem>>) semaphore(%arg20 : memref<!tpu.dma_semaphore, #tpu.memory_space<semaphore_mem>>)
    %scan3A = arith.constant 0 : i32
    %scan3A_36 = arith.constant 0 : i32
    %scan3A_37 = arith.constant 31 : i32
    %scan3A_38 = arith.addi %scan3A_36, %scan3A_37 : i32
    %scan3A_39 = arith.constant 1 : i32
    scf.for %scan3A_71 = %scan3A_36 to %scan3A_38 step %scan3A_39  : i32 {
      %mul3A_72 = arith.constant 4 : i32
      %mul3A_73 = arith.muli %scan3A_71, %mul3A_72 : i32
      %add3A_74 = arith.constant 0 : i32
      %add3A_75 = arith.addi %mul3A_73, %add3A_74 : i32
      %ge3A = arith.constant 2 : i32
      %ge3A_76 = arith.cmpi sge, %add3A_75, %ge3A : i32
      %convert_element_type3A_77 = arith.extui %ge3A_76 : i1 to i32
      %cond3A_78 = arith.constant 0 : i32
      %cond3A_79 = arith.cmpi ne, %convert_element_type3A_77, %cond3A_78 : i32
      scf.if %cond3A_79 {
        %dma_wait3A_187 = arith.constant 0 : i32
        %dma_wait3A_188 = arith.constant 0 : i32
        %dma_wait3A_189 = tpu.memref_slice %arg19[%dma_wait3A_187, %dma_wait3A_188] : memref<10000x128xf32, #tpu.memory_space<vmem_shared>> -> memref<10000x128xf32, #tpu.memory_space<vmem_shared>>
        tpu.wait_indirect_dma semaphore(%arg28 : memref<!tpu.dma_semaphore, #tpu.memory_space<semaphore_mem>>) src(%arg15 : memref<80x128xf32, #tpu.memory_space<vmem>>) dst(%dma_wait3A_189 : memref<10000x128xf32, #tpu.memory_space<vmem_shared>>)
      } else {
      }
      %add3A_80 = arith.constant 2 : i32
      %add3A_81 = arith.addi %add3A_75, %add3A_80 : i32
      %lt3A_82 = arith.constant 124 : i32
      %lt3A_83 = arith.cmpi slt, %add3A_81, %lt3A_82 : i32
      %convert_element_type3A_84 = arith.extui %lt3A_83 : i1 to i32
      %cond3A_85 = arith.constant 0 : i32
      %cond3A_86 = arith.cmpi ne, %convert_element_type3A_84, %cond3A_85 : i32
      scf.if %cond3A_86 {
        %add3A_187 = arith.constant 2 : i32
        %add3A_188 = arith.addi %add3A_75, %add3A_187 : i32
        %mul3A_189 = arith.constant 32 : i32
        %mul3A_190 = arith.muli %add3A_188, %mul3A_189 : i32
        %add3A_191 = arith.addi %mul3A_190, %add3A : i32
        %mul3A_192 = arith.constant 80 : i32
        %mul3A_193 = arith.muli %add3A_191, %mul3A_192 : i32
        %dma_start3A_194 = tpu.memref_slice %arg3[%mul3A_193] : memref<320000xi32, #tpu.memory_space<hbm>> -> memref<80xi32, #tpu.memory_space<hbm>>
        %dma_start3A_195 = tpu.memref_slice %arg3[%mul3A_193] : memref<320000xi32, #tpu.memory_space<hbm>> -> memref<80xi32, #tpu.memory_space<hbm>>
        tpu.enqueue_dma source(%dma_start3A_195 : memref<80xi32, #tpu.memory_space<hbm>>) target(%arg9 : memref<80xi32, #tpu.memory_space<vmem>>) target_semaphore(%arg26 : memref<!tpu.dma_semaphore, #tpu.memory_space<semaphore_mem>>)
        %mul3A_196 = arith.constant 80 : i32
        %mul3A_197 = arith.muli %add3A_191, %mul3A_196 : i32
        %dma_start3A_198 = tpu.memref_slice %arg4[%mul3A_197] : memref<320000xi32, #tpu.memory_space<hbm>> -> memref<80xi32, #tpu.memory_space<hbm>>
        %dma_start3A_199 = tpu.memref_slice %arg4[%mul3A_197] : memref<320000xi32, #tpu.memory_space<hbm>> -> memref<80xi32, #tpu.memory_space<hbm>>
        tpu.enqueue_dma source(%dma_start3A_199 : memref<80xi32, #tpu.memory_space<hbm>>) target(%arg13 : memref<80xi32, #tpu.memory_space<vmem>>) target_semaphore(%arg26 : memref<!tpu.dma_semaphore, #tpu.memory_space<semaphore_mem>>)
      } else {
      }
      %add3A_87 = arith.constant 1 : i32
      %add3A_88 = arith.addi %add3A_75, %add3A_87 : i32
      %lt3A_89 = arith.constant 124 : i32
      %lt3A_90 = arith.cmpi slt, %add3A_88, %lt3A_89 : i32
      %convert_element_type3A_91 = arith.extui %lt3A_90 : i1 to i32
      %cond3A_92 = arith.constant 0 : i32
      %cond3A_93 = arith.cmpi ne, %convert_element_type3A_91, %cond3A_92 : i32
      scf.if %cond3A_93 {
        %dma_wait3A_187 = arith.constant 0 : i32
        %dma_wait3A_188 = tpu.memref_slice %arg3[%dma_wait3A_187] : memref<320000xi32, #tpu.memory_space<hbm>> -> memref<80xi32, #tpu.memory_space<hbm>>
        %dma_wait3A_189 = arith.constant 0 : i32
        %dma_wait3A_190 = tpu.memref_slice %arg3[%dma_wait3A_189] : memref<320000xi32, #tpu.memory_space<hbm>> -> memref<80xi32, #tpu.memory_space<hbm>>
        tpu.wait_dma2 semaphore(%arg25 : memref<!tpu.dma_semaphore, #tpu.memory_space<semaphore_mem>>) src(%dma_wait3A_190 : memref<80xi32, #tpu.memory_space<hbm>>) dst(%arg8 : memref<80xi32, #tpu.memory_space<vmem>>)
        %dma_wait3A_191 = arith.constant 0 : i32
        %dma_wait3A_192 = tpu.memref_slice %arg4[%dma_wait3A_191] : memref<320000xi32, #tpu.memory_space<hbm>> -> memref<80xi32, #tpu.memory_space<hbm>>
        %dma_wait3A_193 = arith.constant 0 : i32
        %dma_wait3A_194 = tpu.memref_slice %arg4[%dma_wait3A_193] : memref<320000xi32, #tpu.memory_space<hbm>> -> memref<80xi32, #tpu.memory_space<hbm>>
        tpu.wait_dma2 semaphore(%arg25 : memref<!tpu.dma_semaphore, #tpu.memory_space<semaphore_mem>>) src(%dma_wait3A_194 : memref<80xi32, #tpu.memory_space<hbm>>) dst(%arg12 : memref<80xi32, #tpu.memory_space<vmem>>)
        %dma_start3A_195 = arith.constant 0 : i32
        %dma_start3A_196 = arith.constant 0 : i32
        %dma_start3A_197 = tpu.memref_slice %arg2[%dma_start3A_195, %dma_start3A_196] : memref<10000x128xf32, #tpu.memory_space<hbm>> -> memref<10000x128xf32, #tpu.memory_space<hbm>>
        tpu.enqueue_indirect_dma source(%dma_start3A_197 : memref<10000x128xf32, #tpu.memory_space<hbm>>) target(%arg16 : memref<80x128xf32, #tpu.memory_space<vmem>>) offsets(%arg8 : memref<80xi32, #tpu.memory_space<vmem>>) semaphore(%arg21 : memref<!tpu.dma_semaphore, #tpu.memory_space<semaphore_mem>>)
      } else {
      }
      %dma_wait3A_94 = arith.constant 0 : i32
      %dma_wait3A_95 = arith.constant 0 : i32
      %dma_wait3A_96 = tpu.memref_slice %arg2[%dma_wait3A_94, %dma_wait3A_95] : memref<10000x128xf32, #tpu.memory_space<hbm>> -> memref<10000x128xf32, #tpu.memory_space<hbm>>
      tpu.wait_indirect_dma semaphore(%arg20 : memref<!tpu.dma_semaphore, #tpu.memory_space<semaphore_mem>>) src(%dma_wait3A_96 : memref<10000x128xf32, #tpu.memory_space<hbm>>) dst(%arg15 : memref<80x128xf32, #tpu.memory_space<vmem>>)
      %dma_start3A_97 = arith.constant 0 : i32
      %dma_start3A_98 = arith.constant 0 : i32
      %dma_start3A_99 = tpu.memref_slice %arg19[%dma_start3A_97, %dma_start3A_98] : memref<10000x128xf32, #tpu.memory_space<vmem_shared>> -> memref<10000x128xf32, #tpu.memory_space<vmem_shared>>
      tpu.enqueue_indirect_dma source(%arg15 : memref<80x128xf32, #tpu.memory_space<vmem>>) target(%dma_start3A_99 : memref<10000x128xf32, #tpu.memory_space<vmem_shared>>) offsets(%arg11 : memref<80xi32, #tpu.memory_space<vmem>>) semaphore(%arg28 : memref<!tpu.dma_semaphore, #tpu.memory_space<semaphore_mem>>) {add = true}
      %mul3A_100 = arith.constant 4 : i32
      %mul3A_101 = arith.muli %scan3A_71, %mul3A_100 : i32
      %add3A_102 = arith.constant 1 : i32
      %add3A_103 = arith.addi %mul3A_101, %add3A_102 : i32
      %ge3A_104 = arith.constant 2 : i32
      %ge3A_105 = arith.cmpi sge, %add3A_103, %ge3A_104 : i32
      %convert_element_type3A_106 = arith.extui %ge3A_105 : i1 to i32
      %cond3A_107 = arith.constant 0 : i32
      %cond3A_108 = arith.cmpi ne, %convert_element_type3A_106, %cond3A_107 : i32
      scf.if %cond3A_108 {
        %dma_wait3A_187 = arith.constant 0 : i32
        %dma_wait3A_188 = arith.constant 0 : i32
        %dma_wait3A_189 = tpu.memref_slice %arg19[%dma_wait3A_187, %dma_wait3A_188] : memref<10000x128xf32, #tpu.memory_space<vmem_shared>> -> memref<10000x128xf32, #tpu.memory_space<vmem_shared>>
        tpu.wait_indirect_dma semaphore(%arg29 : memref<!tpu.dma_semaphore, #tpu.memory_space<semaphore_mem>>) src(%arg16 : memref<80x128xf32, #tpu.memory_space<vmem>>) dst(%dma_wait3A_189 : memref<10000x128xf32, #tpu.memory_space<vmem_shared>>)
      } else {
      }
      %add3A_109 = arith.constant 2 : i32
      %add3A_110 = arith.addi %add3A_103, %add3A_109 : i32
      %lt3A_111 = arith.constant 124 : i32
      %lt3A_112 = arith.cmpi slt, %add3A_110, %lt3A_111 : i32
      %convert_element_type3A_113 = arith.extui %lt3A_112 : i1 to i32
      %cond3A_114 = arith.constant 0 : i32
      %cond3A_115 = arith.cmpi ne, %convert_element_type3A_113, %cond3A_114 : i32
      scf.if %cond3A_115 {
        %add3A_187 = arith.constant 2 : i32
        %add3A_188 = arith.addi %add3A_103, %add3A_187 : i32
        %mul3A_189 = arith.constant 32 : i32
        %mul3A_190 = arith.muli %add3A_188, %mul3A_189 : i32
        %add3A_191 = arith.addi %mul3A_190, %add3A : i32
        %mul3A_192 = arith.constant 80 : i32
        %mul3A_193 = arith.muli %add3A_191, %mul3A_192 : i32
        %dma_start3A_194 = tpu.memref_slice %arg3[%mul3A_193] : memref<320000xi32, #tpu.memory_space<hbm>> -> memref<80xi32, #tpu.memory_space<hbm>>
        %dma_start3A_195 = tpu.memref_slice %arg3[%mul3A_193] : memref<320000xi32, #tpu.memory_space<hbm>> -> memref<80xi32, #tpu.memory_space<hbm>>
        tpu.enqueue_dma source(%dma_start3A_195 : memref<80xi32, #tpu.memory_space<hbm>>) target(%arg10 : memref<80xi32, #tpu.memory_space<vmem>>) target_semaphore(%arg27 : memref<!tpu.dma_semaphore, #tpu.memory_space<semaphore_mem>>)
        %mul3A_196 = arith.constant 80 : i32
        %mul3A_197 = arith.muli %add3A_191, %mul3A_196 : i32
        %dma_start3A_198 = tpu.memref_slice %arg4[%mul3A_197] : memref<320000xi32, #tpu.memory_space<hbm>> -> memref<80xi32, #tpu.memory_space<hbm>>
        %dma_start3A_199 = tpu.memref_slice %arg4[%mul3A_197] : memref<320000xi32, #tpu.memory_space<hbm>> -> memref<80xi32, #tpu.memory_space<hbm>>
        tpu.enqueue_dma source(%dma_start3A_199 : memref<80xi32, #tpu.memory_space<hbm>>) target(%arg14 : memref<80xi32, #tpu.memory_space<vmem>>) target_semaphore(%arg27 : memref<!tpu.dma_semaphore, #tpu.memory_space<semaphore_mem>>)
      } else {
      }
      %add3A_116 = arith.constant 1 : i32
      %add3A_117 = arith.addi %add3A_103, %add3A_116 : i32
      %lt3A_118 = arith.constant 124 : i32
      %lt3A_119 = arith.cmpi slt, %add3A_117, %lt3A_118 : i32
      %convert_element_type3A_120 = arith.extui %lt3A_119 : i1 to i32
      %cond3A_121 = arith.constant 0 : i32
      %cond3A_122 = arith.cmpi ne, %convert_element_type3A_120, %cond3A_121 : i32
      scf.if %cond3A_122 {
        %dma_wait3A_187 = arith.constant 0 : i32
        %dma_wait3A_188 = tpu.memref_slice %arg3[%dma_wait3A_187] : memref<320000xi32, #tpu.memory_space<hbm>> -> memref<80xi32, #tpu.memory_space<hbm>>
        %dma_wait3A_189 = arith.constant 0 : i32
        %dma_wait3A_190 = tpu.memref_slice %arg3[%dma_wait3A_189] : memref<320000xi32, #tpu.memory_space<hbm>> -> memref<80xi32, #tpu.memory_space<hbm>>
        tpu.wait_dma2 semaphore(%arg26 : memref<!tpu.dma_semaphore, #tpu.memory_space<semaphore_mem>>) src(%dma_wait3A_190 : memref<80xi32, #tpu.memory_space<hbm>>) dst(%arg9 : memref<80xi32, #tpu.memory_space<vmem>>)
        %dma_wait3A_191 = arith.constant 0 : i32
        %dma_wait3A_192 = tpu.memref_slice %arg4[%dma_wait3A_191] : memref<320000xi32, #tpu.memory_space<hbm>> -> memref<80xi32, #tpu.memory_space<hbm>>
        %dma_wait3A_193 = arith.constant 0 : i32
        %dma_wait3A_194 = tpu.memref_slice %arg4[%dma_wait3A_193] : memref<320000xi32, #tpu.memory_space<hbm>> -> memref<80xi32, #tpu.memory_space<hbm>>
        tpu.wait_dma2 semaphore(%arg26 : memref<!tpu.dma_semaphore, #tpu.memory_space<semaphore_mem>>) src(%dma_wait3A_194 : memref<80xi32, #tpu.memory_space<hbm>>) dst(%arg13 : memref<80xi32, #tpu.memory_space<vmem>>)
        %dma_start3A_195 = arith.constant 0 : i32
        %dma_start3A_196 = arith.constant 0 : i32
        %dma_start3A_197 = tpu.memref_slice %arg2[%dma_start3A_195, %dma_start3A_196] : memref<10000x128xf32, #tpu.memory_space<hbm>> -> memref<10000x128xf32, #tpu.memory_space<hbm>>
        tpu.enqueue_indirect_dma source(%dma_start3A_197 : memref<10000x128xf32, #tpu.memory_space<hbm>>) target(%arg17 : memref<80x128xf32, #tpu.memory_space<vmem>>) offsets(%arg9 : memref<80xi32, #tpu.memory_space<vmem>>) semaphore(%arg22 : memref<!tpu.dma_semaphore, #tpu.memory_space<semaphore_mem>>)
      } else {
      }
      %dma_wait3A_123 = arith.constant 0 : i32
      %dma_wait3A_124 = arith.constant 0 : i32
      %dma_wait3A_125 = tpu.memref_slice %arg2[%dma_wait3A_123, %dma_wait3A_124] : memref<10000x128xf32, #tpu.memory_space<hbm>> -> memref<10000x128xf32, #tpu.memory_space<hbm>>
      tpu.wait_indirect_dma semaphore(%arg21 : memref<!tpu.dma_semaphore, #tpu.memory_space<semaphore_mem>>) src(%dma_wait3A_125 : memref<10000x128xf32, #tpu.memory_space<hbm>>) dst(%arg16 : memref<80x128xf32, #tpu.memory_space<vmem>>)
      %dma_start3A_126 = arith.constant 0 : i32
      %dma_start3A_127 = arith.constant 0 : i32
      %dma_start3A_128 = tpu.memref_slice %arg19[%dma_start3A_126, %dma_start3A_127] : memref<10000x128xf32, #tpu.memory_space<vmem_shared>> -> memref<10000x128xf32, #tpu.memory_space<vmem_shared>>
      tpu.enqueue_indirect_dma source(%arg16 : memref<80x128xf32, #tpu.memory_space<vmem>>) target(%dma_start3A_128 : memref<10000x128xf32, #tpu.memory_space<vmem_shared>>) offsets(%arg12 : memref<80xi32, #tpu.memory_space<vmem>>) semaphore(%arg29 : memref<!tpu.dma_semaphore, #tpu.memory_space<semaphore_mem>>) {add = true}
      %mul3A_129 = arith.constant 4 : i32
      %mul3A_130 = arith.muli %scan3A_71, %mul3A_129 : i32
      %add3A_131 = arith.constant 2 : i32
      %add3A_132 = arith.addi %mul3A_130, %add3A_131 : i32
      %ge3A_133 = arith.constant 2 : i32
      %ge3A_134 = arith.cmpi sge, %add3A_132, %ge3A_133 : i32
      %convert_element_type3A_135 = arith.extui %ge3A_134 : i1 to i32
      %cond3A_136 = arith.constant 0 : i32
      %cond3A_137 = arith.cmpi ne, %convert_element_type3A_135, %cond3A_136 : i32
      scf.if %cond3A_137 {
        %dma_wait3A_187 = arith.constant 0 : i32
        %dma_wait3A_188 = arith.constant 0 : i32
        %dma_wait3A_189 = tpu.memref_slice %arg19[%dma_wait3A_187, %dma_wait3A_188] : memref<10000x128xf32, #tpu.memory_space<vmem_shared>> -> memref<10000x128xf32, #tpu.memory_space<vmem_shared>>
        tpu.wait_indirect_dma semaphore(%arg28 : memref<!tpu.dma_semaphore, #tpu.memory_space<semaphore_mem>>) src(%arg15 : memref<80x128xf32, #tpu.memory_space<vmem>>) dst(%dma_wait3A_189 : memref<10000x128xf32, #tpu.memory_space<vmem_shared>>)
      } else {
      }
      %add3A_138 = arith.constant 2 : i32
      %add3A_139 = arith.addi %add3A_132, %add3A_138 : i32
      %lt3A_140 = arith.constant 124 : i32
      %lt3A_141 = arith.cmpi slt, %add3A_139, %lt3A_140 : i32
      %convert_element_type3A_142 = arith.extui %lt3A_141 : i1 to i32
      %cond3A_143 = arith.constant 0 : i32
      %cond3A_144 = arith.cmpi ne, %convert_element_type3A_142, %cond3A_143 : i32
      scf.if %cond3A_144 {
        %add3A_187 = arith.constant 2 : i32
        %add3A_188 = arith.addi %add3A_132, %add3A_187 : i32
        %mul3A_189 = arith.constant 32 : i32
        %mul3A_190 = arith.muli %add3A_188, %mul3A_189 : i32
        %add3A_191 = arith.addi %mul3A_190, %add3A : i32
        %mul3A_192 = arith.constant 80 : i32
        %mul3A_193 = arith.muli %add3A_191, %mul3A_192 : i32
        %dma_start3A_194 = tpu.memref_slice %arg3[%mul3A_193] : memref<320000xi32, #tpu.memory_space<hbm>> -> memref<80xi32, #tpu.memory_space<hbm>>
        %dma_start3A_195 = tpu.memref_slice %arg3[%mul3A_193] : memref<320000xi32, #tpu.memory_space<hbm>> -> memref<80xi32, #tpu.memory_space<hbm>>
        tpu.enqueue_dma source(%dma_start3A_195 : memref<80xi32, #tpu.memory_space<hbm>>) target(%arg7 : memref<80xi32, #tpu.memory_space<vmem>>) target_semaphore(%arg24 : memref<!tpu.dma_semaphore, #tpu.memory_space<semaphore_mem>>)
        %mul3A_196 = arith.constant 80 : i32
        %mul3A_197 = arith.muli %add3A_191, %mul3A_196 : i32
        %dma_start3A_198 = tpu.memref_slice %arg4[%mul3A_197] : memref<320000xi32, #tpu.memory_space<hbm>> -> memref<80xi32, #tpu.memory_space<hbm>>
        %dma_start3A_199 = tpu.memref_slice %arg4[%mul3A_197] : memref<320000xi32, #tpu.memory_space<hbm>> -> memref<80xi32, #tpu.memory_space<hbm>>
        tpu.enqueue_dma source(%dma_start3A_199 : memref<80xi32, #tpu.memory_space<hbm>>) target(%arg11 : memref<80xi32, #tpu.memory_space<vmem>>) target_semaphore(%arg24 : memref<!tpu.dma_semaphore, #tpu.memory_space<semaphore_mem>>)
      } else {
      }
      %add3A_145 = arith.constant 1 : i32
      %add3A_146 = arith.addi %add3A_132, %add3A_145 : i32
      %lt3A_147 = arith.constant 124 : i32
      %lt3A_148 = arith.cmpi slt, %add3A_146, %lt3A_147 : i32
      %convert_element_type3A_149 = arith.extui %lt3A_148 : i1 to i32
      %cond3A_150 = arith.constant 0 : i32
      %cond3A_151 = arith.cmpi ne, %convert_element_type3A_149, %cond3A_150 : i32
      scf.if %cond3A_151 {
        %dma_wait3A_187 = arith.constant 0 : i32
        %dma_wait3A_188 = tpu.memref_slice %arg3[%dma_wait3A_187] : memref<320000xi32, #tpu.memory_space<hbm>> -> memref<80xi32, #tpu.memory_space<hbm>>
        %dma_wait3A_189 = arith.constant 0 : i32
        %dma_wait3A_190 = tpu.memref_slice %arg3[%dma_wait3A_189] : memref<320000xi32, #tpu.memory_space<hbm>> -> memref<80xi32, #tpu.memory_space<hbm>>
        tpu.wait_dma2 semaphore(%arg27 : memref<!tpu.dma_semaphore, #tpu.memory_space<semaphore_mem>>) src(%dma_wait3A_190 : memref<80xi32, #tpu.memory_space<hbm>>) dst(%arg10 : memref<80xi32, #tpu.memory_space<vmem>>)
        %dma_wait3A_191 = arith.constant 0 : i32
        %dma_wait3A_192 = tpu.memref_slice %arg4[%dma_wait3A_191] : memref<320000xi32, #tpu.memory_space<hbm>> -> memref<80xi32, #tpu.memory_space<hbm>>
        %dma_wait3A_193 = arith.constant 0 : i32
        %dma_wait3A_194 = tpu.memref_slice %arg4[%dma_wait3A_193] : memref<320000xi32, #tpu.memory_space<hbm>> -> memref<80xi32, #tpu.memory_space<hbm>>
        tpu.wait_dma2 semaphore(%arg27 : memref<!tpu.dma_semaphore, #tpu.memory_space<semaphore_mem>>) src(%dma_wait3A_194 : memref<80xi32, #tpu.memory_space<hbm>>) dst(%arg14 : memref<80xi32, #tpu.memory_space<vmem>>)
        %dma_start3A_195 = arith.constant 0 : i32
        %dma_start3A_196 = arith.constant 0 : i32
        %dma_start3A_197 = tpu.memref_slice %arg2[%dma_start3A_195, %dma_start3A_196] : memref<10000x128xf32, #tpu.memory_space<hbm>> -> memref<10000x128xf32, #tpu.memory_space<hbm>>
        tpu.enqueue_indirect_dma source(%dma_start3A_197 : memref<10000x128xf32, #tpu.memory_space<hbm>>) target(%arg18 : memref<80x128xf32, #tpu.memory_space<vmem>>) offsets(%arg10 : memref<80xi32, #tpu.memory_space<vmem>>) semaphore(%arg23 : memref<!tpu.dma_semaphore, #tpu.memory_space<semaphore_mem>>)
      } else {
      }
      %dma_wait3A_152 = arith.constant 0 : i32
      %dma_wait3A_153 = arith.constant 0 : i32
      %dma_wait3A_154 = tpu.memref_slice %arg2[%dma_wait3A_152, %dma_wait3A_153] : memref<10000x128xf32, #tpu.memory_space<hbm>> -> memref<10000x128xf32, #tpu.memory_space<hbm>>
      tpu.wait_indirect_dma semaphore(%arg22 : memref<!tpu.dma_semaphore, #tpu.memory_space<semaphore_mem>>) src(%dma_wait3A_154 : memref<10000x128xf32, #tpu.memory_space<hbm>>) dst(%arg17 : memref<80x128xf32, #tpu.memory_space<vmem>>)
      %dma_start3A_155 = arith.constant 0 : i32
      %dma_start3A_156 = arith.constant 0 : i32
      %dma_start3A_157 = tpu.memref_slice %arg19[%dma_start3A_155, %dma_start3A_156] : memref<10000x128xf32, #tpu.memory_space<vmem_shared>> -> memref<10000x128xf32, #tpu.memory_space<vmem_shared>>
      tpu.enqueue_indirect_dma source(%arg17 : memref<80x128xf32, #tpu.memory_space<vmem>>) target(%dma_start3A_157 : memref<10000x128xf32, #tpu.memory_space<vmem_shared>>) offsets(%arg13 : memref<80xi32, #tpu.memory_space<vmem>>) semaphore(%arg28 : memref<!tpu.dma_semaphore, #tpu.memory_space<semaphore_mem>>) {add = true}
      %mul3A_158 = arith.constant 4 : i32
      %mul3A_159 = arith.muli %scan3A_71, %mul3A_158 : i32
      %add3A_160 = arith.constant 3 : i32
      %add3A_161 = arith.addi %mul3A_159, %add3A_160 : i32
      %ge3A_162 = arith.constant 2 : i32
      %ge3A_163 = arith.cmpi sge, %add3A_161, %ge3A_162 : i32
      %convert_element_type3A_164 = arith.extui %ge3A_163 : i1 to i32
      %cond3A_165 = arith.constant 0 : i32
      %cond3A_166 = arith.cmpi ne, %convert_element_type3A_164, %cond3A_165 : i32
      scf.if %cond3A_166 {
        %dma_wait3A_187 = arith.constant 0 : i32
        %dma_wait3A_188 = arith.constant 0 : i32
        %dma_wait3A_189 = tpu.memref_slice %arg19[%dma_wait3A_187, %dma_wait3A_188] : memref<10000x128xf32, #tpu.memory_space<vmem_shared>> -> memref<10000x128xf32, #tpu.memory_space<vmem_shared>>
        tpu.wait_indirect_dma semaphore(%arg29 : memref<!tpu.dma_semaphore, #tpu.memory_space<semaphore_mem>>) src(%arg16 : memref<80x128xf32, #tpu.memory_space<vmem>>) dst(%dma_wait3A_189 : memref<10000x128xf32, #tpu.memory_space<vmem_shared>>)
      } else {
      }
      %add3A_167 = arith.constant 2 : i32
      %add3A_168 = arith.addi %add3A_161, %add3A_167 : i32
      %lt3A_169 = arith.constant 124 : i32
      %lt3A_170 = arith.cmpi slt, %add3A_168, %lt3A_169 : i32
      %convert_element_type3A_171 = arith.extui %lt3A_170 : i1 to i32
      %cond3A_172 = arith.constant 0 : i32
      %cond3A_173 = arith.cmpi ne, %convert_element_type3A_171, %cond3A_172 : i32
      scf.if %cond3A_173 {
        %add3A_187 = arith.constant 2 : i32
        %add3A_188 = arith.addi %add3A_161, %add3A_187 : i32
        %mul3A_189 = arith.constant 32 : i32
        %mul3A_190 = arith.muli %add3A_188, %mul3A_189 : i32
        %add3A_191 = arith.addi %mul3A_190, %add3A : i32
        %mul3A_192 = arith.constant 80 : i32
        %mul3A_193 = arith.muli %add3A_191, %mul3A_192 : i32
        %dma_start3A_194 = tpu.memref_slice %arg3[%mul3A_193] : memref<320000xi32, #tpu.memory_space<hbm>> -> memref<80xi32, #tpu.memory_space<hbm>>
        %dma_start3A_195 = tpu.memref_slice %arg3[%mul3A_193] : memref<320000xi32, #tpu.memory_space<hbm>> -> memref<80xi32, #tpu.memory_space<hbm>>
        tpu.enqueue_dma source(%dma_start3A_195 : memref<80xi32, #tpu.memory_space<hbm>>) target(%arg8 : memref<80xi32, #tpu.memory_space<vmem>>) target_semaphore(%arg25 : memref<!tpu.dma_semaphore, #tpu.memory_space<semaphore_mem>>)
        %mul3A_196 = arith.constant 80 : i32
        %mul3A_197 = arith.muli %add3A_191, %mul3A_196 : i32
        %dma_start3A_198 = tpu.memref_slice %arg4[%mul3A_197] : memref<320000xi32, #tpu.memory_space<hbm>> -> memref<80xi32, #tpu.memory_space<hbm>>
        %dma_start3A_199 = tpu.memref_slice %arg4[%mul3A_197] : memref<320000xi32, #tpu.memory_space<hbm>> -> memref<80xi32, #tpu.memory_space<hbm>>
        tpu.enqueue_dma source(%dma_start3A_199 : memref<80xi32, #tpu.memory_space<hbm>>) target(%arg12 : memref<80xi32, #tpu.memory_space<vmem>>) target_semaphore(%arg25 : memref<!tpu.dma_semaphore, #tpu.memory_space<semaphore_mem>>)
      } else {
      }
      %add3A_174 = arith.constant 1 : i32
      %add3A_175 = arith.addi %add3A_161, %add3A_174 : i32
      %lt3A_176 = arith.constant 124 : i32
      %lt3A_177 = arith.cmpi slt, %add3A_175, %lt3A_176 : i32
      %convert_element_type3A_178 = arith.extui %lt3A_177 : i1 to i32
      %cond3A_179 = arith.constant 0 : i32
      %cond3A_180 = arith.cmpi ne, %convert_element_type3A_178, %cond3A_179 : i32
      scf.if %cond3A_180 {
        %dma_wait3A_187 = arith.constant 0 : i32
        %dma_wait3A_188 = tpu.memref_slice %arg3[%dma_wait3A_187] : memref<320000xi32, #tpu.memory_space<hbm>> -> memref<80xi32, #tpu.memory_space<hbm>>
        %dma_wait3A_189 = arith.constant 0 : i32
        %dma_wait3A_190 = tpu.memref_slice %arg3[%dma_wait3A_189] : memref<320000xi32, #tpu.memory_space<hbm>> -> memref<80xi32, #tpu.memory_space<hbm>>
        tpu.wait_dma2 semaphore(%arg24 : memref<!tpu.dma_semaphore, #tpu.memory_space<semaphore_mem>>) src(%dma_wait3A_190 : memref<80xi32, #tpu.memory_space<hbm>>) dst(%arg7 : memref<80xi32, #tpu.memory_space<vmem>>)
        %dma_wait3A_191 = arith.constant 0 : i32
        %dma_wait3A_192 = tpu.memref_slice %arg4[%dma_wait3A_191] : memref<320000xi32, #tpu.memory_space<hbm>> -> memref<80xi32, #tpu.memory_space<hbm>>
        %dma_wait3A_193 = arith.constant 0 : i32
        %dma_wait3A_194 = tpu.memref_slice %arg4[%dma_wait3A_193] : memref<320000xi32, #tpu.memory_space<hbm>> -> memref<80xi32, #tpu.memory_space<hbm>>
        tpu.wait_dma2 semaphore(%arg24 : memref<!tpu.dma_semaphore, #tpu.memory_space<semaphore_mem>>) src(%dma_wait3A_194 : memref<80xi32, #tpu.memory_space<hbm>>) dst(%arg11 : memref<80xi32, #tpu.memory_space<vmem>>)
        %dma_start3A_195 = arith.constant 0 : i32
        %dma_start3A_196 = arith.constant 0 : i32
        %dma_start3A_197 = tpu.memref_slice %arg2[%dma_start3A_195, %dma_start3A_196] : memref<10000x128xf32, #tpu.memory_space<hbm>> -> memref<10000x128xf32, #tpu.memory_space<hbm>>
        tpu.enqueue_indirect_dma source(%dma_start3A_197 : memref<10000x128xf32, #tpu.memory_space<hbm>>) target(%arg15 : memref<80x128xf32, #tpu.memory_space<vmem>>) offsets(%arg7 : memref<80xi32, #tpu.memory_space<vmem>>) semaphore(%arg20 : memref<!tpu.dma_semaphore, #tpu.memory_space<semaphore_mem>>)
      } else {
      }
      %dma_wait3A_181 = arith.constant 0 : i32
      %dma_wait3A_182 = arith.constant 0 : i32
      %dma_wait3A_183 = tpu.memref_slice %arg2[%dma_wait3A_181, %dma_wait3A_182] : memref<10000x128xf32, #tpu.memory_space<hbm>> -> memref<10000x128xf32, #tpu.memory_space<hbm>>
      tpu.wait_indirect_dma semaphore(%arg23 : memref<!tpu.dma_semaphore, #tpu.memory_space<semaphore_mem>>) src(%dma_wait3A_183 : memref<10000x128xf32, #tpu.memory_space<hbm>>) dst(%arg18 : memref<80x128xf32, #tpu.memory_space<vmem>>)
      %dma_start3A_184 = arith.constant 0 : i32
      %dma_start3A_185 = arith.constant 0 : i32
      %dma_start3A_186 = tpu.memref_slice %arg19[%dma_start3A_184, %dma_start3A_185] : memref<10000x128xf32, #tpu.memory_space<vmem_shared>> -> memref<10000x128xf32, #tpu.memory_space<vmem_shared>>
      tpu.enqueue_indirect_dma source(%arg18 : memref<80x128xf32, #tpu.memory_space<vmem>>) target(%dma_start3A_186 : memref<10000x128xf32, #tpu.memory_space<vmem_shared>>) offsets(%arg14 : memref<80xi32, #tpu.memory_space<vmem>>) semaphore(%arg29 : memref<!tpu.dma_semaphore, #tpu.memory_space<semaphore_mem>>) {add = true}
    }
    %scan3A_40 = arith.constant 31 : i32
    %dma_wait3A_41 = arith.constant 0 : i32
    %dma_wait3A_42 = arith.constant 0 : i32
    %dma_wait3A_43 = tpu.memref_slice %arg19[%dma_wait3A_41, %dma_wait3A_42] : memref<10000x128xf32, #tpu.memory_space<vmem_shared>> -> memref<10000x128xf32, #tpu.memory_space<vmem_shared>>
    tpu.wait_indirect_dma semaphore(%arg28 : memref<!tpu.dma_semaphore, #tpu.memory_space<semaphore_mem>>) src(%arg15 : memref<80x128xf32, #tpu.memory_space<vmem>>) dst(%dma_wait3A_43 : memref<10000x128xf32, #tpu.memory_space<vmem_shared>>)
    %dma_wait3A_44 = arith.constant 0 : i32
    %dma_wait3A_45 = arith.constant 0 : i32
    %dma_wait3A_46 = tpu.memref_slice %arg19[%dma_wait3A_44, %dma_wait3A_45] : memref<10000x128xf32, #tpu.memory_space<vmem_shared>> -> memref<10000x128xf32, #tpu.memory_space<vmem_shared>>
    tpu.wait_indirect_dma semaphore(%arg29 : memref<!tpu.dma_semaphore, #tpu.memory_space<semaphore_mem>>) src(%arg16 : memref<80x128xf32, #tpu.memory_space<vmem>>) dst(%dma_wait3A_46 : memref<10000x128xf32, #tpu.memory_space<vmem_shared>>)
    %scan3A_47 = arith.constant 0 : i32
    %scan3A_48 = arith.constant 0 : i32
    %add3A_49 = arith.constant 124 : i32
    %add3A_50 = arith.addi %add3A_49, %scan3A_48 : i32
    %mul3A_51 = arith.constant 32 : i32
    %mul3A_52 = arith.muli %add3A_50, %mul3A_51 : i32
    %add3A_53 = arith.addi %mul3A_52, %add3A : i32
    %lt3A_54 = arith.constant 4000 : i32
    %lt3A_55 = arith.cmpi slt, %add3A_53, %lt3A_54 : i32
    %convert_element_type3A_56 = arith.extui %lt3A_55 : i1 to i32
    %cond3A_57 = arith.constant 0 : i32
    %cond3A_58 = arith.cmpi ne, %convert_element_type3A_56, %cond3A_57 : i32
    scf.if %cond3A_58 {
      %mul3A_71 = arith.constant 80 : i32
      %mul3A_72 = arith.muli %add3A_53, %mul3A_71 : i32
      %dma_start3A_73 = tpu.memref_slice %arg3[%mul3A_72] : memref<320000xi32, #tpu.memory_space<hbm>> -> memref<80xi32, #tpu.memory_space<hbm>>
      %dma_start3A_74 = tpu.memref_slice %arg3[%mul3A_72] : memref<320000xi32, #tpu.memory_space<hbm>> -> memref<80xi32, #tpu.memory_space<hbm>>
      tpu.enqueue_dma source(%dma_start3A_74 : memref<80xi32, #tpu.memory_space<hbm>>) target(%arg7 : memref<80xi32, #tpu.memory_space<vmem>>) target_semaphore(%arg24 : memref<!tpu.dma_semaphore, #tpu.memory_space<semaphore_mem>>)
      %mul3A_75 = arith.constant 80 : i32
      %mul3A_76 = arith.muli %add3A_53, %mul3A_75 : i32
      %dma_start3A_77 = tpu.memref_slice %arg4[%mul3A_76] : memref<320000xi32, #tpu.memory_space<hbm>> -> memref<80xi32, #tpu.memory_space<hbm>>
      %dma_start3A_78 = tpu.memref_slice %arg4[%mul3A_76] : memref<320000xi32, #tpu.memory_space<hbm>> -> memref<80xi32, #tpu.memory_space<hbm>>
      tpu.enqueue_dma source(%dma_start3A_78 : memref<80xi32, #tpu.memory_space<hbm>>) target(%arg11 : memref<80xi32, #tpu.memory_space<vmem>>) target_semaphore(%arg24 : memref<!tpu.dma_semaphore, #tpu.memory_space<semaphore_mem>>)
      %dma_wait3A_79 = tpu.memref_slice %arg3[%mul3A_72] : memref<320000xi32, #tpu.memory_space<hbm>> -> memref<80xi32, #tpu.memory_space<hbm>>
      %dma_wait3A_80 = tpu.memref_slice %arg3[%mul3A_72] : memref<320000xi32, #tpu.memory_space<hbm>> -> memref<80xi32, #tpu.memory_space<hbm>>
      tpu.wait_dma2 semaphore(%arg24 : memref<!tpu.dma_semaphore, #tpu.memory_space<semaphore_mem>>) src(%dma_wait3A_80 : memref<80xi32, #tpu.memory_space<hbm>>) dst(%arg7 : memref<80xi32, #tpu.memory_space<vmem>>)
      %dma_wait3A_81 = tpu.memref_slice %arg4[%mul3A_76] : memref<320000xi32, #tpu.memory_space<hbm>> -> memref<80xi32, #tpu.memory_space<hbm>>
      %dma_wait3A_82 = tpu.memref_slice %arg4[%mul3A_76] : memref<320000xi32, #tpu.memory_space<hbm>> -> memref<80xi32, #tpu.memory_space<hbm>>
      tpu.wait_dma2 semaphore(%arg24 : memref<!tpu.dma_semaphore, #tpu.memory_space<semaphore_mem>>) src(%dma_wait3A_82 : memref<80xi32, #tpu.memory_space<hbm>>) dst(%arg11 : memref<80xi32, #tpu.memory_space<vmem>>)
      %dma_start3A_83 = arith.constant 0 : i32
      %dma_start3A_84 = arith.constant 0 : i32
      %dma_start3A_85 = tpu.memref_slice %arg2[%dma_start3A_83, %dma_start3A_84] : memref<10000x128xf32, #tpu.memory_space<hbm>> -> memref<10000x128xf32, #tpu.memory_space<hbm>>
      tpu.enqueue_indirect_dma source(%dma_start3A_85 : memref<10000x128xf32, #tpu.memory_space<hbm>>) target(%arg15 : memref<80x128xf32, #tpu.memory_space<vmem>>) offsets(%arg7 : memref<80xi32, #tpu.memory_space<vmem>>) semaphore(%arg20 : memref<!tpu.dma_semaphore, #tpu.memory_space<semaphore_mem>>)
      %dma_wait3A_86 = arith.constant 0 : i32
      %dma_wait3A_87 = arith.constant 0 : i32
      %dma_wait3A_88 = tpu.memref_slice %arg2[%dma_wait3A_86, %dma_wait3A_87] : memref<10000x128xf32, #tpu.memory_space<hbm>> -> memref<10000x128xf32, #tpu.memory_space<hbm>>
      tpu.wait_indirect_dma semaphore(%arg20 : memref<!tpu.dma_semaphore, #tpu.memory_space<semaphore_mem>>) src(%dma_wait3A_88 : memref<10000x128xf32, #tpu.memory_space<hbm>>) dst(%arg15 : memref<80x128xf32, #tpu.memory_space<vmem>>)
      %dma_start3A_89 = arith.constant 0 : i32
      %dma_start3A_90 = arith.constant 0 : i32
      %dma_start3A_91 = tpu.memref_slice %arg19[%dma_start3A_89, %dma_start3A_90] : memref<10000x128xf32, #tpu.memory_space<vmem_shared>> -> memref<10000x128xf32, #tpu.memory_space<vmem_shared>>
      tpu.enqueue_indirect_dma source(%arg15 : memref<80x128xf32, #tpu.memory_space<vmem>>) target(%dma_start3A_91 : memref<10000x128xf32, #tpu.memory_space<vmem_shared>>) offsets(%arg11 : memref<80xi32, #tpu.memory_space<vmem>>) semaphore(%arg28 : memref<!tpu.dma_semaphore, #tpu.memory_space<semaphore_mem>>) {add = true}
      %dma_wait3A_92 = arith.constant 0 : i32
      %dma_wait3A_93 = arith.constant 0 : i32
      %dma_wait3A_94 = tpu.memref_slice %arg19[%dma_wait3A_92, %dma_wait3A_93] : memref<10000x128xf32, #tpu.memory_space<vmem_shared>> -> memref<10000x128xf32, #tpu.memory_space<vmem_shared>>
      tpu.wait_indirect_dma semaphore(%arg28 : memref<!tpu.dma_semaphore, #tpu.memory_space<semaphore_mem>>) src(%arg15 : memref<80x128xf32, #tpu.memory_space<vmem>>) dst(%dma_wait3A_94 : memref<10000x128xf32, #tpu.memory_space<vmem_shared>>)
    } else {
    }
    %scan3A_59 = arith.constant 1 : i32
    %barrier3A_60 = arith.constant 0 : index
    tpu.barrier barrier_id(%barrier3A_60)
    %lt3A_61 = arith.constant 15 : i32
    %lt3A_62 = arith.cmpi slt, %arg1, %lt3A_61 : i32
    %convert_element_type3A_63 = arith.extui %lt3A_62 : i1 to i32
    %cond3A_64 = arith.constant 0 : i32
    %cond3A_65 = arith.cmpi ne, %convert_element_type3A_63, %cond3A_64 : i32
    scf.if %cond3A_65 {
      %mul3A_71 = arith.constant 640 : i32
      %mul3A_72 = arith.muli %arg1, %mul3A_71 : i32
      %mul3A_73 = arith.constant 640 : i32
      %mul3A_74 = arith.muli %arg1, %mul3A_73 : i32
      "tpu.region"() ({
        %run_scoped3A = tpu.sem_alloc : memref<!tpu.dma_semaphore, #tpu.memory_space<semaphore_mem>>
        %dma_start3A_75 = arith.constant 0 : i32
        %dma_start3A_76 = tpu.memref_slice %arg6[%arg0, %mul3A_74, %dma_start3A_75] : memref<2x10000x128xf32, #tpu.memory_space<hbm>> -> memref<1x640x128xf32, #tpu.memory_space<hbm>>
        %dma_start3A_77 = tpu.memref_squeeze %dma_start3A_76 : memref<1x640x128xf32, #tpu.memory_space<hbm>> -> memref<640x128xf32, #tpu.memory_space<hbm>>
        %dma_start3A_78 = arith.constant 0 : i32
        %dma_start3A_79 = tpu.memref_slice %arg19[%mul3A_72, %dma_start3A_78] : memref<10000x128xf32, #tpu.memory_space<vmem_shared>> -> memref<640x128xf32, #tpu.memory_space<vmem_shared>>
        tpu.enqueue_dma source(%dma_start3A_79 : memref<640x128xf32, #tpu.memory_space<vmem_shared>>) target(%dma_start3A_77 : memref<640x128xf32, #tpu.memory_space<hbm>>) target_semaphore(%run_scoped3A : memref<!tpu.dma_semaphore, #tpu.memory_space<semaphore_mem>>)
        %dma_wait3A_80 = arith.constant 0 : i32
        %dma_wait3A_81 = tpu.memref_slice %arg6[%arg0, %mul3A_74, %dma_wait3A_80] : memref<2x10000x128xf32, #tpu.memory_space<hbm>> -> memref<1x640x128xf32, #tpu.memory_space<hbm>>
        %dma_wait3A_82 = tpu.memref_squeeze %dma_wait3A_81 : memref<1x640x128xf32, #tpu.memory_space<hbm>> -> memref<640x128xf32, #tpu.memory_space<hbm>>
        %dma_wait3A_83 = arith.constant 0 : i32
        %dma_wait3A_84 = tpu.memref_slice %arg19[%mul3A_72, %dma_wait3A_83] : memref<10000x128xf32, #tpu.memory_space<vmem_shared>> -> memref<640x128xf32, #tpu.memory_space<vmem_shared>>
        tpu.wait_dma2 semaphore(%run_scoped3A : memref<!tpu.dma_semaphore, #tpu.memory_space<semaphore_mem>>) src(%dma_wait3A_84 : memref<640x128xf32, #tpu.memory_space<vmem_shared>>) dst(%dma_wait3A_82 : memref<640x128xf32, #tpu.memory_space<hbm>>)
        tpu.yield
      }) : () -> ()
    } else {
    }
    %eq3A_66 = arith.constant 15 : i32
    %eq3A_67 = arith.cmpi eq, %arg1, %eq3A_66 : i32
    %convert_element_type3A_68 = arith.extui %eq3A_67 : i1 to i32
    %cond3A_69 = arith.constant 0 : i32
    %cond3A_70 = arith.cmpi ne, %convert_element_type3A_68, %cond3A_69 : i32
    scf.if %cond3A_70 {
      "tpu.region"() ({
        %run_scoped3A = tpu.sem_alloc : memref<!tpu.dma_semaphore, #tpu.memory_space<semaphore_mem>>
        %dma_start3A_71 = arith.constant 9600 : i32
        %dma_start3A_72 = arith.constant 0 : i32
        %dma_start3A_73 = tpu.memref_slice %arg6[%arg0, %dma_start3A_71, %dma_start3A_72] : memref<2x10000x128xf32, #tpu.memory_space<hbm>> -> memref<1x400x128xf32, #tpu.memory_space<hbm>>
        %dma_start3A_74 = tpu.memref_squeeze %dma_start3A_73 : memref<1x400x128xf32, #tpu.memory_space<hbm>> -> memref<400x128xf32, #tpu.memory_space<hbm>>
        %dma_start3A_75 = arith.constant 9600 : i32
        %dma_start3A_76 = arith.constant 0 : i32
        %dma_start3A_77 = tpu.memref_slice %arg19[%dma_start3A_75, %dma_start3A_76] : memref<10000x128xf32, #tpu.memory_space<vmem_shared>> -> memref<400x128xf32, #tpu.memory_space<vmem_shared>>
        tpu.enqueue_dma source(%dma_start3A_77 : memref<400x128xf32, #tpu.memory_space<vmem_shared>>) target(%dma_start3A_74 : memref<400x128xf32, #tpu.memory_space<hbm>>) target_semaphore(%run_scoped3A : memref<!tpu.dma_semaphore, #tpu.memory_space<semaphore_mem>>)
        %dma_wait3A_78 = arith.constant 9600 : i32
        %dma_wait3A_79 = arith.constant 0 : i32
        %dma_wait3A_80 = tpu.memref_slice %arg6[%arg0, %dma_wait3A_78, %dma_wait3A_79] : memref<2x10000x128xf32, #tpu.memory_space<hbm>> -> memref<1x400x128xf32, #tpu.memory_space<hbm>>
        %dma_wait3A_81 = tpu.memref_squeeze %dma_wait3A_80 : memref<1x400x128xf32, #tpu.memory_space<hbm>> -> memref<400x128xf32, #tpu.memory_space<hbm>>
        %dma_wait3A_82 = arith.constant 9600 : i32
        %dma_wait3A_83 = arith.constant 0 : i32
        %dma_wait3A_84 = tpu.memref_slice %arg19[%dma_wait3A_82, %dma_wait3A_83] : memref<10000x128xf32, #tpu.memory_space<vmem_shared>> -> memref<400x128xf32, #tpu.memory_space<vmem_shared>>
        tpu.wait_dma2 semaphore(%run_scoped3A : memref<!tpu.dma_semaphore, #tpu.memory_space<semaphore_mem>>) src(%dma_wait3A_84 : memref<400x128xf32, #tpu.memory_space<vmem_shared>>) dst(%dma_wait3A_81 : memref<400x128xf32, #tpu.memory_space<hbm>>)
        tpu.yield
      }) : () -> ()
    } else {
    }
    return
  }
}

module attributes {stable_mosaic.version = 14 : i64} {
  func.func @_t1_body(%arg0: i32, %arg1: memref<2x1x1000x16xf32, #tpu.memory_space<vmem>>, %arg2: memref<1000x128xf32, #tpu.memory_space<vmem>>, %arg3: memref<128x128xf32, #tpu.memory_space<vmem>>, %arg4: memref<1000x128xf32, #tpu.memory_space<vmem>>, %arg5: memref<1x1x1000xf32, #tpu.memory_space<vmem>>) attributes {dimension_semantics = [#tpu.dimension_semantics<arbitrary>], iteration_bounds = array<i64: 10>, scalar_prefetch = 0 : i64, scratch_operands = 0 : i64, tpu.core_type = #tpu.core_type<tc>, window_params = [{transform_indices = @transform_0, window_bounds = array<i64: 2, 1, 1000, 16>}, {transform_indices = @transform_1, window_bounds = array<i64: 1000, 128>}, {pipeline_mode = #tpu.pipeline_mode<synchronous>, transform_indices = @transform_2, window_bounds = array<i64: 128, 128>}, {transform_indices = @transform_3, window_bounds = array<i64: 1000, 128>}, {transform_indices = @transform_4, window_bounds = array<i64: 1, 1, 1000>}]} {
    %get3A = arith.constant 0 : index
    %get3A_0 = arith.constant 0 : index
    %get3A_1 = arith.constant 0 : index
    %get3A_2 = arith.constant 0 : index
    %get3A_3 = vector.load %arg1[%get3A, %get3A_0, %get3A_1, %get3A_2] : memref<2x1x1000x16xf32, #tpu.memory_space<vmem>>, vector<1x1x1000x16xf32>
    %get3A_4 = vector.shape_cast %get3A_3 : vector<1x1x1000x16xf32> to vector<1000x16xf32>
    %reduce_sum3A = arith.constant dense<0.000000e+00> : vector<1000xf32>
    %reduce_sum3A_5 = vector.multi_reduction <add>, %get3A_4, %reduce_sum3A [1] : vector<1000x16xf32> to vector<1000xf32>
    %get3A_6 = arith.constant 1 : index
    %get3A_7 = arith.constant 0 : index
    %get3A_8 = arith.constant 0 : index
    %get3A_9 = arith.constant 0 : index
    %get3A_10 = vector.load %arg1[%get3A_6, %get3A_7, %get3A_8, %get3A_9] : memref<2x1x1000x16xf32, #tpu.memory_space<vmem>>, vector<1x1x1000x16xf32>
    %get3A_11 = vector.shape_cast %get3A_10 : vector<1x1x1000x16xf32> to vector<1000x16xf32>
    %reduce_sum3A_12 = arith.constant dense<0.000000e+00> : vector<1000xf32>
    %reduce_sum3A_13 = vector.multi_reduction <add>, %get3A_11, %reduce_sum3A_12 [1] : vector<1000x16xf32> to vector<1000xf32>
    %add3A = arith.addf %reduce_sum3A_5, %reduce_sum3A_13 : vector<1000xf32>
    %mul3A = arith.constant 6.250000e-02 : f32
    %mul3A_14 = vector.broadcast %mul3A : f32 to vector<1000xf32>
    %mul3A_15 = arith.mulf %add3A, %mul3A_14 : vector<1000xf32>
    %add3A_16 = arith.constant 1.000000e+00 : f32
    %add3A_17 = vector.broadcast %add3A_16 : f32 to vector<1000xf32>
    %add3A_18 = arith.addf %mul3A_15, %add3A_17 : vector<1000xf32>
    %rsqrt3A = math.rsqrt %add3A_18 : vector<1000xf32>
    %get3A_19 = arith.constant 0 : index
    %get3A_20 = arith.constant 0 : index
    %get3A_21 = vector.load %arg2[%get3A_19, %get3A_20] : memref<1000x128xf32, #tpu.memory_space<vmem>>, vector<1000x128xf32>
    %get3A_22 = arith.constant 0 : index
    %get3A_23 = arith.constant 0 : index
    %get3A_24 = vector.load %arg3[%get3A_22, %get3A_23] : memref<128x128xf32, #tpu.memory_space<vmem>>, vector<128x128xf32>
    %dot_general3A = arith.constant dense<0.000000e+00> : vector<1000x128xf32>
    %dot_general3A_25 = tpu.matmul %get3A_21, %get3A_24, %dot_general3A {dimension_numbers = #tpu.dot_dimension_numbers<[1], [0], [0], [1], [0, 0, 1, 1], [], []>, transpose_lhs_hint = false} : vector<1000x128xf32>, vector<128x128xf32>, vector<1000x128xf32> -> vector<1000x128xf32>
    %broadcast_in_dim3A = vector.shape_cast %rsqrt3A : vector<1000xf32> to vector<1000x1xf32>
    %mul3A_26 = vector.broadcast %broadcast_in_dim3A : vector<1000x1xf32> to vector<1000x128xf32>
    %mul3A_27 = arith.mulf %dot_general3A_25, %mul3A_26 : vector<1000x128xf32>
    %swap3A = arith.constant 0 : index
    %swap3A_28 = arith.constant 0 : index
    %swap3A_29 = vector.load %arg4[%swap3A, %swap3A_28] : memref<1000x128xf32, #tpu.memory_space<vmem>>, vector<1000x128xf32>
    tpu.vector_store %arg4[%swap3A, %swap3A_28], %mul3A_27 {strides = array<i32>} : memref<1000x128xf32, #tpu.memory_space<vmem>>, vector<1000x128xf32>,
    %swap3A_30 = arith.constant 0 : index
    %swap3A_31 = arith.constant 0 : index
    %swap3A_32 = arith.constant 0 : index
    %swap3A_33 = vector.load %arg5[%swap3A_30, %swap3A_31, %swap3A_32] : memref<1x1x1000xf32, #tpu.memory_space<vmem>>, vector<1x1x1000xf32>
    %swap3A_34 = vector.shape_cast %swap3A_33 : vector<1x1x1000xf32> to vector<1000xf32>
    %swap3A_35 = vector.shape_cast %rsqrt3A : vector<1000xf32> to vector<1x1x1000xf32>
    tpu.vector_store %arg5[%swap3A_30, %swap3A_31, %swap3A_32], %swap3A_35 {strides = array<i32>} : memref<1x1x1000xf32, #tpu.memory_space<vmem>>, vector<1x1x1000xf32>,
    return
  }
  func.func @transform_0(%arg0: i32) -> (i32, i32, i32, i32) {
    %c0_i32 = arith.constant 0 : i32
    %c0_i32_0 = arith.constant 0 : i32
    %c0_i32_1 = arith.constant 0 : i32
    %c0_i32_2 = arith.constant 0 : i32
    return %c0_i32, %arg0, %c0_i32_0, %c0_i32_1 : i32, i32, i32, i32
  }
  func.func @transform_1(%arg0: i32) -> (i32, i32) {
    %c0_i32 = arith.constant 0 : i32
    %c0_i32_0 = arith.constant 0 : i32
    return %arg0, %c0_i32 : i32, i32
  }
  func.func @transform_2(%arg0: i32) -> (i32, i32) {
    %c0_i32 = arith.constant 0 : i32
    %c0_i32_0 = arith.constant 0 : i32
    %c0_i32_1 = arith.constant 0 : i32
    return %c0_i32, %c0_i32_0 : i32, i32
  }
  func.func @transform_3(%arg0: i32) -> (i32, i32) {
    %c0_i32 = arith.constant 0 : i32
    %c0_i32_0 = arith.constant 0 : i32
    return %arg0, %c0_i32 : i32, i32
  }
  func.func @transform_4(%arg0: i32) -> (i32, i32, i32) {
    %c0_i32 = arith.constant 0 : i32
    %c0_i32_0 = arith.constant 0 : i32
    %c0_i32_1 = arith.constant 0 : i32
    return %arg0, %c0_i32, %c0_i32_0 : i32, i32, i32
  }
}

module attributes {stable_mosaic.version = 14 : i64} {
  func.func @_t2_body(%arg0: i32, %arg1: memref<2x1000x128xf32, #tpu.memory_space<vmem>>, %arg2: memref<1000x128xf32, #tpu.memory_space<vmem>>, %arg3: memref<1x1x1000xf32, #tpu.memory_space<vmem>>, %arg4: memref<128x64xf32, #tpu.memory_space<vmem>>, %arg5: memref<1000x64xf32, #tpu.memory_space<vmem>>) attributes {dimension_semantics = [#tpu.dimension_semantics<arbitrary>], iteration_bounds = array<i64: 10>, scalar_prefetch = 0 : i64, scratch_operands = 0 : i64, tpu.core_type = #tpu.core_type<tc>, window_params = [{transform_indices = @transform_0, window_bounds = array<i64: 2, 1000, 128>}, {transform_indices = @transform_1, window_bounds = array<i64: 1000, 128>}, {transform_indices = @transform_2, window_bounds = array<i64: 1, 1, 1000>}, {pipeline_mode = #tpu.pipeline_mode<synchronous>, transform_indices = @transform_3, window_bounds = array<i64: 128, 64>}, {transform_indices = @transform_4, window_bounds = array<i64: 1000, 64>}]} {
    %get3A = arith.constant 0 : index
    %get3A_0 = arith.constant 0 : index
    %get3A_1 = arith.constant 0 : index
    %get3A_2 = vector.load %arg3[%get3A, %get3A_0, %get3A_1] : memref<1x1x1000xf32, #tpu.memory_space<vmem>>, vector<1x1x1000xf32>
    %get3A_3 = vector.shape_cast %get3A_2 : vector<1x1x1000xf32> to vector<1000xf32>
    %get3A_4 = arith.constant 0 : index
    %get3A_5 = arith.constant 0 : index
    %get3A_6 = arith.constant 0 : index
    %get3A_7 = vector.load %arg1[%get3A_4, %get3A_5, %get3A_6] : memref<2x1000x128xf32, #tpu.memory_space<vmem>>, vector<1x1000x128xf32>
    %get3A_8 = vector.shape_cast %get3A_7 : vector<1x1000x128xf32> to vector<1000x128xf32>
    %get3A_9 = arith.constant 1 : index
    %get3A_10 = arith.constant 0 : index
    %get3A_11 = arith.constant 0 : index
    %get3A_12 = vector.load %arg1[%get3A_9, %get3A_10, %get3A_11] : memref<2x1000x128xf32, #tpu.memory_space<vmem>>, vector<1x1000x128xf32>
    %get3A_13 = vector.shape_cast %get3A_12 : vector<1x1000x128xf32> to vector<1000x128xf32>
    %add3A = arith.addf %get3A_8, %get3A_13 : vector<1000x128xf32>
    %get3A_14 = arith.constant 0 : index
    %get3A_15 = arith.constant 0 : index
    %get3A_16 = vector.load %arg2[%get3A_14, %get3A_15] : memref<1000x128xf32, #tpu.memory_space<vmem>>, vector<1000x128xf32>
    %add3A_17 = arith.addf %add3A, %get3A_16 : vector<1000x128xf32>
    %broadcast_in_dim3A = vector.shape_cast %get3A_3 : vector<1000xf32> to vector<1000x1xf32>
    %mul3A = vector.broadcast %broadcast_in_dim3A : vector<1000x1xf32> to vector<1000x128xf32>
    %mul3A_18 = arith.mulf %add3A_17, %mul3A : vector<1000x128xf32>
    %max3A = arith.constant 0.000000e+00 : f32
    %max3A_19 = vector.broadcast %max3A : f32 to vector<1000x128xf32>
    %max3A_20 = arith.maximumf %mul3A_18, %max3A_19 : vector<1000x128xf32>
    %get3A_21 = arith.constant 0 : index
    %get3A_22 = arith.constant 0 : index
    %get3A_23 = vector.load %arg4[%get3A_21, %get3A_22] : memref<128x64xf32, #tpu.memory_space<vmem>>, vector<128x64xf32>
    %dot_general3A = arith.constant dense<0.000000e+00> : vector<1000x64xf32>
    %dot_general3A_24 = tpu.matmul %max3A_20, %get3A_23, %dot_general3A {dimension_numbers = #tpu.dot_dimension_numbers<[1], [0], [0], [1], [0, 0, 1, 1], [], []>, transpose_lhs_hint = false} : vector<1000x128xf32>, vector<128x64xf32>, vector<1000x64xf32> -> vector<1000x64xf32>
    %broadcast_in_dim3A_25 = vector.shape_cast %get3A_3 : vector<1000xf32> to vector<1000x1xf32>
    %mul3A_26 = vector.broadcast %broadcast_in_dim3A_25 : vector<1000x1xf32> to vector<1000x64xf32>
    %mul3A_27 = arith.mulf %dot_general3A_24, %mul3A_26 : vector<1000x64xf32>
    %swap3A = arith.constant 0 : index
    %swap3A_28 = arith.constant 0 : index
    %swap3A_29 = vector.load %arg5[%swap3A, %swap3A_28] : memref<1000x64xf32, #tpu.memory_space<vmem>>, vector<1000x64xf32>
    tpu.vector_store %arg5[%swap3A, %swap3A_28], %mul3A_27 {strides = array<i32>} : memref<1000x64xf32, #tpu.memory_space<vmem>>, vector<1000x64xf32>,
    return
  }
  func.func @transform_0(%arg0: i32) -> (i32, i32, i32) {
    %c0_i32 = arith.constant 0 : i32
    %c0_i32_0 = arith.constant 0 : i32
    %c0_i32_1 = arith.constant 0 : i32
    return %c0_i32, %arg0, %c0_i32_0 : i32, i32, i32
  }
  func.func @transform_1(%arg0: i32) -> (i32, i32) {
    %c0_i32 = arith.constant 0 : i32
    %c0_i32_0 = arith.constant 0 : i32
    return %arg0, %c0_i32 : i32, i32
  }
  func.func @transform_2(%arg0: i32) -> (i32, i32, i32) {
    %c0_i32 = arith.constant 0 : i32
    %c0_i32_0 = arith.constant 0 : i32
    %c0_i32_1 = arith.constant 0 : i32
    return %arg0, %c0_i32, %c0_i32_0 : i32, i32, i32
  }
  func.func @transform_3(%arg0: i32) -> (i32, i32) {
    %c0_i32 = arith.constant 0 : i32
    %c0_i32_0 = arith.constant 0 : i32
    %c0_i32_1 = arith.constant 0 : i32
    return %c0_i32, %c0_i32_0 : i32, i32
  }
  func.func @transform_4(%arg0: i32) -> (i32, i32) {
    %c0_i32 = arith.constant 0 : i32
    %c0_i32_0 = arith.constant 0 : i32
    return %arg0, %c0_i32 : i32, i32
  }
}

module attributes {stable_mosaic.version = 14 : i64} {
  func.func @body(%arg0: memref<2x10000x64xf32, #tpu.memory_space<vmem>>, %arg1: memref<10000x64xf32, #tpu.memory_space<vmem>>, %arg2: memref<100x100xf32, #tpu.memory_space<vmem>>, %arg3: memref<100x196xf32, #tpu.memory_space<vmem>>, %arg4: memref<1x4xf32, #tpu.memory_space<vmem>>, %arg5: memref<128x128xf32, #tpu.memory_space<vmem>>, %arg6: memref<128x4xf32, #tpu.memory_space<vmem>>, %arg7: memref<512x128xf32, #tpu.memory_space<vmem>>, %arg8: memref<128x128xf32, #tpu.memory_space<vmem>>, %arg9: memref<128x128xf32, #tpu.memory_space<vmem>>, %arg10: memref<4x128xf32, #tpu.memory_space<vmem>>, %arg11: memref<128x32xf32, #tpu.memory_space<vmem>>, %arg12: memref<64x4xf32, #tpu.memory_space<vmem>>, %arg13: memref<32x128xf32, #tpu.memory_space<vmem>>, %arg14: memref<128x512xf32, #tpu.memory_space<vmem>>, %arg15: memref<128x512xf32, #tpu.memory_space<vmem>>, %arg16: memref<128x512xf32, #tpu.memory_space<vmem>>, %arg17: memref<128x512xf32, #tpu.memory_space<vmem>>, %arg18: memref<64x96xf32, #tpu.memory_space<vmem>>, %arg19: memref<32x96xf32, #tpu.memory_space<vmem>>, %arg20: memref<196x128xf32, #tpu.memory_space<vmem>>, %arg21: memref<64x64xf32, #tpu.memory_space<vmem>>, %arg22: memref<128x64xf32, #tpu.memory_space<vmem>>, %arg23: memref<64x128xf32, #tpu.memory_space<vmem>>, %arg24: memref<128xf32, #tpu.memory_space<vmem>>, %arg25: memref<64x32xf32, #tpu.memory_space<vmem>>, %arg26: memref<32xf32, #tpu.memory_space<vmem>>, %arg27: memref<1xf32, #tpu.memory_space<vmem>>, %arg28: memref<128xf32, #tpu.memory_space<vmem>>, %arg29: memref<128xf32, #tpu.memory_space<vmem>>, %arg30: memref<128xf32, #tpu.memory_space<vmem>>, %arg31: memref<128xf32, #tpu.memory_space<vmem>>, %arg32: memref<96x128xf32, #tpu.memory_space<vmem>>, %arg33: memref<128x32xf32, #tpu.memory_space<vmem>>, %arg34: memref<32x1xf32, #tpu.memory_space<vmem>>, %arg35: memref<128xf32, #tpu.memory_space<vmem>>, %arg36: memref<32xf32, #tpu.memory_space<vmem>>, %arg37: memref<1xf32, #tpu.memory_space<vmem>>, %arg38: memref<128xf32, #tpu.memory_space<vmem>>, %arg39: memref<128xf32, #tpu.memory_space<vmem>>, %arg40: memref<128xf32, #tpu.memory_space<vmem>>, %arg41: memref<100x1xf32, #tpu.memory_space<vmem>>, %arg42: memref<100x4xf32, #tpu.memory_space<vmem>>, %arg43: memref<100x4x100xf32, #tpu.memory_space<vmem>>) attributes {dimension_semantics = [], scalar_prefetch = 0 : i64, scratch_operands = 0 : i64, tpu.core_type = #tpu.core_type<tc>} {
    %get3A = arith.constant 0 : index
    %get3A_0 = arith.constant 0 : index
    %get3A_1 = vector.load %arg5[%get3A, %get3A_0] : memref<128x128xf32, #tpu.memory_space<vmem>>, vector<128x128xf32>
    %get3A_2 = arith.constant 0 : index
    %get3A_3 = arith.constant 0 : index
    %get3A_4 = vector.load %arg6[%get3A_2, %get3A_3] : memref<128x4xf32, #tpu.memory_space<vmem>>, vector<128x4xf32>
    %get3A_5 = arith.constant 0 : index
    %get3A_6 = arith.constant 0 : index
    %get3A_7 = vector.load %arg7[%get3A_5, %get3A_6] : memref<512x128xf32, #tpu.memory_space<vmem>>, vector<512x128xf32>
    %get3A_8 = arith.constant 0 : index
    %get3A_9 = arith.constant 0 : index
    %get3A_10 = vector.load %arg8[%get3A_8, %get3A_9] : memref<128x128xf32, #tpu.memory_space<vmem>>, vector<128x128xf32>
    %get3A_11 = arith.constant 0 : index
    %get3A_12 = arith.constant 0 : index
    %get3A_13 = vector.load %arg9[%get3A_11, %get3A_12] : memref<128x128xf32, #tpu.memory_space<vmem>>, vector<128x128xf32>
    %get3A_14 = arith.constant 0 : index
    %get3A_15 = arith.constant 0 : index
    %get3A_16 = vector.load %arg10[%get3A_14, %get3A_15] : memref<4x128xf32, #tpu.memory_space<vmem>>, vector<4x128xf32>
    %get3A_17 = arith.constant 0 : index
    %get3A_18 = arith.constant 0 : index
    %get3A_19 = vector.load %arg11[%get3A_17, %get3A_18] : memref<128x32xf32, #tpu.memory_space<vmem>>, vector<128x32xf32>
    %get3A_20 = arith.constant 0 : index
    %get3A_21 = arith.constant 0 : index
    %get3A_22 = vector.load %arg12[%get3A_20, %get3A_21] : memref<64x4xf32, #tpu.memory_space<vmem>>, vector<64x4xf32>
    %get3A_23 = arith.constant 0 : index
    %get3A_24 = arith.constant 0 : index
    %get3A_25 = vector.load %arg13[%get3A_23, %get3A_24] : memref<32x128xf32, #tpu.memory_space<vmem>>, vector<32x128xf32>
    %get3A_26 = arith.constant 0 : index
    %get3A_27 = arith.constant 0 : index
    %get3A_28 = vector.load %arg14[%get3A_26, %get3A_27] : memref<128x512xf32, #tpu.memory_space<vmem>>, vector<128x512xf32>
    %get3A_29 = arith.constant 0 : index
    %get3A_30 = arith.constant 0 : index
    %get3A_31 = vector.load %arg15[%get3A_29, %get3A_30] : memref<128x512xf32, #tpu.memory_space<vmem>>, vector<128x512xf32>
    %get3A_32 = arith.constant 0 : index
    %get3A_33 = arith.constant 0 : index
    %get3A_34 = vector.load %arg16[%get3A_32, %get3A_33] : memref<128x512xf32, #tpu.memory_space<vmem>>, vector<128x512xf32>
    %get3A_35 = arith.constant 0 : index
    %get3A_36 = arith.constant 0 : index
    %get3A_37 = vector.load %arg17[%get3A_35, %get3A_36] : memref<128x512xf32, #tpu.memory_space<vmem>>, vector<128x512xf32>
    %get3A_38 = arith.constant 0 : index
    %get3A_39 = arith.constant 0 : index
    %get3A_40 = vector.load %arg18[%get3A_38, %get3A_39] : memref<64x96xf32, #tpu.memory_space<vmem>>, vector<64x96xf32>
    %get3A_41 = arith.constant 0 : index
    %get3A_42 = arith.constant 0 : index
    %get3A_43 = vector.load %arg19[%get3A_41, %get3A_42] : memref<32x96xf32, #tpu.memory_space<vmem>>, vector<32x96xf32>
    %get3A_44 = arith.constant 0 : index
    %get3A_45 = arith.constant 0 : index
    %get3A_46 = vector.load %arg20[%get3A_44, %get3A_45] : memref<196x128xf32, #tpu.memory_space<vmem>>, vector<196x128xf32>
    %get3A_47 = arith.constant 0 : index
    %get3A_48 = arith.constant 0 : index
    %get3A_49 = vector.load %arg21[%get3A_47, %get3A_48] : memref<64x64xf32, #tpu.memory_space<vmem>>, vector<64x64xf32>
    %get3A_50 = arith.constant 0 : index
    %get3A_51 = arith.constant 0 : index
    %get3A_52 = vector.load %arg22[%get3A_50, %get3A_51] : memref<128x64xf32, #tpu.memory_space<vmem>>, vector<128x64xf32>
    %get3A_53 = arith.constant 0 : index
    %get3A_54 = arith.constant 0 : index
    %get3A_55 = vector.load %arg23[%get3A_53, %get3A_54] : memref<64x128xf32, #tpu.memory_space<vmem>>, vector<64x128xf32>
    %get3A_56 = arith.constant 0 : index
    %get3A_57 = vector.load %arg24[%get3A_56] : memref<128xf32, #tpu.memory_space<vmem>>, vector<128xf32>
    %get3A_58 = arith.constant 0 : index
    %get3A_59 = arith.constant 0 : index
    %get3A_60 = vector.load %arg25[%get3A_58, %get3A_59] : memref<64x32xf32, #tpu.memory_space<vmem>>, vector<64x32xf32>
    %get3A_61 = arith.constant 0 : index
    %get3A_62 = vector.load %arg26[%get3A_61] : memref<32xf32, #tpu.memory_space<vmem>>, vector<32xf32>
    %get3A_63 = arith.constant 0 : index
    %get3A_64 = vector.load %arg27[%get3A_63] : memref<1xf32, #tpu.memory_space<vmem>>, vector<1xf32>
    %get3A_65 = arith.constant 0 : index
    %get3A_66 = vector.load %arg28[%get3A_65] : memref<128xf32, #tpu.memory_space<vmem>>, vector<128xf32>
    %get3A_67 = arith.constant 0 : index
    %get3A_68 = vector.load %arg29[%get3A_67] : memref<128xf32, #tpu.memory_space<vmem>>, vector<128xf32>
    %get3A_69 = arith.constant 0 : index
    %get3A_70 = vector.load %arg30[%get3A_69] : memref<128xf32, #tpu.memory_space<vmem>>, vector<128xf32>
    %get3A_71 = arith.constant 0 : index
    %get3A_72 = vector.load %arg31[%get3A_71] : memref<128xf32, #tpu.memory_space<vmem>>, vector<128xf32>
    %get3A_73 = arith.constant 0 : index
    %get3A_74 = arith.constant 0 : index
    %get3A_75 = vector.load %arg32[%get3A_73, %get3A_74] : memref<96x128xf32, #tpu.memory_space<vmem>>, vector<96x128xf32>
    %get3A_76 = arith.constant 0 : index
    %get3A_77 = arith.constant 0 : index
    %get3A_78 = vector.load %arg33[%get3A_76, %get3A_77] : memref<128x32xf32, #tpu.memory_space<vmem>>, vector<128x32xf32>
    %get3A_79 = arith.constant 0 : index
    %get3A_80 = arith.constant 0 : index
    %get3A_81 = vector.load %arg34[%get3A_79, %get3A_80] : memref<32x1xf32, #tpu.memory_space<vmem>>, vector<32x1xf32>
    %get3A_82 = arith.constant 0 : index
    %get3A_83 = vector.load %arg35[%get3A_82] : memref<128xf32, #tpu.memory_space<vmem>>, vector<128xf32>
    %get3A_84 = arith.constant 0 : index
    %get3A_85 = vector.load %arg36[%get3A_84] : memref<32xf32, #tpu.memory_space<vmem>>, vector<32xf32>
    %get3A_86 = arith.constant 0 : index
    %get3A_87 = vector.load %arg37[%get3A_86] : memref<1xf32, #tpu.memory_space<vmem>>, vector<1xf32>
    %get3A_88 = arith.constant 0 : index
    %get3A_89 = vector.load %arg38[%get3A_88] : memref<128xf32, #tpu.memory_space<vmem>>, vector<128xf32>
    %get3A_90 = arith.constant 0 : index
    %get3A_91 = vector.load %arg39[%get3A_90] : memref<128xf32, #tpu.memory_space<vmem>>, vector<128xf32>
    %get3A_92 = arith.constant 0 : index
    %get3A_93 = vector.load %arg40[%get3A_92] : memref<128xf32, #tpu.memory_space<vmem>>, vector<128xf32>
    %get3A_94 = arith.constant 0 : index
    %get3A_95 = arith.constant 0 : index
    %get3A_96 = arith.constant 0 : index
    %get3A_97 = vector.load %arg0[%get3A_94, %get3A_95, %get3A_96] : memref<2x10000x64xf32, #tpu.memory_space<vmem>>, vector<1x10000x64xf32>
    %get3A_98 = vector.shape_cast %get3A_97 : vector<1x10000x64xf32> to vector<10000x64xf32>
    %get3A_99 = arith.constant 1 : index
    %get3A_100 = arith.constant 0 : index
    %get3A_101 = arith.constant 0 : index
    %get3A_102 = vector.load %arg0[%get3A_99, %get3A_100, %get3A_101] : memref<2x10000x64xf32, #tpu.memory_space<vmem>>, vector<1x10000x64xf32>
    %get3A_103 = vector.shape_cast %get3A_102 : vector<1x10000x64xf32> to vector<10000x64xf32>
    %add3A = arith.addf %get3A_98, %get3A_103 : vector<10000x64xf32>
    %get3A_104 = arith.constant 0 : index
    %get3A_105 = arith.constant 0 : index
    %get3A_106 = vector.load %arg1[%get3A_104, %get3A_105] : memref<10000x64xf32, #tpu.memory_space<vmem>>, vector<10000x64xf32>
    %add3A_107 = arith.addf %add3A, %get3A_106 : vector<10000x64xf32>
    %get3A_108 = arith.constant 0 : index
    %get3A_109 = arith.constant 0 : index
    %get3A_110 = vector.load %arg2[%get3A_108, %get3A_109] : memref<100x100xf32, #tpu.memory_space<vmem>>, vector<100x100xf32>
    %reshape3A = vector.shape_cast %add3A_107 : vector<10000x64xf32> to vector<100x100x64xf32>
    %broadcast_in_dim3A = vector.shape_cast %get3A_110 : vector<100x100xf32> to vector<100x100x1xf32>
    %mul3A = vector.broadcast %broadcast_in_dim3A : vector<100x100x1xf32> to vector<100x100x64xf32>
    %mul3A_111 = arith.mulf %reshape3A, %mul3A : vector<100x100x64xf32>
    %reduce_sum3A = arith.constant dense<0.000000e+00> : vector<100x64xf32>
    %reduce_sum3A_112 = vector.multi_reduction <add>, %mul3A_111, %reduce_sum3A [1] : vector<100x100x64xf32> to vector<100x64xf32>
    %div3A = arith.constant 1.000000e+02 : f32
    %div3A_113 = vector.broadcast %div3A : f32 to vector<100x64xf32>
    %div3A_114 = arith.divf %reduce_sum3A_112, %div3A_113 : vector<100x64xf32>
    %reshape3A_115 = vector.shape_cast %mul3A_111 : vector<100x100x64xf32> to vector<10000x64xf32>
    %get3A_116 = arith.constant 0 : index
    %get3A_117 = arith.constant 0 : index
    %get3A_118 = vector.load %arg3[%get3A_116, %get3A_117] : memref<100x196xf32, #tpu.memory_space<vmem>>, vector<100x196xf32>
    %dot_general3A = arith.constant dense<0.000000e+00> : vector<100x128xf32>
    %dot_general3A_119 = tpu.matmul %get3A_118, %get3A_46, %dot_general3A {dimension_numbers = #tpu.dot_dimension_numbers<[1], [0], [0], [1], [0, 0, 1, 1], [], []>, transpose_lhs_hint = false} : vector<100x196xf32>, vector<196x128xf32>, vector<100x128xf32> -> vector<100x128xf32>
    %broadcast_in_dim3A_120 = vector.shape_cast %get3A_91 : vector<128xf32> to vector<1x128xf32>
    %add3A_121 = vector.broadcast %broadcast_in_dim3A_120 : vector<1x128xf32> to vector<100x128xf32>
    %add3A_122 = arith.addf %dot_general3A_119, %add3A_121 : vector<100x128xf32>
    %dot_general3A_123 = arith.constant dense<0.000000e+00> : vector<100x128xf32>
    %dot_general3A_124 = tpu.matmul %add3A_122, %get3A_13, %dot_general3A_123 {dimension_numbers = #tpu.dot_dimension_numbers<[1], [0], [0], [1], [0, 0, 1, 1], [], []>, transpose_lhs_hint = false} : vector<100x128xf32>, vector<128x128xf32>, vector<100x128xf32> -> vector<100x128xf32>
    %sub3A = arith.subf %add3A_122, %dot_general3A_124 : vector<100x128xf32>
    %mul3A_125 = arith.mulf %sub3A, %sub3A : vector<100x128xf32>
    %dot_general3A_126 = arith.constant dense<0.000000e+00> : vector<100x128xf32>
    %dot_general3A_127 = tpu.matmul %mul3A_125, %get3A_13, %dot_general3A_126 {dimension_numbers = #tpu.dot_dimension_numbers<[1], [0], [0], [1], [0, 0, 1, 1], [], []>, transpose_lhs_hint = false} : vector<100x128xf32>, vector<128x128xf32>, vector<100x128xf32> -> vector<100x128xf32>
    %add3A_128 = arith.constant 9.99999974E-6 : f32
    %add3A_129 = vector.broadcast %add3A_128 : f32 to vector<100x128xf32>
    %add3A_130 = arith.addf %dot_general3A_127, %add3A_129 : vector<100x128xf32>
    %rsqrt3A = math.rsqrt %add3A_130 : vector<100x128xf32>
    %mul3A_131 = arith.mulf %sub3A, %rsqrt3A : vector<100x128xf32>
    %broadcast_in_dim3A_132 = vector.shape_cast %get3A_93 : vector<128xf32> to vector<1x128xf32>
    %mul3A_133 = vector.broadcast %broadcast_in_dim3A_132 : vector<1x128xf32> to vector<100x128xf32>
    %mul3A_134 = arith.mulf %mul3A_131, %mul3A_133 : vector<100x128xf32>
    %broadcast_in_dim3A_135 = vector.shape_cast %get3A_89 : vector<128xf32> to vector<1x128xf32>
    %add3A_136 = vector.broadcast %broadcast_in_dim3A_135 : vector<1x128xf32> to vector<100x128xf32>
    %add3A_137 = arith.addf %mul3A_134, %add3A_136 : vector<100x128xf32>
    %max3A = arith.constant 0.000000e+00 : f32
    %max3A_138 = vector.broadcast %max3A : f32 to vector<100x128xf32>
    %max3A_139 = arith.maximumf %add3A_137, %max3A_138 : vector<100x128xf32>
    %dot_general3A_140 = arith.constant dense<0.000000e+00> : vector<10000x64xf32>
    %dot_general3A_141 = tpu.matmul %reshape3A_115, %get3A_49, %dot_general3A_140 {dimension_numbers = #tpu.dot_dimension_numbers<[1], [0], [0], [1], [0, 0, 1, 1], [], []>, transpose_lhs_hint = false} : vector<10000x64xf32>, vector<64x64xf32>, vector<10000x64xf32> -> vector<10000x64xf32>
    %dot_general3A_142 = arith.constant dense<0.000000e+00> : vector<10000x128xf32>
    %dot_general3A_143 = tpu.matmul %reshape3A_115, %get3A_55, %dot_general3A_142 {dimension_numbers = #tpu.dot_dimension_numbers<[1], [0], [0], [1], [0, 0, 1, 1], [], []>, transpose_lhs_hint = false} : vector<10000x64xf32>, vector<64x128xf32>, vector<10000x128xf32> -> vector<10000x128xf32>
    %dot_general3A_144 = arith.constant dense<0.000000e+00> : vector<100x64xf32>
    %dot_general3A_145 = tpu.matmul %max3A_139, %get3A_52, %dot_general3A_144 {dimension_numbers = #tpu.dot_dimension_numbers<[1], [0], [0], [1], [0, 0, 1, 1], [], []>, transpose_lhs_hint = false} : vector<100x128xf32>, vector<128x64xf32>, vector<100x64xf32> -> vector<100x64xf32>
    %broadcast_in_dim3A_146 = vector.shape_cast %dot_general3A_145 : vector<100x64xf32> to vector<100x1x64xf32>
    %broadcast_in_dim3A_147 = vector.shape_cast %broadcast_in_dim3A_146 : vector<100x1x64xf32> to vector<100x1x64xf32>
    %broadcast_in_dim3A_148 = vector.broadcast %broadcast_in_dim3A_147 : vector<100x1x64xf32> to vector<100x100x64xf32>
    %reshape3A_149 = vector.shape_cast %broadcast_in_dim3A_148 : vector<100x100x64xf32> to vector<10000x64xf32>
    %get3A_150 = arith.constant 0 : index
    %get3A_151 = arith.constant 0 : index
    %get3A_152 = vector.load %arg4[%get3A_150, %get3A_151] : memref<1x4xf32, #tpu.memory_space<vmem>>, vector<1x4xf32>
    %exp3A = math.exp %get3A_152 : vector<1x4xf32>
    %max3A_153 = arith.constant 1.000000e-01 : f32
    %max3A_154 = vector.broadcast %max3A_153 : f32 to vector<1x4xf32>
    %max3A_155 = arith.maximumf %exp3A, %max3A_154 : vector<1x4xf32>
    %mul3A_156 = arith.mulf %dot_general3A_141, %reshape3A_149 : vector<10000x64xf32>
    %dot_general3A_157 = arith.constant dense<0.000000e+00> : vector<10000x4xf32>
    %dot_general3A_158 = tpu.matmul %mul3A_156, %get3A_22, %dot_general3A_157 {dimension_numbers = #tpu.dot_dimension_numbers<[1], [0], [0], [1], [0, 0, 1, 1], [], []>, transpose_lhs_hint = false} : vector<10000x64xf32>, vector<64x4xf32>, vector<10000x4xf32> -> vector<10000x4xf32>
    %reshape3A_159 = vector.shape_cast %dot_general3A_158 : vector<10000x4xf32> to vector<100x100x4xf32>
    %squeeze3A = vector.shape_cast %max3A_155 : vector<1x4xf32> to vector<4xf32>
    %broadcast_in_dim3A_160 = vector.shape_cast %squeeze3A : vector<4xf32> to vector<1x1x4xf32>
    %div3A_161 = vector.broadcast %broadcast_in_dim3A_160 : vector<1x1x4xf32> to vector<100x100x4xf32>
    %div3A_162 = arith.divf %reshape3A_159, %div3A_161 : vector<100x100x4xf32>
    %reduce_max3A = arith.constant dense<0xFF800000> : vector<100x4xf32>
    %reduce_max3A_163 = vector.multi_reduction <maximumf>, %div3A_162, %reduce_max3A [1] : vector<100x100x4xf32> to vector<100x4xf32>
    %broadcast_in_dim3A_164 = vector.shape_cast %reduce_max3A_163 : vector<100x4xf32> to vector<100x1x4xf32>
    %sub3A_165 = vector.broadcast %broadcast_in_dim3A_164 : vector<100x1x4xf32> to vector<100x100x4xf32>
    %sub3A_166 = arith.subf %div3A_162, %sub3A_165 : vector<100x100x4xf32>
    %exp3A_167 = math.exp %sub3A_166 : vector<100x100x4xf32>
    %reduce_sum3A_168 = arith.constant dense<0.000000e+00> : vector<100x4xf32>
    %reduce_sum3A_169 = vector.multi_reduction <add>, %exp3A_167, %reduce_sum3A_168 [1] : vector<100x100x4xf32> to vector<100x4xf32>
    %broadcast_in_dim3A_170 = vector.shape_cast %reduce_sum3A_169 : vector<100x4xf32> to vector<100x1x4xf32>
    %div3A_171 = vector.broadcast %broadcast_in_dim3A_170 : vector<100x1x4xf32> to vector<100x100x4xf32>
    %div3A_172 = arith.divf %exp3A_167, %div3A_171 : vector<100x100x4xf32>
    %reshape3A_173 = vector.shape_cast %div3A_172 : vector<100x100x4xf32> to vector<10000x4xf32>
    %dot_general3A_174 = arith.constant dense<0.000000e+00> : vector<10000x128xf32>
    %dot_general3A_175 = tpu.matmul %reshape3A_173, %get3A_16, %dot_general3A_174 {dimension_numbers = #tpu.dot_dimension_numbers<[1], [0], [0], [1], [0, 0, 1, 1], [], []>, transpose_lhs_hint = false} : vector<10000x4xf32>, vector<4x128xf32>, vector<10000x128xf32> -> vector<10000x128xf32>
    %mul3A_176 = arith.mulf %dot_general3A_175, %dot_general3A_143 : vector<10000x128xf32>
    %reshape3A_177 = vector.shape_cast %mul3A_176 : vector<10000x128xf32> to vector<100x100x128xf32>
    %reduce_sum3A_178 = arith.constant dense<0.000000e+00> : vector<100x128xf32>
    %reduce_sum3A_179 = vector.multi_reduction <add>, %reshape3A_177, %reduce_sum3A_178 [1] : vector<100x100x128xf32> to vector<100x128xf32>
    %dot_general3A_180 = arith.constant dense<0.000000e+00> : vector<100x512xf32>
    %dot_general3A_181 = tpu.matmul %reduce_sum3A_179, %get3A_28, %dot_general3A_180 {dimension_numbers = #tpu.dot_dimension_numbers<[1], [0], [0], [1], [0, 0, 1, 1], [], []>, transpose_lhs_hint = false} : vector<100x128xf32>, vector<128x512xf32>, vector<100x512xf32> -> vector<100x512xf32>
    %dot_general3A_182 = arith.constant dense<0.000000e+00> : vector<100x512xf32>
    %dot_general3A_183 = tpu.matmul %max3A_139, %get3A_31, %dot_general3A_182 {dimension_numbers = #tpu.dot_dimension_numbers<[1], [0], [0], [1], [0, 0, 1, 1], [], []>, transpose_lhs_hint = false} : vector<100x128xf32>, vector<128x512xf32>, vector<100x512xf32> -> vector<100x512xf32>
    %add3A_184 = arith.addf %dot_general3A_181, %dot_general3A_183 : vector<100x512xf32>
    %mul3A_185 = arith.mulf %reduce_sum3A_179, %max3A_139 : vector<100x128xf32>
    %dot_general3A_186 = arith.constant dense<0.000000e+00> : vector<100x512xf32>
    %dot_general3A_187 = tpu.matmul %mul3A_185, %get3A_34, %dot_general3A_186 {dimension_numbers = #tpu.dot_dimension_numbers<[1], [0], [0], [1], [0, 0, 1, 1], [], []>, transpose_lhs_hint = false} : vector<100x128xf32>, vector<128x512xf32>, vector<100x512xf32> -> vector<100x512xf32>
    %add3A_188 = arith.addf %add3A_184, %dot_general3A_187 : vector<100x512xf32>
    %sub3A_189 = arith.subf %reduce_sum3A_179, %max3A_139 : vector<100x128xf32>
    %dot_general3A_190 = arith.constant dense<0.000000e+00> : vector<100x512xf32>
    %dot_general3A_191 = tpu.matmul %sub3A_189, %get3A_37, %dot_general3A_190 {dimension_numbers = #tpu.dot_dimension_numbers<[1], [0], [0], [1], [0, 0, 1, 1], [], []>, transpose_lhs_hint = false} : vector<100x128xf32>, vector<128x512xf32>, vector<100x512xf32> -> vector<100x512xf32>
    %add3A_192 = arith.addf %add3A_188, %dot_general3A_191 : vector<100x512xf32>
    %dot_general3A_193 = arith.constant dense<0.000000e+00> : vector<100x128xf32>
    %dot_general3A_194 = tpu.matmul %add3A_192, %get3A_7, %dot_general3A_193 {dimension_numbers = #tpu.dot_dimension_numbers<[1], [0], [0], [1], [0, 0, 1, 1], [], []>, transpose_lhs_hint = false} : vector<100x512xf32>, vector<512x128xf32>, vector<100x128xf32> -> vector<100x128xf32>
    %broadcast_in_dim3A_195 = vector.shape_cast %get3A_68 : vector<128xf32> to vector<1x128xf32>
    %add3A_196 = vector.broadcast %broadcast_in_dim3A_195 : vector<1x128xf32> to vector<100x128xf32>
    %add3A_197 = arith.addf %dot_general3A_194, %add3A_196 : vector<100x128xf32>
    %dot_general3A_198 = arith.constant dense<0.000000e+00> : vector<100x128xf32>
    %dot_general3A_199 = tpu.matmul %add3A_197, %get3A_13, %dot_general3A_198 {dimension_numbers = #tpu.dot_dimension_numbers<[1], [0], [0], [1], [0, 0, 1, 1], [], []>, transpose_lhs_hint = false} : vector<100x128xf32>, vector<128x128xf32>, vector<100x128xf32> -> vector<100x128xf32>
    %sub3A_200 = arith.subf %add3A_197, %dot_general3A_199 : vector<100x128xf32>
    %mul3A_201 = arith.mulf %sub3A_200, %sub3A_200 : vector<100x128xf32>
    %dot_general3A_202 = arith.constant dense<0.000000e+00> : vector<100x128xf32>
    %dot_general3A_203 = tpu.matmul %mul3A_201, %get3A_13, %dot_general3A_202 {dimension_numbers = #tpu.dot_dimension_numbers<[1], [0], [0], [1], [0, 0, 1, 1], [], []>, transpose_lhs_hint = false} : vector<100x128xf32>, vector<128x128xf32>, vector<100x128xf32> -> vector<100x128xf32>
    %add3A_204 = arith.constant 9.99999974E-6 : f32
    %add3A_205 = vector.broadcast %add3A_204 : f32 to vector<100x128xf32>
    %add3A_206 = arith.addf %dot_general3A_203, %add3A_205 : vector<100x128xf32>
    %rsqrt3A_207 = math.rsqrt %add3A_206 : vector<100x128xf32>
    %mul3A_208 = arith.mulf %sub3A_200, %rsqrt3A_207 : vector<100x128xf32>
    %broadcast_in_dim3A_209 = vector.shape_cast %get3A_72 : vector<128xf32> to vector<1x128xf32>
    %mul3A_210 = vector.broadcast %broadcast_in_dim3A_209 : vector<1x128xf32> to vector<100x128xf32>
    %mul3A_211 = arith.mulf %mul3A_208, %mul3A_210 : vector<100x128xf32>
    %broadcast_in_dim3A_212 = vector.shape_cast %get3A_66 : vector<128xf32> to vector<1x128xf32>
    %add3A_213 = vector.broadcast %broadcast_in_dim3A_212 : vector<1x128xf32> to vector<100x128xf32>
    %add3A_214 = arith.addf %mul3A_211, %add3A_213 : vector<100x128xf32>
    %max3A_215 = arith.constant 0.000000e+00 : f32
    %max3A_216 = vector.broadcast %max3A_215 : f32 to vector<100x128xf32>
    %max3A_217 = arith.maximumf %add3A_214, %max3A_216 : vector<100x128xf32>
    %dot_general3A_218 = arith.constant dense<0.000000e+00> : vector<100x128xf32>
    %dot_general3A_219 = tpu.matmul %max3A_217, %get3A_10, %dot_general3A_218 {dimension_numbers = #tpu.dot_dimension_numbers<[1], [0], [0], [1], [0, 0, 1, 1], [], []>, transpose_lhs_hint = false} : vector<100x128xf32>, vector<128x128xf32>, vector<100x128xf32> -> vector<100x128xf32>
    %broadcast_in_dim3A_220 = vector.shape_cast %get3A_70 : vector<128xf32> to vector<1x128xf32>
    %add3A_221 = vector.broadcast %broadcast_in_dim3A_220 : vector<1x128xf32> to vector<100x128xf32>
    %add3A_222 = arith.addf %dot_general3A_219, %add3A_221 : vector<100x128xf32>
    %dot_general3A_223 = arith.constant dense<0.000000e+00> : vector<100x32xf32>
    %dot_general3A_224 = tpu.matmul %div3A_114, %get3A_60, %dot_general3A_223 {dimension_numbers = #tpu.dot_dimension_numbers<[1], [0], [0], [1], [0, 0, 1, 1], [], []>, transpose_lhs_hint = false} : vector<100x64xf32>, vector<64x32xf32>, vector<100x32xf32> -> vector<100x32xf32>
    %broadcast_in_dim3A_225 = vector.shape_cast %get3A_62 : vector<32xf32> to vector<1x32xf32>
    %add3A_226 = vector.broadcast %broadcast_in_dim3A_225 : vector<1x32xf32> to vector<100x32xf32>
    %add3A_227 = arith.addf %dot_general3A_224, %add3A_226 : vector<100x32xf32>
    %dot_general3A_228 = arith.constant dense<0.000000e+00> : vector<100x128xf32>
    %dot_general3A_229 = tpu.matmul %add3A_222, %get3A_1, %dot_general3A_228 {dimension_numbers = #tpu.dot_dimension_numbers<[1], [0], [0], [1], [0, 0, 1, 1], [], []>, transpose_lhs_hint = false} : vector<100x128xf32>, vector<128x128xf32>, vector<100x128xf32> -> vector<100x128xf32>
    %broadcast_in_dim3A_230 = vector.shape_cast %get3A_57 : vector<128xf32> to vector<1x128xf32>
    %add3A_231 = vector.broadcast %broadcast_in_dim3A_230 : vector<1x128xf32> to vector<100x128xf32>
    %add3A_232 = arith.addf %dot_general3A_229, %add3A_231 : vector<100x128xf32>
    %dot_general3A_233 = arith.constant dense<0.000000e+00> : vector<100x128xf32>
    %dot_general3A_234 = tpu.matmul %add3A_227, %get3A_25, %dot_general3A_233 {dimension_numbers = #tpu.dot_dimension_numbers<[1], [0], [0], [1], [0, 0, 1, 1], [], []>, transpose_lhs_hint = false} : vector<100x32xf32>, vector<32x128xf32>, vector<100x128xf32> -> vector<100x128xf32>
    %add3A_235 = arith.addf %add3A_232, %dot_general3A_234 : vector<100x128xf32>
    %tanh3A = math.tanh %add3A_235 : vector<100x128xf32>
    %dot_general3A_236 = arith.constant dense<0.000000e+00> : vector<100x4xf32>
    %dot_general3A_237 = tpu.matmul %tanh3A, %get3A_4, %dot_general3A_236 {dimension_numbers = #tpu.dot_dimension_numbers<[1], [0], [0], [1], [0, 0, 1, 1], [], []>, transpose_lhs_hint = false} : vector<100x128xf32>, vector<128x4xf32>, vector<100x4xf32> -> vector<100x4xf32>
    %broadcast_in_dim3A_238 = vector.shape_cast %get3A_64 : vector<1xf32> to vector<1x1xf32>
    %add3A_239 = vector.broadcast %broadcast_in_dim3A_238 : vector<1x1xf32> to vector<100x4xf32>
    %add3A_240 = arith.addf %dot_general3A_237, %add3A_239 : vector<100x4xf32>
    %reduce_max3A_241 = arith.constant dense<0xFF800000> : vector<100xf32>
    %reduce_max3A_242 = vector.multi_reduction <maximumf>, %add3A_240, %reduce_max3A_241 [1] : vector<100x4xf32> to vector<100xf32>
    %broadcast_in_dim3A_243 = vector.shape_cast %reduce_max3A_242 : vector<100xf32> to vector<100x1xf32>
    %sub3A_244 = vector.broadcast %broadcast_in_dim3A_243 : vector<100x1xf32> to vector<100x4xf32>
    %sub3A_245 = arith.subf %add3A_240, %sub3A_244 : vector<100x4xf32>
    %exp3A_246 = math.exp %sub3A_245 : vector<100x4xf32>
    %reduce_sum3A_247 = arith.constant dense<0.000000e+00> : vector<100xf32>
    %reduce_sum3A_248 = vector.multi_reduction <add>, %exp3A_246, %reduce_sum3A_247 [1] : vector<100x4xf32> to vector<100xf32>
    %broadcast_in_dim3A_249 = vector.shape_cast %reduce_sum3A_248 : vector<100xf32> to vector<100x1xf32>
    %div3A_250 = vector.broadcast %broadcast_in_dim3A_249 : vector<100x1xf32> to vector<100x4xf32>
    %div3A_251 = arith.divf %exp3A_246, %div3A_250 : vector<100x4xf32>
    %dot_general3A_252 = arith.constant dense<0.000000e+00> : vector<100x128xf32>
    %dot_general3A_253 = tpu.matmul %div3A_251, %get3A_16, %dot_general3A_252 {dimension_numbers = #tpu.dot_dimension_numbers<[1], [0], [0], [1], [0, 0, 1, 1], [], []>, transpose_lhs_hint = false} : vector<100x4xf32>, vector<4x128xf32>, vector<100x128xf32> -> vector<100x128xf32>
    %mul3A_254 = arith.mulf %dot_general3A_253, %add3A_222 : vector<100x128xf32>
    %dot_general3A_255 = arith.constant dense<0.000000e+00> : vector<100x32xf32>
    %dot_general3A_256 = tpu.matmul %mul3A_254, %get3A_19, %dot_general3A_255 {dimension_numbers = #tpu.dot_dimension_numbers<[1], [0], [0], [1], [0, 0, 1, 1], [], []>, transpose_lhs_hint = false} : vector<100x128xf32>, vector<128x32xf32>, vector<100x32xf32> -> vector<100x32xf32>
    %dot_general3A_257 = arith.constant dense<0.000000e+00> : vector<100x96xf32>
    %dot_general3A_258 = tpu.matmul %div3A_114, %get3A_40, %dot_general3A_257 {dimension_numbers = #tpu.dot_dimension_numbers<[1], [0], [0], [1], [0, 0, 1, 1], [], []>, transpose_lhs_hint = false} : vector<100x64xf32>, vector<64x96xf32>, vector<100x96xf32> -> vector<100x96xf32>
    %dot_general3A_259 = arith.constant dense<0.000000e+00> : vector<100x96xf32>
    %dot_general3A_260 = tpu.matmul %dot_general3A_256, %get3A_43, %dot_general3A_259 {dimension_numbers = #tpu.dot_dimension_numbers<[1], [0], [0], [1], [0, 0, 1, 1], [], []>, transpose_lhs_hint = false} : vector<100x32xf32>, vector<32x96xf32>, vector<100x96xf32> -> vector<100x96xf32>
    %add3A_261 = arith.addf %dot_general3A_258, %dot_general3A_260 : vector<100x96xf32>
    %dot_general3A_262 = arith.constant dense<0.000000e+00> : vector<100x128xf32>
    %dot_general3A_263 = tpu.matmul %add3A_261, %get3A_75, %dot_general3A_262 {dimension_numbers = #tpu.dot_dimension_numbers<[1], [0], [0], [1], [0, 0, 1, 1], [], []>, transpose_lhs_hint = false} : vector<100x96xf32>, vector<96x128xf32>, vector<100x128xf32> -> vector<100x128xf32>
    %broadcast_in_dim3A_264 = vector.shape_cast %get3A_83 : vector<128xf32> to vector<1x128xf32>
    %add3A_265 = vector.broadcast %broadcast_in_dim3A_264 : vector<1x128xf32> to vector<100x128xf32>
    %add3A_266 = arith.addf %dot_general3A_263, %add3A_265 : vector<100x128xf32>
    %max3A_267 = arith.constant 0.000000e+00 : f32
    %max3A_268 = vector.broadcast %max3A_267 : f32 to vector<100x128xf32>
    %max3A_269 = arith.maximumf %add3A_266, %max3A_268 : vector<100x128xf32>
    %dot_general3A_270 = arith.constant dense<0.000000e+00> : vector<100x32xf32>
    %dot_general3A_271 = tpu.matmul %max3A_269, %get3A_78, %dot_general3A_270 {dimension_numbers = #tpu.dot_dimension_numbers<[1], [0], [0], [1], [0, 0, 1, 1], [], []>, transpose_lhs_hint = false} : vector<100x128xf32>, vector<128x32xf32>, vector<100x32xf32> -> vector<100x32xf32>
    %broadcast_in_dim3A_272 = vector.shape_cast %get3A_85 : vector<32xf32> to vector<1x32xf32>
    %add3A_273 = vector.broadcast %broadcast_in_dim3A_272 : vector<1x32xf32> to vector<100x32xf32>
    %add3A_274 = arith.addf %dot_general3A_271, %add3A_273 : vector<100x32xf32>
    %max3A_275 = arith.constant 0.000000e+00 : f32
    %max3A_276 = vector.broadcast %max3A_275 : f32 to vector<100x32xf32>
    %max3A_277 = arith.maximumf %add3A_274, %max3A_276 : vector<100x32xf32>
    %dot_general3A_278 = arith.constant dense<0.000000e+00> : vector<100x1xf32>
    %dot_general3A_279 = tpu.matmul %max3A_277, %get3A_81, %dot_general3A_278 {dimension_numbers = #tpu.dot_dimension_numbers<[1], [0], [0], [1], [0, 0, 1, 1], [], []>, transpose_lhs_hint = false} : vector<100x32xf32>, vector<32x1xf32>, vector<100x1xf32> -> vector<100x1xf32>
    %broadcast_in_dim3A_280 = vector.shape_cast %get3A_87 : vector<1xf32> to vector<1x1xf32>
    %add3A_281 = vector.broadcast %broadcast_in_dim3A_280 : vector<1x1xf32> to vector<100x1xf32>
    %add3A_282 = arith.addf %dot_general3A_279, %add3A_281 : vector<100x1xf32>
    %swap3A = arith.constant 0 : index
    %swap3A_283 = arith.constant 0 : index
    %swap3A_284 = vector.load %arg41[%swap3A, %swap3A_283] : memref<100x1xf32, #tpu.memory_space<vmem>>, vector<100x1xf32>
    tpu.vector_store %arg41[%swap3A, %swap3A_283], %add3A_282 {strides = array<i32>} : memref<100x1xf32, #tpu.memory_space<vmem>>, vector<100x1xf32>,
    %swap3A_285 = arith.constant 0 : index
    %swap3A_286 = arith.constant 0 : index
    %swap3A_287 = vector.load %arg42[%swap3A_285, %swap3A_286] : memref<100x4xf32, #tpu.memory_space<vmem>>, vector<100x4xf32>
    tpu.vector_store %arg42[%swap3A_285, %swap3A_286], %div3A_251 {strides = array<i32>} : memref<100x4xf32, #tpu.memory_space<vmem>>, vector<100x4xf32>,
    %transpose3A = tpu.transpose %div3A_172, [0, 2, 1] : vector<100x100x4xf32> -> vector<100x4x100xf32>
    %swap3A_288 = arith.constant 0 : index
    %swap3A_289 = arith.constant 0 : index
    %swap3A_290 = arith.constant 0 : index
    %swap3A_291 = vector.load %arg43[%swap3A_288, %swap3A_289, %swap3A_290] : memref<100x4x100xf32, #tpu.memory_space<vmem>>, vector<100x4x100xf32>
    tpu.vector_store %arg43[%swap3A_288, %swap3A_289, %swap3A_290], %transpose3A {strides = array<i32>} : memref<100x4x100xf32, #tpu.memory_space<vmem>>, vector<100x4x100xf32>,
    return
  }
}

</mosaic_0001>

<sc_bundles>
// kernel: kernel.11.cloned.1.call-start
scs
__scs_entry_jumppad:
0x0: {  	(pc) =	sbr.rel $0x88, $3  }
0x1: {  	(tag) =	ssettag $0x0;
	lr =	simm.s32 $0x1  }
0x2: {  	[smem:$0x3F82] =	sst lr;
	_ =	strace $0xD0000000  }
0x3: {  	_ = 	snop  }
0x4: {  	_ = 	snop  }
0x5: {  	_ = 	snop  }
0x6: {  	_ = 	snop  }
0x7: {  	_ = 	snop  }
__scs_overlays_trampoline_lowered:
0x8: {  	[smem:$0x3F91] =	sst s0  }
0x9: {  	[smem:$0x3F92] =	sst s1  }
0xa: {  	[smem:$0x3F93] =	sst s2  }
0xb: {  	[smem:$0x3F94] =	sst s3  }
0xc: {  	[smem:$0x3F95] =	sst s4  }
0xd: {  	[smem:$0x3F96] =	sst s5  }
0xe: {  	[smem:$0x3F97] =	sst s6  }
0xf: {  	[smem:$0x3F98] =	sst s7  }
0x10: {  	[smem:$0x3F99] =	sst s8  }
0x11: {  	[smem:$0x3F9A] =	sst s9;
	s0 =	simm.s32 @!p0 $0x0  }
0x12: {  	s1 =	sld [smem:$0x3F80];
	s0 =	simm.s32 @p0 $0x1  }
0x13: {  	[smem:$0x3F9B] =	sst s0;
	s0 =	simm.s32 @!p1 $0x0  }
0x14: {  	s2 =	sld [smem:$0x3F7F];
	s0 =	simm.s32 @p1 $0x1  }
0x15: {  	[smem:$0x3F9C] =	sst s0;
	s0 =	simm.s32 @!p2 $0x0  }
0x16: {  	s3 =	sld [smem:$0x3FDB];
	s0 =	simm.s32 @p2 $0x1  }
0x17: {  	s4 =	simm.s32 $0x1BF5;
	[smem:$0x3F9E] =	sst s0  }
0x18: {  	s0 =	sld [smem:$0x3F81];
	_ =	swait.ge [sflag:s4], $0x0  }
0x19: {  	s7 =	sld [smem:$0x3F82]  }
0x1a: {  	s8 =	sadd.s32 $0xFFFFE003, lr  }
0x1b: {  	s9 =	sadd.s32 $0xFFFFFEF7, lr;
	s5 =	simm.s32 $0xFFFFFFFF;
	p2 =	slt.u32 s8, $0xFFFFF086  }
0x1c: {  	p1 =	slt.u32 s9, $0xF7A;
	s5 =	simm.s32 @!p2 $0x0  }
0x1d: {  	s5 =	simm.s32 @p1 $0x1;
	p0 =	seq.s32 s7, s2  }
0x1e: {  	s7 =	smul.u32 @!p0 $0xF7A, s2;
	p2 =	seq.s32 @!p0 s5, $0x0  }
0x1f: {  	s9 =	smul.u32 $0xF7A, s1;
	s8 =	simm.s32 @!p0 $0x1BF5;
	p2 =	por !p2, p0  }
0x20: {  	[sflag:s8] =	ssyncset.s32 @!p0 $0xFFFFF086;
	s6 =	sadd.s32 @!p0 s3, s7;
	s7 =	simm.s32 @!p0 $0x108  }
0x21: {  	s3 =	sadd.s32 s3, s9;
	s6 =	sadd.s32 @!p0 $0x88, s6;
	s7 =	simm.s32 @p2 $0x1082  }
0x22: {  	[simem:s7], [sflag:s8] =	dma.local @!p0 [hbm:s6], $0xF7A  }
0x23: {  	s9 =	sor.u32 $0xD0000000, s2;
	s6 =	simm.s32 $0x108;
	_ =	swait.ge @!p0 [sflag:s8], $0x0  }
0x24: {  	s3 =	sadd.s32 $0x88, s3;
	s6 =	simm.s32 @!p1 $0x1082;
	[sflag:s4] =	ssyncset.s32 $0xFFFFF086  }
0x25: {  	[simem:s6], [sflag:s4] =	dma.local [hbm:s3], $0xF7A  }
0x26: {  	[smem:$0x3F82] =	sst s1;
	(tag) =	ssettag s2;
	_ =	strace s9  }
0x27: {  	s1 =	sld [smem:$0x3F92]  }
0x28: {  	s2 =	sld [smem:$0x3F93]  }
0x29: {  	s4 =	sld [smem:$0x3F95]  }
0x2a: {  	p0 =	seq.s32 s5, $0x0;
	s5 =	sld [smem:$0x3F96]  }
0x2b: {  	s6 =	sld [smem:$0x3F97]  }
0x2c: {  	s7 =	sld [smem:$0x3F98]  }
0x2d: {  	s3 =	simm.s32 $0x108;
	s8 =	sld [smem:$0x3F99]  }
0x2e: {  	s3 =	simm.s32 @!p0 $0x1082;
	s9 =	sld [smem:$0x3F9A]  }
0x2f: {  	lr =	sadd.s32 s0, s3;
	s0 =	sld [smem:$0x3F91]  }
0x30: {  	s3 =	sld [smem:$0x3F94]  }
0x31: {  	[smem:$0x3F9D] =	sst s10  }
0x32: {  	s10 =	sld [smem:$0x3F9B];
	_ =	sdelay $0x3  }
0x33: {  	p0 =	seq.s32 s10, $0x1;
	s10 =	sld [smem:$0x3F9D];
	_ =	sdelay $0x3  }
0x34: {  	[smem:$0x3F9D] =	sst s10  }
0x35: {  	s10 =	sld [smem:$0x3F9C];
	_ =	sdelay $0x3  }
0x36: {  	p1 =	seq.s32 s10, $0x1;
	s10 =	sld [smem:$0x3F9D];
	_ =	sdelay $0x3  }
0x37: {  	[smem:$0x3F9D] =	sst s10  }
0x38: {  	s10 =	sld [smem:$0x3F9E]  }
0x39: {  	_ = 	snop;
	(pc) =	sbr.ind lr, $3  }
0x3a: {  	_ = 	snop  }
0x3b: {  	_ = 	snop  }
0x3c: {  	p2 =	seq.s32 s10, $0x1;
	s10 =	sld [smem:$0x3F9D]  }
0x3d: {  	_ =	shalt  }
0x3e: {  	_ =	shalt  }
0x3f: {  	_ =	shalt  }
0x40: {  	_ =	shalt  }
0x41: {  	_ =	shalt  }
0x42: {  	_ =	shalt  }
0x43: {  	_ =	shalt  }
0x44: {  	_ =	shalt  }
0x45: {  	_ =	shalt  }
0x46: {  	_ =	shalt  }
0x47: {  	_ =	shalt  }
0x48: {  	_ =	shalt  }
0x49: {  	_ =	shalt  }
0x4a: {  	_ =	shalt  }
0x4b: {  	_ =	shalt  }
0x4c: {  	_ =	shalt  }
0x4d: {  	_ =	shalt  }
0x4e: {  	_ =	shalt  }
0x4f: {  	_ =	shalt  }
0x50: {  	_ =	shalt  }
0x51: {  	_ =	shalt  }
0x52: {  	_ =	shalt  }
0x53: {  	_ =	shalt  }
0x54: {  	_ =	shalt  }
0x55: {  	_ =	shalt  }
0x56: {  	_ =	shalt  }
0x57: {  	_ =	shalt  }
0x58: {  	_ =	shalt  }
0x59: {  	_ =	shalt  }
0x5a: {  	_ =	shalt  }
0x5b: {  	_ =	shalt  }
0x5c: {  	_ =	shalt  }
0x5d: {  	_ =	shalt  }
0x5e: {  	_ =	shalt  }
0x5f: {  	_ =	shalt  }
0x60: {  	_ =	shalt  }
0x61: {  	_ =	shalt  }
0x62: {  	_ =	shalt  }
0x63: {  	_ =	shalt  }
0x64: {  	_ =	shalt  }
0x65: {  	_ =	shalt  }
0x66: {  	_ =	shalt  }
0x67: {  	_ =	shalt  }
0x68: {  	_ =	shalt  }
0x69: {  	_ =	shalt  }
0x6a: {  	_ =	shalt  }
0x6b: {  	_ =	shalt  }
0x6c: {  	_ =	shalt  }
0x6d: {  	_ =	shalt  }
0x6e: {  	_ =	shalt  }
0x6f: {  	_ =	shalt  }
0x70: {  	_ =	shalt  }
0x71: {  	_ =	shalt  }
0x72: {  	_ =	shalt  }
0x73: {  	_ =	shalt  }
0x74: {  	_ =	shalt  }
0x75: {  	_ =	shalt  }
0x76: {  	_ =	shalt  }
0x77: {  	_ =	shalt  }
0x78: {  	_ =	shalt  }
0x79: {  	_ =	shalt  }
0x7a: {  	_ =	shalt  }
0x7b: {  	_ =	shalt  }
0x7c: {  	_ =	shalt  }
0x7d: {  	_ =	shalt  }
0x7e: {  	_ =	shalt  }
0x7f: {  	_ =	shalt  }
0x80: {  	_ =	shalt  }
0x81: {  	_ =	shalt  }
0x82: {  	_ =	shalt  }
0x83: {  	_ =	shalt  }
0x84: {  	_ =	shalt  }
0x85: {  	_ =	shalt  }
0x86: {  	_ =	shalt  }
0x87: {  	_ =	shalt  }
.Lfunc_end0:
.L_simem_size_0:
called_computation.1_lowered:
.L_overlay_start_0:
0x88: {  	s2 =	sld [smem:$0x3FD9]  }
0x89: {  	s3 =	sld [smem:$0x3FFE];
	_ =	sdelay $0x1  }
0x8a: {  	s1 =	srdreg.scid  }
0x8b: {  	s0 =	sand.u32 $0x1, s1  }
0x8c: {  	s16 =	sshll.u32 s0, $0xA;
	s2 =	sadd.s32 s3, s2  }
0x8d: {  	s2 =	sadd.s32 s2, s16  }
0x8e: {  	[smem:$0x3FA9] =	sst s2  }
0x8f: {  	_ = 	snop  }
0x90: {  	(tm) =	ssettm $0x1  }
0x91: {  	s17 =	sld [smem:$0x3FFB];
	_ =	sdelay $0x3  }
0x92: {  	_ =	strace s17  }
0x93: {  	s2 =	sld [smem:$0x3FFC];
	_ =	sdelay $0x3  }
0x94: {  	_ =	strace s2  }
0x95: {  	s2 =	sld [smem:$0x3FFD];
	_ =	sdelay $0x3  }
0x96: {  	_ =	strace s2  }
0x97: {  	_ =	strace $0x8FFFFFFF  }
0x98: {  	s18 =	sld [smem:$0x3FDB];
	_ =	sdelay $0x1  }
0x99: {  	s19 =	simm.s32 $_scs_section_size  }
0x9a: {  	s4 =	simm.s32 $_size__tile_overlayer_lowered;
	s5 =	simm.s32 $_tile_overlayer_lowered  }
0x9b: {  	s22 =	simm.s32 $0x1BFF;
	s21 =	sshll.u32 s5, $0x1;
	s2 =	sadd.s32 s19, s18  }
0x9c: {  	s6 =	simm.s32 $0x0;
	s20 =	sshll.u32 s4, $0x1;
	s4 =	sadd.s32 s21, s2  }
0x9d: {  	[timem:s6], [sflag:s22] =	dma.local [hbm:s4], s20  }
0x9e: {  	_ =	swait.ge [sflag:s22], s20  }
0x9f: {  	s3 =	ssub.s32 $0x0, s20;
	[sflag:s22] =	ssyncset.done $0x0  }
0xa0: {  	[sflag:s22] =	ssyncadd.s32 s3;
	_ =	sdelay $0x1  }
0xa1: {  	s23 =	simm.s32 $0x1B8B  }
0xa2: {  	_ =	swait.ge [sflag:s23], $0x1  }
0xa3: {  	[sflag:s23] =	ssyncset.done $0x0  }
0xa4: {  	s25 =	simm.s32 $0x1B8E;
	s24 =	sld [smem:$0x3FFE];
	[sflag:s23] =	ssyncadd.s32 $0xFFFFFFFF  }
0xa5: {  	s26 =	simm.s32 $execute0_lowered;
	[smem:$0x3FD2] =	sst s25  }
0xa6: {  	s4 =	sshll.u32 s26, $0x1;
	_ =	strace $0x80000049;
	[dreg:$0x1] =	wrdreg $0xFFFFFFFF  }
0xa7: {  	s28 =	simm.s32 $_size_execute0_lowered;
	s2 =	sadd.s32 s2, s4;
	[dreg:$0x0] =	wrdreg $0x0  }
0xa8: {  	s4 =	sshll.u32 s28, $0x1;
	[dreg:$0x2] =	wrdreg s2  }
0xa9: {  	[dreg:$0x3] =	wrdreg s4  }
0xaa: {  	[dreg:$0x4] =	wrdreg $0xC0  }
0xab: {  	_ =	task [dreg:s6], $0x5FFFF  }
0xac: {  	[dreg:$0x1] =	wrdreg $0xFFFFFFFF  }
0xad: {  	[dreg:$0x0] =	wrdreg $0x60  }
0xae: {  	[dreg:$0x2] =	wrdreg s24  }
0xaf: {  	[dreg:$0x3] =	wrdreg $0xA4000  }
0xb0: {  	[dreg:$0x4] =	wrdreg $0x9  }
0xb1: {  	_ =	task.clear_ibuf [dreg:s6], $0x5FFFF;
	_ =	strace $0x90000049  }
0xb2: {  	s29 =	simm.s32 $0x9;
	_ =	strace $0x8000004B  }
0xb3: {  	_ =	swait.ge [sflag:s29], $0x1  }
0xb4: {  	[sflag:s29] =	ssyncadd.s32 $0xFFFFFFFF  }
0xb5: {  	_ =	strace $0x9000004B  }
0xb6: {  	_ =	sfence  }
0xb7: {  	s30 =	sld [smem:$0x0];
	_ =	sdelay $0x2  }
0xb8: {  	s31 =	sshll.u32 s1, $0xD;
	s1 =	sshrl.u32 s1, $0x2  }
0xb9: {  	s3 =	sand.u32 $0x4000, s31;
	s1 =	sadd.s32 s1, s30  }
0xba: {  	s0 =	sor.u32 s3, s0;
	s1 =	sshll.u32 s1, $0x11  }
0xbb: {  	s0 =	sor.u32 s1, s0  }
0xbc: {  	s0 =	sadd.s32 $0x8F2B, s0  }
0xbd: {  	[sflag:s0] =	ssyncadd.remote.s32 $0x1  }
0xbe: {  	_ =	sfence.sel $0xFFFF  }
0xbf: {  	[dreg:$0x0] =	wrdreg $0xFFFFFFFF;
	(pc) =	sbr.abs _section_cstart, $3  }
0xc0: {  	[dreg:$0x1] =	wrdreg $0xFFFFFFFF  }
0xc1: {  	_ =	task.clear_ibuf [dreg:s6], $0x2FFFF;
	_ =	strace $0x9FFFFFFF  }
0xc2: {  	(tm) =	ssettm $0x7FFFFFFF  }
0xc3: {  	_ =	shalt  }
tec
execute0_lowered:
.L_overlay_start_1:
0x0: {  	(tag) =	ssettag $0x1  }
0x1: {  	s0 =	rddreg [dreg:$0x0]  }
0x2: {  	s2 =	rddreg [dreg:$0x1]  }
0x3: {  	s3 =	simm.s32 $0x0;
	s14 =	stileid.u32;
	s7 =	srdreg.scid  }
0x4: {  	s28 =	simm.s32 $0x2C00;
	s29 =	simm.s32 $0x1;
	s30 =	simm.s32 $0x180  }
0x5: {  	s31 =	simm.s32 $0x380;
	[smem:$0x7FF] =	sst s3;
	s1 =	smul.u32 $0x2800, s14  }
0x6: {  	s4 =	sadd.s32 $0x19000, s0;
	s5 =	sadd.s32 $0x5400, s0;
	s8 =	smul.u32 $0x50000, s14  }
0x7: {  	s6 =	sadd.s32 $0xF200, s0;
	s7 =	sand.u32 $0x1, s7;
	s21 =	smul.u32 $0x14000, s14  }
0x8: {  	s9 =	sadd.s32 $0x67400, s0;
	s11 =	sshll.u32 s14, $0x1;
	s23 =	smul.u32 $0x14, s14  }
0x9: {  	s17 =	sadd.s32 $0x12C000, s2;
	s24 =	smul.u32 $0xA0, s14;
	p0 =	seq.s32 s14, $0xF  }
0xa: {  	s14 =	simm.s32 $0x0;
	_ =	strace $0x8000004A;
	s10 =	ssub.s32 $0x2, s7  }
0xb: {  	s11 =	sor.u32 s7, s11;
	[dreg:$0xb] =	wrdreg s17;
	s1 =	sadd.s32 s1, s0  }
0xc: {  	s12 =	sshrl.u32 s10, $0x1;
	s8 =	sshrl.u32 s8, $0x2;
	s0 =	sadd.s32 $0x65A00, s0  }
0xd: {  	s16 =	smul.u32 $0x50, s11;
	s8 =	sadd.s32 s8, s2;
	[dreg:$0xc] =	wrdreg s0  }
0xe: {  	s18 =	smul.u32 $0xA, s11;
	s1 =	sadd.s32 $0x40200, s1;
	[dreg:$0x9] =	wrdreg s8  }
0xf: {  	s25 =	smul.u32 $0x50, s7;
	s10 =	ssub.s32 s10, s12;
	[dreg:$0xa] =	wrdreg s1  }
0x10: {  	s19 =	sshrl.u32 s16, $0x3;
	s8 =	smul.u32 $0x138800, s7;
	s11 =	sadd.s32 s5, s18  }
0x11: {  	s1 =	sadd.s32 s6, s18;
	s7 =	smul.u32 $0xA, s7;
	[dreg:$0xd] =	wrdreg s11  }
0x12: {  	s20 =	sadd.s32 $0x140, s19;
	[dreg:$0xe] =	wrdreg s1;
	s0 =	sadd.s32 $0x9B00, s19  }
0x13: {  	s1 =	sadd.s32 s23, s6;
	s22 =	sadd.s32 s5, s20;
	s11 =	sadd.s32 s6, s20  }
0x14: {  	s13 =	sadd.s32 s5, s0;
	s12 =	sadd.s32 s21, s8;
	[dreg:$0xf] =	wrdreg s22  }
0x15: {  	s0 =	sadd.s32 s6, s0;
	s15 =	sadd.s32 s7, s1;
	[dreg:$0x10] =	wrdreg s11  }
0x16: {  	s21 =	sshrl.u32 s8, $0x3;
	s1 =	simm.s32 $0x5400;
	[dreg:$0x11] =	wrdreg s13  }
0x17: {  	s8 =	simm.s32 $0x7C00;
	[dreg:$0x12] =	wrdreg s0;
	s26 =	sshrl.u32 s12, $0x3  }
0x18: {  	s12 =	sadd.s32 s23, s5;
	s11 =	sadd.s32 s25, s24;
	[dreg:$0x4] =	wrdreg s15  }
0x19: {  	s23 =	sadd.s32 s9, s21;
	s0 =	sadd.s32 s9, s26;
	s13 =	sadd.s32 $0x1E00, s11  }
0x1a: {  	s18 =	sadd.s32 $0x1400, s11;
	s25 =	sadd.s32 $0x25800, s23;
	s26 =	smax.u32 s10, $0x1  }
0x1b: {  	s9 =	simm.s32 $0x3;
	s10 =	simm.s32 $0xA;
	s11 =	simm.s32 $0x4  }
0x1c: {  	s23 =	simm.s32 $0x280;
	[dreg:$0x13] =	wrdreg s0;
	s0 =	sadd.s32 s7, s12  }
0x1d: {  	s16 =	sshrl.u32 s13, $0x3;
	s20 =	sshrl.u32 s18, $0x3;
	[dreg:$0x14] =	wrdreg s25  }
0x1e: {  	[dreg:$0x15] =	wrdreg s26;
	s25 =	simm.s32 $0x300;
	s26 =	simm.s32 $0x6  }
0x1f: {  	s7 =	simm.s32 $0x8;
	[dreg:$0x3] =	wrdreg s0;
	s17 =	sadd.s32 s16, s6  }
0x20: {  	s19 =	sadd.s32 s16, s5;
	s22 =	sadd.s32 s20, s6;
	[dreg:$0x5] =	wrdreg s17  }
0x21: {  	s24 =	sadd.s32 s20, s5;
	s16 =	simm.s32 $0x5;
	[dreg:$0x6] =	wrdreg s19  }
0x22: {  	s0 =	simm.s32 $0x7;
	s5 =	simm.s32 $0x2;
	[dreg:$0x7] =	wrdreg s22  }
0x23: {  	s6 =	simm.s32 $0x9;
	s20 =	simm.s32 $0x400;
	[dreg:$0x8] =	wrdreg s24  }
0x24: {  	s22 =	simm.s32 $0x50;
	s24 =	simm.s32 $0x100;
	s19 =	simm.s32 $0x200  }
.LBB2_1:
0x25: {  	[dreg:$0x16] =	wrdreg s14  }
0x26: {  	s12 =	rddreg [dreg:$0xb]  }
0x27: {  	s14 =	sshrl.u32 @p0 s12, $0x3;
	s12 =	rddreg [dreg:$0xc]  }
0x28: {  	s13 =	simm.s32 @p0 $0x1FCB;
	[dreg:$0x17] =	wrdreg s14  }
0x29: {  	[spmem:s14], [sflag:s13] =	dma.local @p0 [hbm:s12], $0x1900  }
0x2a: {  	s13 =	simm.s32 @p0 $0xB  }
0x2b: {  	_ =	swait.ge @p0 [sflag:s13], $0x1900  }
0x2c: {  	s12 =	stileid.u32;
	[sflag:s13] =	ssyncset.done @p0 $0x0  }
0x2d: {  	s14 =	sshll.u32 @!p0 s12, $0x6;
	s12 =	rddreg [dreg:$0x9];
	[sflag:s13] =	ssyncadd.s32 @p0 $0xFFFFE700  }
0x2e: {  	s13 =	sor.u32 @!p0 $0x1C0B, s14;
	s14 =	sshrl.u32 @!p0 s12, $0x3;
	s12 =	rddreg [dreg:$0xa]  }
0x2f: {  	[dreg:$0x18] =	wrdreg s13  }
0x30: {  	[dreg:$0x19] =	wrdreg s14  }
0x31: {  	[spmem:s14], [sflag:s13] =	dma.local @!p0 [hbm:s12], $0x2800  }
0x32: {  	s13 =	simm.s32 @!p0 $0xB  }
0x33: {  	_ =	swait.ge @!p0 [sflag:s13], $0x2800  }
0x34: {  	[sflag:s13] =	ssyncset.done @!p0 $0x0  }
0x35: {  	[sflag:s13] =	ssyncadd.s32 @!p0 $0xFFFFD800  }
0x36: {  	[bflag:$0x0] =	sbarrier.arrive $0xFFFF  }
0x37: {  	s18 =	rddreg [dreg:$0xd]  }
0x38: {  	[tilespmem:s3], [sflag:$0x5] =	stream.linear.gather [hbm4b:s18+s3], $0x50, $0x38;
	[tilespmem:$0x1DC80] =	vst v63  }
0x39: {  	s15 =	simm.s32 $0x200;
	s21 =	rddreg [dreg:$0xe]  }
0x3a: {  	[tilespmem:s15], [sflag:$0x5] =	stream.linear.gather [hbm4b:s21+s3], $0x50, $0x38;
	[tilespmem:$0x1DC80] =	vst v63  }
0x3b: {  	s17 =	simm.s32 $0x80;
	s13 =	rddreg [dreg:$0xf]  }
0x3c: {  	[tilespmem:s17], [sflag:$0x6] =	stream.linear.gather [hbm4b:s13+s3], $0x50, $0x38;
	[tilespmem:$0x1DC80] =	vst v63  }
0x3d: {  	s14 =	rddreg [dreg:$0x10];
	s18 =	simm.s32 $0x280  }
0x3e: {  	[tilespmem:s18], [sflag:$0x6] =	stream.linear.gather [hbm4b:s14+s3], $0x50, $0x38;
	[tilespmem:$0x1DC80] =	vst v63  }
0x3f: {  	_ =	swait.ge [sflag:s16], $0x50  }
0x40: {  	[sflag:s16] =	ssyncset.done $0x0  }
0x41: {  	[sflag:s16] =	ssyncadd.s32 $0xFFFFFFB0  }
0x42: {  	_ =	swait.ge [sflag:s16], $0x50  }
0x43: {  	p1 =	por $0x1, $0x1;
	[sflag:s16] =	ssyncset.done $0x0  }
0x44: {  	s12 =	simm.s32 $0x400;
	s13 =	simm.s32 @!p1 $0x9;
	[sflag:s16] =	ssyncadd.s32 $0xFFFFFFB0  }
0x45: {  	[tilespmem:s12], [sflag:$0x1] =	stream.indirect.gather [hbm4b:s4+s22], $0x80, s3, s22, $0xb8;
	[tilespmem:$0x1DC80] =	vst v63  }
0x46: {  	_ =	swait.ge @!p1 [sflag:s13], $0x2800  }
0x47: {  	s16 =	rddreg [dreg:$0x8];
	[sflag:s13] =	ssyncset.done @!p1 $0x0  }
0x48: {  	s21 =	rddreg [dreg:$0x7];
	[sflag:s13] =	ssyncadd.s32 @!p1 $0xFFFFD800;
	s14 =	sadd.s32 $0x0, s16  }
0x49: {  	[tilespmem:s24], [sflag:$0x7] =	stream.linear.gather [hbm4b:s14+s3], $0x50, $0x38;
	[tilespmem:$0x1DC80] =	vst v63  }
0x4a: {  	s21 =	sadd.s32 $0x0, s21  }
0x4b: {  	[tilespmem:s25], [sflag:$0x7] =	stream.linear.gather [hbm4b:s21+s3], $0x50, $0x38;
	[tilespmem:$0x1DC80] =	vst v63  }
0x4c: {  	_ =	swait.ge [sflag:s26], $0x50  }
0x4d: {  	[sflag:s26] =	ssyncset.done $0x0  }
0x4e: {  	[sflag:s26] =	ssyncadd.s32 $0xFFFFFFB0  }
0x4f: {  	_ =	swait.ge [sflag:s26], $0x50  }
0x50: {  	[sflag:s26] =	ssyncset.done $0x0  }
0x51: {  	[sflag:s26] =	ssyncadd.s32 $0xFFFFFFB0  }
0x52: {  	[tilespmem:s28], [sflag:$0x2] =	stream.indirect.gather [hbm4b:s4+s22], $0x80, s17, s22, $0xb8;
	[tilespmem:$0x1DC80] =	vst v63  }
0x53: {  	_ =	swait.ge [sflag:s29], $0x2800  }
0x54: {  	[sflag:s29] =	ssyncset.done $0x0  }
0x55: {  	s13 =	simm.s32 @!p1 $0xA;
	[sflag:s29] =	ssyncadd.s32 $0xFFFFD800  }
0x56: {  	[spmem:s2] =	stream.indirect.scatter.add.f32 [tilespmem:s12], [sflag:$0x9], $0x80, s15, s22, $0xb8;
	[tilespmem:$0x1DC80] =	vst v63  }
0x57: {  	_ =	swait.ge @!p1 [sflag:s13], $0x2800  }
0x58: {  	s12 =	rddreg [dreg:$0x6];
	[sflag:s13] =	ssyncset.done @!p1 $0x0  }
0x59: {  	s15 =	rddreg [dreg:$0x5];
	[sflag:s13] =	ssyncadd.s32 @!p1 $0xFFFFD800;
	s17 =	sadd.s32 $0x0, s12  }
0x5a: {  	[tilespmem:s30], [sflag:$0x8] =	stream.linear.gather [hbm4b:s17+s3], $0x50, $0x38;
	[tilespmem:$0x1DC80] =	vst v63  }
0x5b: {  	s21 =	sadd.s32 $0x0, s15  }
0x5c: {  	[tilespmem:s31], [sflag:$0x8] =	stream.linear.gather [hbm4b:s21+s3], $0x50, $0x38;
	[tilespmem:$0x1DC80] =	vst v63  }
0x5d: {  	_ =	swait.ge [sflag:s0], $0x50  }
0x5e: {  	[sflag:s0] =	ssyncset.done $0x0  }
0x5f: {  	[sflag:s0] =	ssyncadd.s32 $0xFFFFFFB0  }
0x60: {  	_ =	swait.ge [sflag:s0], $0x50  }
0x61: {  	[sflag:s0] =	ssyncset.done $0x0  }
0x62: {  	[sflag:s0] =	ssyncadd.s32 $0xFFFFFFB0  }
0x63: {  	[tilespmem:s1], [sflag:$0x3] =	stream.indirect.gather [hbm4b:s4+s22], $0x80, s24, s22, $0xb8;
	[tilespmem:$0x1DC80] =	vst v63  }
0x64: {  	_ =	swait.ge [sflag:s5], $0x2800  }
0x65: {  	[sflag:s5] =	ssyncset.done $0x0  }
0x66: {  	[sflag:s5] =	ssyncadd.s32 $0xFFFFD800  }
0x67: {  	[spmem:s2] =	stream.indirect.scatter.add.f32 [tilespmem:s28], [sflag:$0xA], $0x80, s18, s22, $0xb8;
	[tilespmem:$0x1DC80] =	vst v63  }
0x68: {  	p1 =	por $0x0, $0x0;
	_ =	swait.ge [sflag:s6], $0x2800  }
0x69: {  	s16 =	simm.s32 @!p1 $0x0;
	s13 =	rddreg [dreg:$0x3]  }
0x6a: {  	s14 =	rddreg [dreg:$0x4];
	[sflag:s6] =	ssyncset.done $0x0;
	s13 =	sadd.s32 @!p1 $0x0, s13  }
0x6b: {  	[sflag:s6] =	ssyncadd.s32 $0xFFFFD800;
	s14 =	sadd.s32 @!p1 $0x0, s14;
	s17 =	sadd.s32 @!p1 $0x500, s13  }
0x6c: {  	[tilespmem:s16], [sflag:$0x5] =	stream.linear.gather @!p1 [hbm4b:s17+s16], $0x50, $0x38;
	[tilespmem:$0x1DC80] =	vst v63  }
0x6d: {  	s15 =	sadd.s32 @!p1 $0x500, s14;
	s17 =	simm.s32 @!p1 $0x200  }
0x6e: {  	[tilespmem:s17], [sflag:$0x5] =	stream.linear.gather @!p1 [hbm4b:s15+s16], $0x50, $0x38;
	[tilespmem:$0x1DC80] =	vst v63  }
0x6f: {  	_ =	swait.ge [sflag:s7], $0x50  }
0x70: {  	[sflag:s7] =	ssyncset.done $0x0  }
0x71: {  	[sflag:s7] =	ssyncadd.s32 $0xFFFFFFB0  }
0x72: {  	_ =	swait.ge [sflag:s7], $0x50  }
0x73: {  	[sflag:s7] =	ssyncset.done $0x0  }
0x74: {  	[sflag:s7] =	ssyncadd.s32 $0xFFFFFFB0  }
0x75: {  	[tilespmem:s8], [sflag:$0x4] =	stream.indirect.gather [hbm4b:s4+s22], $0x80, s30, s22, $0xb8;
	[tilespmem:$0x1DC80] =	vst v63  }
0x76: {  	_ =	swait.ge [sflag:s9], $0x2800  }
0x77: {  	[sflag:s9] =	ssyncset.done $0x0  }
0x78: {  	[sflag:s9] =	ssyncadd.s32 $0xFFFFD800  }
0x79: {  	[spmem:s2] =	stream.indirect.scatter.add.f32 [tilespmem:s1], [sflag:$0x9], $0x80, s25, s22, $0xb8;
	[tilespmem:$0x1DC80] =	vst v63  }
0x7a: {  	_ =	swait.ge [sflag:s10], $0x2800  }
0x7b: {  	[sflag:s10] =	ssyncset.done $0x0  }
0x7c: {  	s13 =	sadd.s32 @!p1 $0x640, s13;
	s15 =	simm.s32 @!p1 $0x80;
	[sflag:s10] =	ssyncadd.s32 $0xFFFFD800  }
0x7d: {  	[tilespmem:s15], [sflag:$0x6] =	stream.linear.gather @!p1 [hbm4b:s13+s16], $0x50, $0x38;
	[tilespmem:$0x1DC80] =	vst v63  }
0x7e: {  	s13 =	sadd.s32 @!p1 $0x640, s14;
	s14 =	simm.s32 @!p1 $0x280  }
0x7f: {  	[tilespmem:s14], [sflag:$0x6] =	stream.linear.gather @!p1 [hbm4b:s13+s16], $0x50, $0x38;
	[tilespmem:$0x1DC80] =	vst v63  }
0x80: {  	s13 =	simm.s32 @!p1 $0x5  }
0x81: {  	_ =	swait.ge @!p1 [sflag:s13], $0x50  }
0x82: {  	[sflag:s13] =	ssyncset.done @!p1 $0x0  }
0x83: {  	[sflag:s13] =	ssyncadd.s32 @!p1 $0xFFFFFFB0  }
0x84: {  	_ =	swait.ge @!p1 [sflag:s13], $0x50  }
0x85: {  	p2 =	por $0x0, $0x0;
	[sflag:s13] =	ssyncset.done @!p1 $0x0  }
0x86: {  	s14 =	simm.s32 @!p1 $0x50;
	[sflag:s13] =	ssyncadd.s32 @!p1 $0xFFFFFFB0;
	s13 =	simm.s32 @!p1 $0x400  }
0x87: {  	[tilespmem:s13], [sflag:$0x1] =	stream.indirect.gather @!p1 [hbm4b:s4+s14], $0x80, s16, s14, $0xb8;
	[tilespmem:$0x1DC80] =	vst v63  }
0x88: {  	s17 =	simm.s32 $0xA00;
	s16 =	simm.s32 $0x500;
	_ =	swait.ge [sflag:s11], $0x2800  }
.LBB2_2:
0x89: {  	[sflag:s11] =	ssyncset.done $0x0  }
0x8a: {  	s14 =	simm.s32 @!p2 $0x9;
	[sflag:s11] =	ssyncadd.s32 $0xFFFFD800  }
0x8b: {  	[spmem:s2] =	stream.indirect.scatter.add.f32 [tilespmem:s8], [sflag:$0xA], $0x80, s31, s22, $0xb8;
	[tilespmem:$0x1DC80] =	vst v63  }
0x8c: {  	_ =	swait.ge @!p2 [sflag:s14], $0x2800  }
0x8d: {  	[sflag:s14] =	ssyncset.done @!p2 $0x0;
	s15 =	rddreg [dreg:$0x8]  }
0x8e: {  	s21 =	rddreg [dreg:$0x7];
	[sflag:s14] =	ssyncadd.s32 @!p2 $0xFFFFD800;
	s15 =	sadd.s32 s16, s15  }
0x8f: {  	[tilespmem:s24], [sflag:$0x7] =	stream.linear.gather [hbm4b:s15+s3], $0x50, $0x38;
	[tilespmem:$0x1DC80] =	vst v63  }
0x90: {  	s14 =	sadd.s32 s16, s21  }
0x91: {  	[tilespmem:s25], [sflag:$0x7] =	stream.linear.gather [hbm4b:s14+s3], $0x50, $0x38;
	[tilespmem:$0x1DC80] =	vst v63  }
0x92: {  	_ =	swait.ge [sflag:s26], $0x50  }
0x93: {  	[sflag:s26] =	ssyncset.done $0x0  }
0x94: {  	[sflag:s26] =	ssyncadd.s32 $0xFFFFFFB0  }
0x95: {  	_ =	swait.ge [sflag:s26], $0x50  }
0x96: {  	[sflag:s26] =	ssyncset.done $0x0  }
0x97: {  	s12 =	simm.s32 $0x80;
	[sflag:s26] =	ssyncadd.s32 $0xFFFFFFB0  }
0x98: {  	[tilespmem:s28], [sflag:$0x2] =	stream.indirect.gather [hbm4b:s4+s22], $0x80, s12, s22, $0xb8;
	[tilespmem:$0x1DC80] =	vst v63  }
0x99: {  	_ =	swait.ge [sflag:s29], $0x2800  }
0x9a: {  	[sflag:s29] =	ssyncset.done $0x0  }
0x9b: {  	s14 =	simm.s32 @!p2 $0xA;
	[sflag:s29] =	ssyncadd.s32 $0xFFFFD800  }
0x9c: {  	[spmem:s2] =	stream.indirect.scatter.add.f32 [tilespmem:s20], [sflag:$0x9], $0x80, s19, s22, $0xb8;
	[tilespmem:$0x1DC80] =	vst v63  }
0x9d: {  	_ =	swait.ge @!p2 [sflag:s14], $0x2800  }
0x9e: {  	s12 =	rddreg [dreg:$0x6];
	[sflag:s14] =	ssyncset.done @!p2 $0x0  }
0x9f: {  	s21 =	rddreg [dreg:$0x5];
	[sflag:s14] =	ssyncadd.s32 @!p2 $0xFFFFD800;
	s18 =	sadd.s32 s16, s12  }
0xa0: {  	[tilespmem:s30], [sflag:$0x8] =	stream.linear.gather [hbm4b:s18+s3], $0x50, $0x38;
	[tilespmem:$0x1DC80] =	vst v63  }
0xa1: {  	s21 =	sadd.s32 s16, s21  }
0xa2: {  	[tilespmem:s31], [sflag:$0x8] =	stream.linear.gather [hbm4b:s21+s3], $0x50, $0x38;
	[tilespmem:$0x1DC80] =	vst v63  }
0xa3: {  	_ =	swait.ge [sflag:s0], $0x50  }
0xa4: {  	[sflag:s0] =	ssyncset.done $0x0  }
0xa5: {  	[sflag:s0] =	ssyncadd.s32 $0xFFFFFFB0  }
0xa6: {  	_ =	swait.ge [sflag:s0], $0x50  }
0xa7: {  	[sflag:s0] =	ssyncset.done $0x0  }
0xa8: {  	[sflag:s0] =	ssyncadd.s32 $0xFFFFFFB0  }
0xa9: {  	[tilespmem:s1], [sflag:$0x3] =	stream.indirect.gather [hbm4b:s4+s22], $0x80, s24, s22, $0xb8;
	[tilespmem:$0x1DC80] =	vst v63  }
0xaa: {  	_ =	swait.ge [sflag:s5], $0x2800  }
0xab: {  	[sflag:s5] =	ssyncset.done $0x0  }
0xac: {  	[sflag:s5] =	ssyncadd.s32 $0xFFFFD800  }
0xad: {  	[spmem:s2] =	stream.indirect.scatter.add.f32 [tilespmem:s28], [sflag:$0xA], $0x80, s23, s22, $0xb8;
	[tilespmem:$0x1DC80] =	vst v63  }
0xae: {  	_ =	swait.ge [sflag:s6], $0x2800  }
0xaf: {  	p2 =	seq.s32 s16, $0x9600;
	s14 =	rddreg [dreg:$0x3];
	[sflag:s6] =	ssyncset.done $0x0  }
0xb0: {  	s15 =	rddreg [dreg:$0x4];
	[sflag:s6] =	ssyncadd.s32 $0xFFFFD800;
	s21 =	sadd.s32 @!p2 s16, s14  }
0xb1: {  	s14 =	simm.s32 @!p2 $0x0;
	s15 =	sadd.s32 @!p2 s16, s15;
	s12 =	sadd.s32 @!p2 $0x500, s21  }
0xb2: {  	[tilespmem:s14], [sflag:$0x5] =	stream.linear.gather @!p2 [hbm4b:s12+s14], $0x50, $0x38;
	[tilespmem:$0x1DC80] =	vst v63  }
0xb3: {  	s18 =	simm.s32 @!p2 $0x200;
	s12 =	sadd.s32 @!p2 $0x500, s15  }
0xb4: {  	[tilespmem:s18], [sflag:$0x5] =	stream.linear.gather @!p2 [hbm4b:s12+s14], $0x50, $0x38;
	[tilespmem:$0x1DC80] =	vst v63  }
0xb5: {  	_ =	swait.ge [sflag:s7], $0x50  }
0xb6: {  	[sflag:s7] =	ssyncset.done $0x0  }
0xb7: {  	[sflag:s7] =	ssyncadd.s32 $0xFFFFFFB0  }
0xb8: {  	_ =	swait.ge [sflag:s7], $0x50  }
0xb9: {  	[sflag:s7] =	ssyncset.done $0x0  }
0xba: {  	[sflag:s7] =	ssyncadd.s32 $0xFFFFFFB0  }
0xbb: {  	[tilespmem:s8], [sflag:$0x4] =	stream.indirect.gather [hbm4b:s4+s22], $0x80, s30, s22, $0xb8;
	[tilespmem:$0x1DC80] =	vst v63  }
0xbc: {  	_ =	swait.ge [sflag:s9], $0x2800  }
0xbd: {  	[sflag:s9] =	ssyncset.done $0x0  }
0xbe: {  	[sflag:s9] =	ssyncadd.s32 $0xFFFFD800  }
0xbf: {  	[spmem:s2] =	stream.indirect.scatter.add.f32 [tilespmem:s1], [sflag:$0x9], $0x80, s25, s22, $0xb8;
	[tilespmem:$0x1DC80] =	vst v63  }
0xc0: {  	s13 =	smov.u32 s17;
	_ =	swait.ge [sflag:s10], $0x2800  }
0xc1: {  	s16 =	smov.u32 s13;
	[sflag:s10] =	ssyncset.done $0x0  }
0xc2: {  	s13 =	simm.s32 @!p2 $0x80;
	s12 =	sadd.s32 @!p2 $0x640, s21;
	[sflag:s10] =	ssyncadd.s32 $0xFFFFD800  }
0xc3: {  	[tilespmem:s13], [sflag:$0x6] =	stream.linear.gather @!p2 [hbm4b:s12+s14], $0x50, $0x38;
	[tilespmem:$0x1DC80] =	vst v63  }
0xc4: {  	s15 =	sadd.s32 @!p2 $0x640, s15;
	s18 =	simm.s32 @!p2 $0x280;
	s12 =	simm.s32 @!p2 $0x5  }
0xc5: {  	[tilespmem:s18], [sflag:$0x6] =	stream.linear.gather @!p2 [hbm4b:s15+s14], $0x50, $0x38;
	[tilespmem:$0x1DC80] =	vst v63  }
0xc6: {  	_ =	swait.ge @!p2 [sflag:s12], $0x50  }
0xc7: {  	s17 =	sadd.s32 $0x500, s17;
	[sflag:s12] =	ssyncset.done @!p2 $0x0  }
0xc8: {  	p1 =	sne.s32 s17, $0x9B00;
	[sflag:s12] =	ssyncadd.s32 @!p2 $0xFFFFFFB0  }
.Ltmp0:
0xc9: {  	_ =	swait.ge @!p2 [sflag:s12], $0x50;
	(pc) =	sbr.rel @p1 .LBB2_2-.Ltmp0, $4  }
0xca: {  	[sflag:s12] =	ssyncset.done @!p2 $0x0  }
0xcb: {  	s13 =	simm.s32 @!p2 $0x50;
	s15 =	simm.s32 @!p2 $0x400;
	[sflag:s12] =	ssyncadd.s32 @!p2 $0xFFFFFFB0  }
0xcc: {  	[tilespmem:s15], [sflag:$0x1] =	stream.indirect.gather @!p2 [hbm4b:s4+s13], $0x80, s14, s13, $0xb8;
	[tilespmem:$0x1DC80] =	vst v63  }
0xcd: {  	p2 =	seq.s32 s16, $0x0;
	_ =	swait.ge [sflag:s11], $0x2800  }
0xce: {  	[sflag:s11] =	ssyncset.done $0x0  }
0xcf: {  	s12 =	simm.s32 @!p2 $0x9;
	[sflag:s11] =	ssyncadd.s32 $0xFFFFD800  }
0xd0: {  	[spmem:s2] =	stream.indirect.scatter.add.f32 [tilespmem:s8], [sflag:$0xA], $0x80, s31, s22, $0xb8;
	[tilespmem:$0x1DC80] =	vst v63  }
0xd1: {  	_ =	swait.ge @!p2 [sflag:s12], $0x2800  }
0xd2: {  	s13 =	rddreg [dreg:$0x8];
	[sflag:s12] =	ssyncset.done @!p2 $0x0  }
0xd3: {  	s14 =	rddreg [dreg:$0x7];
	[sflag:s12] =	ssyncadd.s32 @!p2 $0xFFFFD800;
	s21 =	sadd.s32 s16, s13  }
0xd4: {  	[tilespmem:s24], [sflag:$0x7] =	stream.linear.gather [hbm4b:s21+s3], $0x50, $0x38;
	[tilespmem:$0x1DC80] =	vst v63  }
0xd5: {  	s13 =	sadd.s32 s16, s14  }
0xd6: {  	[tilespmem:s25], [sflag:$0x7] =	stream.linear.gather [hbm4b:s13+s3], $0x50, $0x38;
	[tilespmem:$0x1DC80] =	vst v63  }
0xd7: {  	_ =	swait.ge [sflag:s26], $0x50  }
0xd8: {  	[sflag:s26] =	ssyncset.done $0x0  }
0xd9: {  	[sflag:s26] =	ssyncadd.s32 $0xFFFFFFB0  }
0xda: {  	_ =	swait.ge [sflag:s26], $0x50  }
0xdb: {  	[sflag:s26] =	ssyncset.done $0x0  }
0xdc: {  	s14 =	simm.s32 $0x80;
	[sflag:s26] =	ssyncadd.s32 $0xFFFFFFB0  }
0xdd: {  	[tilespmem:s28], [sflag:$0x2] =	stream.indirect.gather [hbm4b:s4+s22], $0x80, s14, s22, $0xb8;
	[tilespmem:$0x1DC80] =	vst v63  }
0xde: {  	_ =	swait.ge [sflag:s29], $0x2800  }
0xdf: {  	s17 =	simm.s32 $0x200;
	[sflag:s29] =	ssyncset.done $0x0  }
0xe0: {  	s18 =	simm.s32 $0x400;
	s12 =	simm.s32 @!p2 $0xA;
	[sflag:s29] =	ssyncadd.s32 $0xFFFFD800  }
0xe1: {  	[spmem:s2] =	stream.indirect.scatter.add.f32 [tilespmem:s18], [sflag:$0x9], $0x80, s17, s22, $0xb8;
	[tilespmem:$0x1DC80] =	vst v63  }
0xe2: {  	_ =	swait.ge @!p2 [sflag:s12], $0x2800  }
0xe3: {  	s15 =	rddreg [dreg:$0x6];
	[sflag:s12] =	ssyncset.done @!p2 $0x0  }
0xe4: {  	s21 =	rddreg [dreg:$0x5];
	[sflag:s12] =	ssyncadd.s32 @!p2 $0xFFFFD800;
	s13 =	sadd.s32 s16, s15  }
0xe5: {  	[tilespmem:s30], [sflag:$0x8] =	stream.linear.gather [hbm4b:s13+s3], $0x50, $0x38;
	[tilespmem:$0x1DC80] =	vst v63  }
0xe6: {  	s14 =	sadd.s32 s16, s21  }
0xe7: {  	[tilespmem:s31], [sflag:$0x8] =	stream.linear.gather [hbm4b:s14+s3], $0x50, $0x38;
	[tilespmem:$0x1DC80] =	vst v63  }
0xe8: {  	_ =	swait.ge [sflag:s0], $0x50  }
0xe9: {  	[sflag:s0] =	ssyncset.done $0x0  }
0xea: {  	[sflag:s0] =	ssyncadd.s32 $0xFFFFFFB0  }
0xeb: {  	_ =	swait.ge [sflag:s0], $0x50  }
0xec: {  	[sflag:s0] =	ssyncset.done $0x0  }
0xed: {  	[sflag:s0] =	ssyncadd.s32 $0xFFFFFFB0  }
0xee: {  	[tilespmem:s1], [sflag:$0x3] =	stream.indirect.gather [hbm4b:s4+s22], $0x80, s24, s22, $0xb8;
	[tilespmem:$0x1DC80] =	vst v63  }
0xef: {  	_ =	swait.ge [sflag:s5], $0x2800  }
0xf0: {  	[sflag:s5] =	ssyncset.done $0x0  }
0xf1: {  	[sflag:s5] =	ssyncadd.s32 $0xFFFFD800  }
0xf2: {  	[spmem:s2] =	stream.indirect.scatter.add.f32 [tilespmem:s28], [sflag:$0xA], $0x80, s23, s22, $0xb8;
	[tilespmem:$0x1DC80] =	vst v63  }
0xf3: {  	p1 =	seq.s32 s16, $0x9600;
	_ =	swait.ge [sflag:s6], $0x2800  }
0xf4: {  	s14 =	simm.s32 @!p1 $0x0;
	s12 =	rddreg [dreg:$0x3]  }
0xf5: {  	s13 =	rddreg [dreg:$0x4];
	[sflag:s6] =	ssyncset.done $0x0;
	s12 =	sadd.s32 @!p1 s16, s12  }
0xf6: {  	[sflag:s6] =	ssyncadd.s32 $0xFFFFD800;
	s13 =	sadd.s32 @!p1 s16, s13;
	s15 =	sadd.s32 @!p1 $0x500, s12  }
0xf7: {  	[tilespmem:s14], [sflag:$0x5] =	stream.linear.gather @!p1 [hbm4b:s15+s14], $0x50, $0x38;
	[tilespmem:$0x1DC80] =	vst v63  }
0xf8: {  	s16 =	sadd.s32 @!p1 $0x500, s13;
	s15 =	simm.s32 @!p1 $0x200  }
0xf9: {  	[tilespmem:s15], [sflag:$0x5] =	stream.linear.gather @!p1 [hbm4b:s16+s14], $0x50, $0x38;
	[tilespmem:$0x1DC80] =	vst v63  }
0xfa: {  	_ =	swait.ge [sflag:s7], $0x50  }
0xfb: {  	[sflag:s7] =	ssyncset.done $0x0  }
0xfc: {  	[sflag:s7] =	ssyncadd.s32 $0xFFFFFFB0  }
0xfd: {  	_ =	swait.ge [sflag:s7], $0x50  }
0xfe: {  	[sflag:s7] =	ssyncset.done $0x0  }
0xff: {  	[sflag:s7] =	ssyncadd.s32 $0xFFFFFFB0  }
0x100: {  	[tilespmem:s8], [sflag:$0x4] =	stream.indirect.gather [hbm4b:s4+s22], $0x80, s30, s22, $0xb8;
	[tilespmem:$0x1DC80] =	vst v63  }
0x101: {  	_ =	swait.ge [sflag:s9], $0x2800  }
0x102: {  	[sflag:s9] =	ssyncset.done $0x0  }
0x103: {  	[sflag:s9] =	ssyncadd.s32 $0xFFFFD800  }
0x104: {  	[spmem:s2] =	stream.indirect.scatter.add.f32 [tilespmem:s1], [sflag:$0x9], $0x80, s25, s22, $0xb8;
	[tilespmem:$0x1DC80] =	vst v63  }
0x105: {  	_ =	swait.ge [sflag:s10], $0x2800  }
0x106: {  	[sflag:s10] =	ssyncset.done $0x0  }
0x107: {  	s12 =	sadd.s32 @!p1 $0x640, s12;
	s15 =	simm.s32 @!p1 $0x80;
	[sflag:s10] =	ssyncadd.s32 $0xFFFFD800  }
0x108: {  	[tilespmem:s15], [sflag:$0x6] =	stream.linear.gather @!p1 [hbm4b:s12+s14], $0x50, $0x38;
	[tilespmem:$0x1DC80] =	vst v63  }
0x109: {  	s12 =	sadd.s32 @!p1 $0x640, s13;
	s13 =	simm.s32 @!p1 $0x280  }
0x10a: {  	[tilespmem:s13], [sflag:$0x6] =	stream.linear.gather @!p1 [hbm4b:s12+s14], $0x50, $0x38;
	[tilespmem:$0x1DC80] =	vst v63  }
0x10b: {  	s12 =	simm.s32 @!p1 $0x5  }
0x10c: {  	_ =	swait.ge @!p1 [sflag:s12], $0x50  }
0x10d: {  	[sflag:s12] =	ssyncset.done @!p1 $0x0  }
0x10e: {  	[sflag:s12] =	ssyncadd.s32 @!p1 $0xFFFFFFB0  }
0x10f: {  	_ =	swait.ge @!p1 [sflag:s12], $0x50  }
0x110: {  	[sflag:s12] =	ssyncset.done @!p1 $0x0  }
0x111: {  	s13 =	simm.s32 @!p1 $0x50;
	[sflag:s12] =	ssyncadd.s32 @!p1 $0xFFFFFFB0;
	s12 =	simm.s32 @!p1 $0x400  }
0x112: {  	[tilespmem:s12], [sflag:$0x1] =	stream.indirect.gather @!p1 [hbm4b:s4+s13], $0x80, s14, s13, $0xb8;
	[tilespmem:$0x1DC80] =	vst v63  }
0x113: {  	_ =	swait.ge [sflag:s11], $0x2800  }
0x114: {  	[sflag:s11] =	ssyncset.done $0x0  }
0x115: {  	[sflag:s11] =	ssyncadd.s32 $0xFFFFD800  }
0x116: {  	[spmem:s2] =	stream.indirect.scatter.add.f32 [tilespmem:s8], [sflag:$0xA], $0x80, s31, s22, $0xb8;
	[tilespmem:$0x1DC80] =	vst v63  }
0x117: {  	_ =	swait.ge [sflag:s6], $0x2800  }
0x118: {  	[sflag:s6] =	ssyncset.done $0x0  }
0x119: {  	[sflag:s6] =	ssyncadd.s32 $0xFFFFD800  }
0x11a: {  	_ =	swait.ge [sflag:s10], $0x2800  }
0x11b: {  	[sflag:s10] =	ssyncset.done $0x0  }
0x11c: {  	s15 =	rddreg [dreg:$0x11];
	[sflag:s10] =	ssyncadd.s32 $0xFFFFD800  }
0x11d: {  	[tilespmem:s3], [sflag:$0x5] =	stream.linear.gather [hbm4b:s15+s3], $0x50, $0x38;
	[tilespmem:$0x1DC80] =	vst v63  }
0x11e: {  	s16 =	rddreg [dreg:$0x12]  }
0x11f: {  	[tilespmem:s17], [sflag:$0x5] =	stream.linear.gather [hbm4b:s16+s3], $0x50, $0x38;
	[tilespmem:$0x1DC80] =	vst v63  }
0x120: {  	s16 =	simm.s32 $0x5  }
0x121: {  	_ =	swait.ge [sflag:s16], $0x50  }
0x122: {  	[sflag:s16] =	ssyncset.done $0x0  }
0x123: {  	[sflag:s16] =	ssyncadd.s32 $0xFFFFFFB0  }
0x124: {  	_ =	swait.ge [sflag:s16], $0x50  }
0x125: {  	[sflag:s16] =	ssyncset.done $0x0  }
0x126: {  	[sflag:s16] =	ssyncadd.s32 $0xFFFFFFB0  }
0x127: {  	[tilespmem:s18], [sflag:$0x1] =	stream.indirect.gather [hbm4b:s4+s22], $0x80, s3, s22, $0xb8;
	[tilespmem:$0x1DC80] =	vst v63  }
0x128: {  	_ =	swait.ge [sflag:s29], $0x2800  }
0x129: {  	[sflag:s29] =	ssyncset.done $0x0  }
0x12a: {  	[sflag:s29] =	ssyncadd.s32 $0xFFFFD800  }
0x12b: {  	[spmem:s2] =	stream.indirect.scatter.add.f32 [tilespmem:s18], [sflag:$0x9], $0x80, s17, s22, $0xb8;
	[tilespmem:$0x1DC80] =	vst v63  }
0x12c: {  	_ =	swait.ge [sflag:s6], $0x2800  }
0x12d: {  	[sflag:s6] =	ssyncset.done $0x0  }
0x12e: {  	[sflag:s6] =	ssyncadd.s32 $0xFFFFD800  }
0x12f: {  	[bflag:$0x0] =	sbarrier.arrive $0xFFFF  }
0x130: {  	s13 =	rddreg [dreg:$0x14]  }
0x131: {  	s12 =	simm.s32 @p0 $0x1FCB;
	s14 =	rddreg [dreg:$0x17]  }
0x132: {  	[hbm:s13], [sflag:s12] =	dma.local @p0 [spmem:s14], $0x1900  }
0x133: {  	s12 =	simm.s32 @p0 $0xB  }
0x134: {  	_ =	swait.ge @p0 [sflag:s12], $0x1900  }
0x135: {  	s13 =	rddreg [dreg:$0x18]  }
0x136: {  	[sflag:s12] =	ssyncset.done @p0 $0x0;
	s14 =	rddreg [dreg:$0x19]  }
0x137: {  	[sflag:s12] =	ssyncadd.s32 @p0 $0xFFFFE700;
	s12 =	rddreg [dreg:$0x13]  }
0x138: {  	[hbm:s12], [sflag:s13] =	dma.local @!p0 [spmem:s14], $0x2800  }
0x139: {  	s12 =	simm.s32 @!p0 $0xB  }
0x13a: {  	_ =	swait.ge @!p0 [sflag:s12], $0x2800  }
0x13b: {  	s18 =	rddreg [dreg:$0x16]  }
0x13c: {  	s21 =	rddreg [dreg:$0x15];
	s14 =	sadd.s32 $0x1, s18  }
0x13d: {  	p1 =	sne.s32 s14, s21  }
.Ltmp1:
0x13e: {  	_ = 	snop;
	(pc) =	sbr.rel @p1 .LBB2_1-.Ltmp1, $3  }
0x13f: {  	_ =	sdelay $0x1  }
0x140: {  	[sflag:s12] =	ssyncset.done @!p0 $0x0  }
0x141: {  	[sflag:s12] =	ssyncadd.s32 @!p0 $0xFFFFD800  }
0x142: {  	_ =	sfence.sel $0x180000  }
0x143: {  	[bflag:$0x0] =	sbarrier.arrive $0xFFFF  }
0x144: {  	_ =	strace $0x9000004A  }
0x145: {  	s0 =	stileid.u32;
	[bflag:$0x2] =	sbarrier.arrive $0xFFFF  }
0x146: {  	p0 =	sne.s32 s0, $0x0;
	s0 =	rddreg [dreg:$0x2]  }
0x147: {  	s0 =	sadd.s32 @!p0 $0x100000, s0  }
0x148: {  	[sflag:s0] =	ssyncadd.tile.s32 @!p0 $0x1;
	_ =	shalt  }
.Lfunc_end2:
_tile_overlayer_lowered:
.L_overlay_start_2:
0x149: {  	(tag) =	ssettag $0x2  }
0x14a: {  	s0 =	rddreg [dreg:$0x0];
	s2 =	stileid.u32  }
0x14b: {  	s1 =	rddreg [dreg:$0x1];
	p0 =	sne.s32 s2, $0x0  }
0x14c: {  	s3 =	rddreg [dreg:$0x2];
	[bflag:$0x3] =	sbarrier.arrive $0xFFFF;
	s2 =	simm.s32 @!p0 $0x1C0B  }
0x14d: {  	[timem:s3], [sflag:s2] =	dma.local @!p0 [hbm:s0], s1  }
0x14e: {  	s0 =	simm.s32 @!p0 $0xB  }
0x14f: {  	_ =	swait.ge @!p0 [sflag:s0], s1  }
0x150: {  	s1 =	ssub.s32 @!p0 $0x0, s1;
	[sflag:s0] =	ssyncset.done @!p0 $0x0  }
0x151: {  	[sflag:s0] =	ssyncadd.s32 @!p0 s1  }
0x152: {  	[bflag:$0x3] =	sbarrier.arrive $0xFFFF  }
0x153: {  	_ =	shalt  }

// kernel: kernel.14.cloned.1.call-start
scs
__scs_entry_jumppad:
0x0: {  	(pc) =	sbr.rel $0x88, $3  }
0x1: {  	(tag) =	ssettag $0x0;
	lr =	simm.s32 $0x1  }
0x2: {  	[smem:$0x3F82] =	sst lr;
	_ =	strace $0xD0000000  }
0x3: {  	_ = 	snop  }
0x4: {  	_ = 	snop  }
0x5: {  	_ = 	snop  }
0x6: {  	_ = 	snop  }
0x7: {  	_ = 	snop  }
__scs_overlays_trampoline_lowered:
0x8: {  	[smem:$0x3F91] =	sst s0  }
0x9: {  	[smem:$0x3F92] =	sst s1  }
0xa: {  	[smem:$0x3F93] =	sst s2  }
0xb: {  	[smem:$0x3F94] =	sst s3  }
0xc: {  	[smem:$0x3F95] =	sst s4  }
0xd: {  	[smem:$0x3F96] =	sst s5  }
0xe: {  	[smem:$0x3F97] =	sst s6  }
0xf: {  	[smem:$0x3F98] =	sst s7  }
0x10: {  	[smem:$0x3F99] =	sst s8  }
0x11: {  	[smem:$0x3F9A] =	sst s9;
	s0 =	simm.s32 @!p0 $0x0  }
0x12: {  	s1 =	sld [smem:$0x3F80];
	s0 =	simm.s32 @p0 $0x1  }
0x13: {  	[smem:$0x3F9B] =	sst s0;
	s0 =	simm.s32 @!p1 $0x0  }
0x14: {  	s2 =	sld [smem:$0x3F7F];
	s0 =	simm.s32 @p1 $0x1  }
0x15: {  	[smem:$0x3F9C] =	sst s0;
	s0 =	simm.s32 @!p2 $0x0  }
0x16: {  	s3 =	sld [smem:$0x3FDB];
	s0 =	simm.s32 @p2 $0x1  }
0x17: {  	s4 =	simm.s32 $0x1BF5;
	[smem:$0x3F9E] =	sst s0  }
0x18: {  	s0 =	sld [smem:$0x3F81];
	_ =	swait.ge [sflag:s4], $0x0  }
0x19: {  	s7 =	sld [smem:$0x3F82]  }
0x1a: {  	s8 =	sadd.s32 $0xFFFFE003, lr  }
0x1b: {  	s9 =	sadd.s32 $0xFFFFFEF7, lr;
	s5 =	simm.s32 $0xFFFFFFFF;
	p2 =	slt.u32 s8, $0xFFFFF086  }
0x1c: {  	p1 =	slt.u32 s9, $0xF7A;
	s5 =	simm.s32 @!p2 $0x0  }
0x1d: {  	s5 =	simm.s32 @p1 $0x1;
	p0 =	seq.s32 s7, s2  }
0x1e: {  	s7 =	smul.u32 @!p0 $0xF7A, s2;
	p2 =	seq.s32 @!p0 s5, $0x0  }
0x1f: {  	s9 =	smul.u32 $0xF7A, s1;
	s8 =	simm.s32 @!p0 $0x1BF5;
	p2 =	por !p2, p0  }
0x20: {  	[sflag:s8] =	ssyncset.s32 @!p0 $0xFFFFF086;
	s6 =	sadd.s32 @!p0 s3, s7;
	s7 =	simm.s32 @!p0 $0x108  }
0x21: {  	s3 =	sadd.s32 s3, s9;
	s6 =	sadd.s32 @!p0 $0x88, s6;
	s7 =	simm.s32 @p2 $0x1082  }
0x22: {  	[simem:s7], [sflag:s8] =	dma.local @!p0 [hbm:s6], $0xF7A  }
0x23: {  	s9 =	sor.u32 $0xD0000000, s2;
	s6 =	simm.s32 $0x108;
	_ =	swait.ge @!p0 [sflag:s8], $0x0  }
0x24: {  	s3 =	sadd.s32 $0x88, s3;
	s6 =	simm.s32 @!p1 $0x1082;
	[sflag:s4] =	ssyncset.s32 $0xFFFFF086  }
0x25: {  	[simem:s6], [sflag:s4] =	dma.local [hbm:s3], $0xF7A  }
0x26: {  	[smem:$0x3F82] =	sst s1;
	(tag) =	ssettag s2;
	_ =	strace s9  }
0x27: {  	s1 =	sld [smem:$0x3F92]  }
0x28: {  	s2 =	sld [smem:$0x3F93]  }
0x29: {  	s4 =	sld [smem:$0x3F95]  }
0x2a: {  	p0 =	seq.s32 s5, $0x0;
	s5 =	sld [smem:$0x3F96]  }
0x2b: {  	s6 =	sld [smem:$0x3F97]  }
0x2c: {  	s7 =	sld [smem:$0x3F98]  }
0x2d: {  	s3 =	simm.s32 $0x108;
	s8 =	sld [smem:$0x3F99]  }
0x2e: {  	s3 =	simm.s32 @!p0 $0x1082;
	s9 =	sld [smem:$0x3F9A]  }
0x2f: {  	lr =	sadd.s32 s0, s3;
	s0 =	sld [smem:$0x3F91]  }
0x30: {  	s3 =	sld [smem:$0x3F94]  }
0x31: {  	[smem:$0x3F9D] =	sst s10  }
0x32: {  	s10 =	sld [smem:$0x3F9B];
	_ =	sdelay $0x3  }
0x33: {  	p0 =	seq.s32 s10, $0x1;
	s10 =	sld [smem:$0x3F9D];
	_ =	sdelay $0x3  }
0x34: {  	[smem:$0x3F9D] =	sst s10  }
0x35: {  	s10 =	sld [smem:$0x3F9C];
	_ =	sdelay $0x3  }
0x36: {  	p1 =	seq.s32 s10, $0x1;
	s10 =	sld [smem:$0x3F9D];
	_ =	sdelay $0x3  }
0x37: {  	[smem:$0x3F9D] =	sst s10  }
0x38: {  	s10 =	sld [smem:$0x3F9E]  }
0x39: {  	_ = 	snop;
	(pc) =	sbr.ind lr, $3  }
0x3a: {  	_ = 	snop  }
0x3b: {  	_ = 	snop  }
0x3c: {  	p2 =	seq.s32 s10, $0x1;
	s10 =	sld [smem:$0x3F9D]  }
0x3d: {  	_ =	shalt  }
0x3e: {  	_ =	shalt  }
0x3f: {  	_ =	shalt  }
0x40: {  	_ =	shalt  }
0x41: {  	_ =	shalt  }
0x42: {  	_ =	shalt  }
0x43: {  	_ =	shalt  }
0x44: {  	_ =	shalt  }
0x45: {  	_ =	shalt  }
0x46: {  	_ =	shalt  }
0x47: {  	_ =	shalt  }
0x48: {  	_ =	shalt  }
0x49: {  	_ =	shalt  }
0x4a: {  	_ =	shalt  }
0x4b: {  	_ =	shalt  }
0x4c: {  	_ =	shalt  }
0x4d: {  	_ =	shalt  }
0x4e: {  	_ =	shalt  }
0x4f: {  	_ =	shalt  }
0x50: {  	_ =	shalt  }
0x51: {  	_ =	shalt  }
0x52: {  	_ =	shalt  }
0x53: {  	_ =	shalt  }
0x54: {  	_ =	shalt  }
0x55: {  	_ =	shalt  }
0x56: {  	_ =	shalt  }
0x57: {  	_ =	shalt  }
0x58: {  	_ =	shalt  }
0x59: {  	_ =	shalt  }
0x5a: {  	_ =	shalt  }
0x5b: {  	_ =	shalt  }
0x5c: {  	_ =	shalt  }
0x5d: {  	_ =	shalt  }
0x5e: {  	_ =	shalt  }
0x5f: {  	_ =	shalt  }
0x60: {  	_ =	shalt  }
0x61: {  	_ =	shalt  }
0x62: {  	_ =	shalt  }
0x63: {  	_ =	shalt  }
0x64: {  	_ =	shalt  }
0x65: {  	_ =	shalt  }
0x66: {  	_ =	shalt  }
0x67: {  	_ =	shalt  }
0x68: {  	_ =	shalt  }
0x69: {  	_ =	shalt  }
0x6a: {  	_ =	shalt  }
0x6b: {  	_ =	shalt  }
0x6c: {  	_ =	shalt  }
0x6d: {  	_ =	shalt  }
0x6e: {  	_ =	shalt  }
0x6f: {  	_ =	shalt  }
0x70: {  	_ =	shalt  }
0x71: {  	_ =	shalt  }
0x72: {  	_ =	shalt  }
0x73: {  	_ =	shalt  }
0x74: {  	_ =	shalt  }
0x75: {  	_ =	shalt  }
0x76: {  	_ =	shalt  }
0x77: {  	_ =	shalt  }
0x78: {  	_ =	shalt  }
0x79: {  	_ =	shalt  }
0x7a: {  	_ =	shalt  }
0x7b: {  	_ =	shalt  }
0x7c: {  	_ =	shalt  }
0x7d: {  	_ =	shalt  }
0x7e: {  	_ =	shalt  }
0x7f: {  	_ =	shalt  }
0x80: {  	_ =	shalt  }
0x81: {  	_ =	shalt  }
0x82: {  	_ =	shalt  }
0x83: {  	_ =	shalt  }
0x84: {  	_ =	shalt  }
0x85: {  	_ =	shalt  }
0x86: {  	_ =	shalt  }
0x87: {  	_ =	shalt  }
.Lfunc_end0:
.L_simem_size_0:
called_computation.2_lowered:
.L_overlay_start_0:
0x88: {  	s2 =	sld [smem:$0x3FD9]  }
0x89: {  	s3 =	sld [smem:$0x3FFE];
	_ =	sdelay $0x1  }
0x8a: {  	s1 =	srdreg.scid  }
0x8b: {  	s0 =	sand.u32 $0x1, s1  }
0x8c: {  	s16 =	sshll.u32 s0, $0xA;
	s2 =	sadd.s32 s3, s2  }
0x8d: {  	s2 =	sadd.s32 s2, s16  }
0x8e: {  	[smem:$0x3FA9] =	sst s2  }
0x8f: {  	_ = 	snop  }
0x90: {  	(tm) =	ssettm $0x1  }
0x91: {  	s17 =	sld [smem:$0x3FFB];
	_ =	sdelay $0x3  }
0x92: {  	_ =	strace s17  }
0x93: {  	s2 =	sld [smem:$0x3FFC];
	_ =	sdelay $0x3  }
0x94: {  	_ =	strace s2  }
0x95: {  	s2 =	sld [smem:$0x3FFD];
	_ =	sdelay $0x3  }
0x96: {  	_ =	strace s2  }
0x97: {  	_ =	strace $0x8FFFFFFF  }
0x98: {  	s18 =	sld [smem:$0x3FDB];
	_ =	sdelay $0x1  }
0x99: {  	s19 =	simm.s32 $_scs_section_size  }
0x9a: {  	s4 =	simm.s32 $_size__tile_overlayer_lowered;
	s5 =	simm.s32 $_tile_overlayer_lowered  }
0x9b: {  	s22 =	simm.s32 $0x1BFF;
	s21 =	sshll.u32 s5, $0x1;
	s2 =	sadd.s32 s19, s18  }
0x9c: {  	s6 =	simm.s32 $0x0;
	s20 =	sshll.u32 s4, $0x1;
	s4 =	sadd.s32 s21, s2  }
0x9d: {  	[timem:s6], [sflag:s22] =	dma.local [hbm:s4], s20  }
0x9e: {  	_ =	swait.ge [sflag:s22], s20  }
0x9f: {  	s3 =	ssub.s32 $0x0, s20;
	[sflag:s22] =	ssyncset.done $0x0  }
0xa0: {  	[sflag:s22] =	ssyncadd.s32 s3;
	_ =	sdelay $0x1  }
0xa1: {  	s23 =	simm.s32 $0x1B8B  }
0xa2: {  	_ =	swait.ge [sflag:s23], $0x1  }
0xa3: {  	[sflag:s23] =	ssyncset.done $0x0  }
0xa4: {  	s25 =	simm.s32 $0x1B8E;
	s24 =	sld [smem:$0x3FFE];
	[sflag:s23] =	ssyncadd.s32 $0xFFFFFFFF  }
0xa5: {  	s26 =	simm.s32 $execute0_lowered;
	[smem:$0x3FD2] =	sst s25  }
0xa6: {  	s4 =	sshll.u32 s26, $0x1;
	_ =	strace $0x8000004C;
	[dreg:$0x1] =	wrdreg $0xFFFFFFFF  }
0xa7: {  	s28 =	simm.s32 $_size_execute0_lowered;
	s2 =	sadd.s32 s2, s4;
	[dreg:$0x0] =	wrdreg $0x0  }
0xa8: {  	s4 =	sshll.u32 s28, $0x1;
	[dreg:$0x2] =	wrdreg s2  }
0xa9: {  	[dreg:$0x3] =	wrdreg s4  }
0xaa: {  	[dreg:$0x4] =	wrdreg $0xC0  }
0xab: {  	_ =	task [dreg:s6], $0x5FFFF  }
0xac: {  	[dreg:$0x1] =	wrdreg $0xFFFFFFFF  }
0xad: {  	[dreg:$0x0] =	wrdreg $0x60  }
0xae: {  	[dreg:$0x2] =	wrdreg s24  }
0xaf: {  	[dreg:$0x3] =	wrdreg $0x52800  }
0xb0: {  	[dreg:$0x4] =	wrdreg $0x9  }
0xb1: {  	_ =	task.clear_ibuf [dreg:s6], $0x5FFFF;
	_ =	strace $0x9000004C  }
0xb2: {  	s29 =	simm.s32 $0x9;
	_ =	strace $0x8000004E  }
0xb3: {  	_ =	swait.ge [sflag:s29], $0x1  }
0xb4: {  	[sflag:s29] =	ssyncadd.s32 $0xFFFFFFFF  }
0xb5: {  	_ =	strace $0x9000004E  }
0xb6: {  	_ =	sfence  }
0xb7: {  	s30 =	sld [smem:$0x0];
	_ =	sdelay $0x2  }
0xb8: {  	s31 =	sshll.u32 s1, $0xD;
	s1 =	sshrl.u32 s1, $0x2  }
0xb9: {  	s3 =	sand.u32 $0x4000, s31;
	s1 =	sadd.s32 s1, s30  }
0xba: {  	s0 =	sor.u32 s3, s0;
	s1 =	sshll.u32 s1, $0x11  }
0xbb: {  	s0 =	sor.u32 s1, s0  }
0xbc: {  	s0 =	sadd.s32 $0x8F2B, s0  }
0xbd: {  	[sflag:s0] =	ssyncadd.remote.s32 $0x1  }
0xbe: {  	_ =	sfence.sel $0xFFFF  }
0xbf: {  	[dreg:$0x0] =	wrdreg $0xFFFFFFFF;
	(pc) =	sbr.abs _section_cstart, $3  }
0xc0: {  	[dreg:$0x1] =	wrdreg $0xFFFFFFFF  }
0xc1: {  	_ =	task.clear_ibuf [dreg:s6], $0x2FFFF;
	_ =	strace $0x9FFFFFFF  }
0xc2: {  	(tm) =	ssettm $0x7FFFFFFF  }
0xc3: {  	_ =	shalt  }
tec
execute0_lowered:
.L_overlay_start_1:
0x0: {  	(tag) =	ssettag $0x1  }
0x1: {  	s0 =	rddreg [dreg:$0x0]  }
0x2: {  	s2 =	rddreg [dreg:$0x1];
	s3 =	simm.s32 $0x0  }
0x3: {  	s14 =	stileid.u32;
	s7 =	srdreg.scid;
	s28 =	simm.s32 $0x1  }
0x4: {  	s29 =	simm.s32 $0xF0;
	s30 =	simm.s32 $0x230;
	s31 =	simm.s32 $0x7  }
0x5: {  	[smem:$0x7FF] =	sst s3;
	s4 =	sadd.s32 $0x19000, s0;
	s1 =	smul.u32 $0xA000, s14  }
0x6: {  	s5 =	sadd.s32 $0x5400, s0;
	s6 =	sadd.s32 $0xF200, s0;
	s7 =	sand.u32 $0x1, s7  }
0x7: {  	s9 =	sshll.u32 s14, $0x1;
	s11 =	sadd.s32 $0x40400, s0;
	s26 =	smul.u32 $0x14, s14  }
0x8: {  	s19 =	sadd.s32 $0x96000, s2;
	s15 =	smul.u32 $0xA0, s14;
	p0 =	seq.s32 s14, $0xF  }
0x9: {  	s14 =	simm.s32 $0x5;
	_ =	strace $0x8000004D;
	s24 =	smul.u32 $0x9C400, s7  }
0xa: {  	s10 =	ssub.s32 $0x2, s7;
	s9 =	sor.u32 s7, s9;
	s17 =	smul.u32 $0x50, s7  }
0xb: {  	[dreg:$0xb] =	wrdreg s19;
	s7 =	smul.u32 $0xA, s7;
	s8 =	sshrl.u32 s1, $0x3  }
0xc: {  	s12 =	sshrl.u32 s10, $0x1;
	s13 =	smul.u32 $0x50, s9;
	s18 =	sadd.s32 s1, s2  }
0xd: {  	s9 =	smul.u32 $0xA, s9;
	s19 =	sadd.s32 s26, s5;
	s8 =	sadd.s32 s8, s0  }
0xe: {  	s10 =	ssub.s32 s10, s12;
	[dreg:$0x9] =	wrdreg s18;
	s0 =	sadd.s32 $0x3F600, s0  }
0xf: {  	s1 =	sadd.s32 s1, s24;
	s18 =	sshrl.u32 s24, $0x3;
	s8 =	sadd.s32 $0x2CA00, s8  }
0x10: {  	s20 =	sshrl.u32 s13, $0x3;
	[dreg:$0xc] =	wrdreg s0;
	s21 =	sadd.s32 s5, s9  }
0x11: {  	s9 =	sadd.s32 s6, s9;
	s16 =	sshrl.u32 s1, $0x3;
	[dreg:$0xa] =	wrdreg s8  }
0x12: {  	s1 =	sadd.s32 s17, s15;
	[dreg:$0xd] =	wrdreg s21;
	s22 =	sadd.s32 $0x140, s20  }
0x13: {  	[dreg:$0xe] =	wrdreg s9;
	s25 =	sadd.s32 $0x9B00, s20;
	s9 =	sadd.s32 s7, s19  }
0x14: {  	s8 =	sadd.s32 s26, s6;
	s20 =	sadd.s32 $0x1E00, s1;
	s1 =	sadd.s32 $0x1400, s1  }
0x15: {  	s19 =	simm.s32 $0x50;
	s23 =	sadd.s32 s5, s22;
	s0 =	sadd.s32 s6, s22  }
0x16: {  	s13 =	sadd.s32 s5, s25;
	[dreg:$0x3] =	wrdreg s9;
	s7 =	sadd.s32 s7, s8  }
0x17: {  	s21 =	sshrl.u32 s20, $0x3;
	s1 =	sshrl.u32 s1, $0x3;
	[dreg:$0xf] =	wrdreg s23  }
0x18: {  	s20 =	simm.s32 $0x190;
	s8 =	simm.s32 $0x3;
	[dreg:$0x10] =	wrdreg s0  }
0x19: {  	s9 =	simm.s32 $0xA;
	[dreg:$0x11] =	wrdreg s13;
	s0 =	sadd.s32 s6, s25  }
0x1a: {  	[dreg:$0x4] =	wrdreg s7;
	s22 =	sadd.s32 s21, s6;
	s23 =	sadd.s32 s21, s5  }
0x1b: {  	s24 =	sadd.s32 s1, s6;
	s25 =	smax.u32 s10, $0x1;
	[dreg:$0x12] =	wrdreg s0  }
0x1c: {  	s26 =	sadd.s32 s1, s5;
	s1 =	simm.s32 $0x2;
	[dreg:$0x5] =	wrdreg s22  }
0x1d: {  	s5 =	simm.s32 $0x9;
	s6 =	simm.s32 $0x8;
	[dreg:$0x6] =	wrdreg s23  }
0x1e: {  	s7 =	simm.s32 $0x3E80;
	s10 =	simm.s32 $0x4;
	[dreg:$0x15] =	wrdreg s25  }
0x1f: {  	s13 =	simm.s32 $0x0;
	s0 =	sadd.s32 s11, s16;
	[dreg:$0x7] =	wrdreg s24  }
0x20: {  	[dreg:$0x8] =	wrdreg s26;
	s22 =	simm.s32 $0x280;
	s23 =	simm.s32 $0xA0  }
0x21: {  	s24 =	simm.s32 $0x1E0;
	[dreg:$0x13] =	wrdreg s0;
	s0 =	sadd.s32 s11, s18  }
0x22: {  	s25 =	simm.s32 $0x6;
	s26 =	simm.s32 $0x1680;
	s0 =	sadd.s32 $0x12C00, s0  }
0x23: {  	s18 =	simm.s32 $0x140;
	[dreg:$0x14] =	wrdreg s0;
	s0 =	simm.s32 $0x2A80  }
.LBB2_1:
0x24: {  	[dreg:$0x16] =	wrdreg s13  }
0x25: {  	s11 =	rddreg [dreg:$0xb]  }
0x26: {  	s13 =	sshrl.u32 @p0 s11, $0x3;
	s11 =	rddreg [dreg:$0xc]  }
0x27: {  	s12 =	simm.s32 @p0 $0x1FCB;
	[dreg:$0x17] =	wrdreg s13  }
0x28: {  	[spmem:s13], [sflag:s12] =	dma.local @p0 [hbm:s11], $0xC80  }
0x29: {  	s12 =	simm.s32 @p0 $0xB  }
0x2a: {  	_ =	swait.ge @p0 [sflag:s12], $0xC80  }
0x2b: {  	s11 =	stileid.u32;
	[sflag:s12] =	ssyncset.done @p0 $0x0  }
0x2c: {  	s13 =	sshll.u32 @!p0 s11, $0x6;
	s11 =	rddreg [dreg:$0x9];
	[sflag:s12] =	ssyncadd.s32 @p0 $0xFFFFF380  }
0x2d: {  	s12 =	sor.u32 @!p0 $0x1C0B, s13;
	s13 =	sshrl.u32 @!p0 s11, $0x3;
	s11 =	rddreg [dreg:$0xa]  }
0x2e: {  	[dreg:$0x18] =	wrdreg s12  }
0x2f: {  	[dreg:$0x19] =	wrdreg s13  }
0x30: {  	[spmem:s13], [sflag:s12] =	dma.local @!p0 [hbm:s11], $0x1400  }
0x31: {  	s12 =	simm.s32 @!p0 $0xB  }
0x32: {  	_ =	swait.ge @!p0 [sflag:s12], $0x1400  }
0x33: {  	[sflag:s12] =	ssyncset.done @!p0 $0x0  }
0x34: {  	[sflag:s12] =	ssyncadd.s32 @!p0 $0xFFFFEC00  }
0x35: {  	[bflag:$0x0] =	sbarrier.arrive $0xFFFF  }
0x36: {  	s13 =	rddreg [dreg:$0xd]  }
0x37: {  	[tilespmem:s3], [sflag:$0x5] =	stream.linear.gather [hbm4b:s13+s3], $0x50, $0x38;
	[tilespmem:$0xEEC0] =	vst v63  }
0x38: {  	s15 =	rddreg [dreg:$0xe]  }
0x39: {  	[tilespmem:s18], [sflag:$0x5] =	stream.linear.gather [hbm4b:s15+s3], $0x50, $0x38;
	[tilespmem:$0xEEC0] =	vst v63  }
0x3a: {  	s16 =	rddreg [dreg:$0xf]  }
0x3b: {  	[tilespmem:s19], [sflag:$0x6] =	stream.linear.gather [hbm4b:s16+s3], $0x50, $0x38;
	[tilespmem:$0xEEC0] =	vst v63  }
0x3c: {  	s17 =	rddreg [dreg:$0x10]  }
0x3d: {  	[tilespmem:s20], [sflag:$0x6] =	stream.linear.gather [hbm4b:s17+s3], $0x50, $0x38;
	[tilespmem:$0xEEC0] =	vst v63  }
0x3e: {  	_ =	swait.ge [sflag:s14], $0x50  }
0x3f: {  	[sflag:s14] =	ssyncset.done $0x0  }
0x40: {  	[sflag:s14] =	ssyncadd.s32 $0xFFFFFFB0  }
0x41: {  	_ =	swait.ge [sflag:s14], $0x50  }
0x42: {  	p1 =	por $0x1, $0x1;
	[sflag:s14] =	ssyncset.done $0x0  }
0x43: {  	s12 =	simm.s32 @!p1 $0x9;
	[sflag:s14] =	ssyncadd.s32 $0xFFFFFFB0  }
0x44: {  	[tilespmem:s22], [sflag:$0x1] =	stream.indirect.gather [hbm4b:s4+s19], $0x40, s3, s19, $0xb8;
	[tilespmem:$0xEEC0] =	vst v63  }
0x45: {  	_ =	swait.ge @!p1 [sflag:s12], $0x1400  }
0x46: {  	s15 =	rddreg [dreg:$0x8];
	[sflag:s12] =	ssyncset.done @!p1 $0x0  }
0x47: {  	s16 =	rddreg [dreg:$0x7];
	[sflag:s12] =	ssyncadd.s32 @!p1 $0xFFFFEC00;
	s21 =	sadd.s32 $0x0, s15  }
0x48: {  	[tilespmem:s23], [sflag:$0x7] =	stream.linear.gather [hbm4b:s21+s3], $0x50, $0x38;
	[tilespmem:$0xEEC0] =	vst v63  }
0x49: {  	s11 =	sadd.s32 $0x0, s16  }
0x4a: {  	[tilespmem:s24], [sflag:$0x7] =	stream.linear.gather [hbm4b:s11+s3], $0x50, $0x38;
	[tilespmem:$0xEEC0] =	vst v63  }
0x4b: {  	_ =	swait.ge [sflag:s25], $0x50  }
0x4c: {  	[sflag:s25] =	ssyncset.done $0x0  }
0x4d: {  	[sflag:s25] =	ssyncadd.s32 $0xFFFFFFB0  }
0x4e: {  	_ =	swait.ge [sflag:s25], $0x50  }
0x4f: {  	[sflag:s25] =	ssyncset.done $0x0  }
0x50: {  	[sflag:s25] =	ssyncadd.s32 $0xFFFFFFB0  }
0x51: {  	[tilespmem:s26], [sflag:$0x2] =	stream.indirect.gather [hbm4b:s4+s19], $0x40, s19, s19, $0xb8;
	[tilespmem:$0xEEC0] =	vst v63  }
0x52: {  	_ =	swait.ge [sflag:s28], $0x1400  }
0x53: {  	[sflag:s28] =	ssyncset.done $0x0  }
0x54: {  	s12 =	simm.s32 @!p1 $0xA;
	[sflag:s28] =	ssyncadd.s32 $0xFFFFEC00  }
0x55: {  	[spmem:s2] =	stream.indirect.scatter.add.f32 [tilespmem:s22], [sflag:$0x9], $0x40, s18, s19, $0xb8;
	[tilespmem:$0xEEC0] =	vst v63  }
0x56: {  	_ =	swait.ge @!p1 [sflag:s12], $0x1400  }
0x57: {  	s13 =	rddreg [dreg:$0x6];
	[sflag:s12] =	ssyncset.done @!p1 $0x0  }
0x58: {  	s14 =	rddreg [dreg:$0x5];
	[sflag:s12] =	ssyncadd.s32 @!p1 $0xFFFFEC00;
	s17 =	sadd.s32 $0x0, s13  }
0x59: {  	[tilespmem:s29], [sflag:$0x8] =	stream.linear.gather [hbm4b:s17+s3], $0x50, $0x38;
	[tilespmem:$0xEEC0] =	vst v63  }
0x5a: {  	s21 =	sadd.s32 $0x0, s14  }
0x5b: {  	[tilespmem:s30], [sflag:$0x8] =	stream.linear.gather [hbm4b:s21+s3], $0x50, $0x38;
	[tilespmem:$0xEEC0] =	vst v63  }
0x5c: {  	_ =	swait.ge [sflag:s31], $0x50  }
0x5d: {  	[sflag:s31] =	ssyncset.done $0x0  }
0x5e: {  	[sflag:s31] =	ssyncadd.s32 $0xFFFFFFB0  }
0x5f: {  	_ =	swait.ge [sflag:s31], $0x50  }
0x60: {  	[sflag:s31] =	ssyncset.done $0x0  }
0x61: {  	[sflag:s31] =	ssyncadd.s32 $0xFFFFFFB0  }
0x62: {  	[tilespmem:s0], [sflag:$0x3] =	stream.indirect.gather [hbm4b:s4+s19], $0x40, s23, s19, $0xb8;
	[tilespmem:$0xEEC0] =	vst v63  }
0x63: {  	_ =	swait.ge [sflag:s1], $0x1400  }
0x64: {  	[sflag:s1] =	ssyncset.done $0x0  }
0x65: {  	[sflag:s1] =	ssyncadd.s32 $0xFFFFEC00  }
0x66: {  	[spmem:s2] =	stream.indirect.scatter.add.f32 [tilespmem:s26], [sflag:$0xA], $0x40, s20, s19, $0xb8;
	[tilespmem:$0xEEC0] =	vst v63  }
0x67: {  	p1 =	por $0x0, $0x0;
	_ =	swait.ge [sflag:s5], $0x1400  }
0x68: {  	s16 =	simm.s32 @!p1 $0x0;
	s12 =	rddreg [dreg:$0x3]  }
0x69: {  	s15 =	rddreg [dreg:$0x4];
	[sflag:s5] =	ssyncset.done $0x0;
	s12 =	sadd.s32 @!p1 $0x0, s12  }
0x6a: {  	[sflag:s5] =	ssyncadd.s32 $0xFFFFEC00;
	s15 =	sadd.s32 @!p1 $0x0, s15;
	s17 =	sadd.s32 @!p1 $0x500, s12  }
0x6b: {  	[tilespmem:s16], [sflag:$0x5] =	stream.linear.gather @!p1 [hbm4b:s17+s16], $0x50, $0x38;
	[tilespmem:$0xEEC0] =	vst v63  }
0x6c: {  	s13 =	sadd.s32 @!p1 $0x500, s15;
	s17 =	simm.s32 @!p1 $0x140  }
0x6d: {  	[tilespmem:s17], [sflag:$0x5] =	stream.linear.gather @!p1 [hbm4b:s13+s16], $0x50, $0x38;
	[tilespmem:$0xEEC0] =	vst v63  }
0x6e: {  	_ =	swait.ge [sflag:s6], $0x50  }
0x6f: {  	[sflag:s6] =	ssyncset.done $0x0  }
0x70: {  	[sflag:s6] =	ssyncadd.s32 $0xFFFFFFB0  }
0x71: {  	_ =	swait.ge [sflag:s6], $0x50  }
0x72: {  	[sflag:s6] =	ssyncset.done $0x0  }
0x73: {  	[sflag:s6] =	ssyncadd.s32 $0xFFFFFFB0  }
0x74: {  	[tilespmem:s7], [sflag:$0x4] =	stream.indirect.gather [hbm4b:s4+s19], $0x40, s29, s19, $0xb8;
	[tilespmem:$0xEEC0] =	vst v63  }
0x75: {  	_ =	swait.ge [sflag:s8], $0x1400  }
0x76: {  	[sflag:s8] =	ssyncset.done $0x0  }
0x77: {  	[sflag:s8] =	ssyncadd.s32 $0xFFFFEC00  }
0x78: {  	[spmem:s2] =	stream.indirect.scatter.add.f32 [tilespmem:s0], [sflag:$0x9], $0x40, s24, s19, $0xb8;
	[tilespmem:$0xEEC0] =	vst v63  }
0x79: {  	_ =	swait.ge [sflag:s9], $0x1400  }
0x7a: {  	[sflag:s9] =	ssyncset.done $0x0  }
0x7b: {  	s12 =	sadd.s32 @!p1 $0x640, s12;
	s13 =	simm.s32 @!p1 $0x50;
	[sflag:s9] =	ssyncadd.s32 $0xFFFFEC00  }
0x7c: {  	[tilespmem:s13], [sflag:$0x6] =	stream.linear.gather @!p1 [hbm4b:s12+s16], $0x50, $0x38;
	[tilespmem:$0xEEC0] =	vst v63  }
0x7d: {  	s12 =	sadd.s32 @!p1 $0x640, s15;
	s15 =	simm.s32 @!p1 $0x190  }
0x7e: {  	[tilespmem:s15], [sflag:$0x6] =	stream.linear.gather @!p1 [hbm4b:s12+s16], $0x50, $0x38;
	[tilespmem:$0xEEC0] =	vst v63  }
0x7f: {  	s12 =	simm.s32 @!p1 $0x5  }
0x80: {  	_ =	swait.ge @!p1 [sflag:s12], $0x50  }
0x81: {  	[sflag:s12] =	ssyncset.done @!p1 $0x0  }
0x82: {  	[sflag:s12] =	ssyncadd.s32 @!p1 $0xFFFFFFB0  }
0x83: {  	_ =	swait.ge @!p1 [sflag:s12], $0x50  }
0x84: {  	[sflag:s12] =	ssyncset.done @!p1 $0x0  }
0x85: {  	p2 =	por $0x0, $0x0;
	[sflag:s12] =	ssyncadd.s32 @!p1 $0xFFFFFFB0;
	s12 =	simm.s32 @!p1 $0x280  }
0x86: {  	[tilespmem:s12], [sflag:$0x1] =	stream.indirect.gather @!p1 [hbm4b:s4+s13], $0x40, s16, s13, $0xb8;
	[tilespmem:$0xEEC0] =	vst v63  }
0x87: {  	s15 =	simm.s32 $0x500;
	s16 =	simm.s32 $0xA00;
	_ =	swait.ge [sflag:s10], $0x1400  }
.LBB2_2:
0x88: {  	[sflag:s10] =	ssyncset.done $0x0  }
0x89: {  	s12 =	simm.s32 @!p2 $0x9;
	[sflag:s10] =	ssyncadd.s32 $0xFFFFEC00  }
0x8a: {  	[spmem:s2] =	stream.indirect.scatter.add.f32 [tilespmem:s7], [sflag:$0xA], $0x40, s30, s19, $0xb8;
	[tilespmem:$0xEEC0] =	vst v63  }
0x8b: {  	_ =	swait.ge @!p2 [sflag:s12], $0x1400  }
0x8c: {  	[sflag:s12] =	ssyncset.done @!p2 $0x0;
	s13 =	rddreg [dreg:$0x8]  }
0x8d: {  	s21 =	rddreg [dreg:$0x7];
	[sflag:s12] =	ssyncadd.s32 @!p2 $0xFFFFEC00;
	s13 =	sadd.s32 s15, s13  }
0x8e: {  	[tilespmem:s23], [sflag:$0x7] =	stream.linear.gather [hbm4b:s13+s3], $0x50, $0x38;
	[tilespmem:$0xEEC0] =	vst v63  }
0x8f: {  	s12 =	sadd.s32 s15, s21  }
0x90: {  	[tilespmem:s24], [sflag:$0x7] =	stream.linear.gather [hbm4b:s12+s3], $0x50, $0x38;
	[tilespmem:$0xEEC0] =	vst v63  }
0x91: {  	_ =	swait.ge [sflag:s25], $0x50  }
0x92: {  	[sflag:s25] =	ssyncset.done $0x0  }
0x93: {  	[sflag:s25] =	ssyncadd.s32 $0xFFFFFFB0  }
0x94: {  	_ =	swait.ge [sflag:s25], $0x50  }
0x95: {  	[sflag:s25] =	ssyncset.done $0x0  }
0x96: {  	[sflag:s25] =	ssyncadd.s32 $0xFFFFFFB0  }
0x97: {  	[tilespmem:s26], [sflag:$0x2] =	stream.indirect.gather [hbm4b:s4+s19], $0x40, s19, s19, $0xb8;
	[tilespmem:$0xEEC0] =	vst v63  }
0x98: {  	_ =	swait.ge [sflag:s28], $0x1400  }
0x99: {  	[sflag:s28] =	ssyncset.done $0x0  }
0x9a: {  	s12 =	simm.s32 @!p2 $0xA;
	[sflag:s28] =	ssyncadd.s32 $0xFFFFEC00  }
0x9b: {  	[spmem:s2] =	stream.indirect.scatter.add.f32 [tilespmem:s22], [sflag:$0x9], $0x40, s18, s19, $0xb8;
	[tilespmem:$0xEEC0] =	vst v63  }
0x9c: {  	_ =	swait.ge @!p2 [sflag:s12], $0x1400  }
0x9d: {  	s11 =	rddreg [dreg:$0x6];
	[sflag:s12] =	ssyncset.done @!p2 $0x0  }
0x9e: {  	s14 =	rddreg [dreg:$0x5];
	[sflag:s12] =	ssyncadd.s32 @!p2 $0xFFFFEC00;
	s13 =	sadd.s32 s15, s11  }
0x9f: {  	[tilespmem:s29], [sflag:$0x8] =	stream.linear.gather [hbm4b:s13+s3], $0x50, $0x38;
	[tilespmem:$0xEEC0] =	vst v63  }
0xa0: {  	s21 =	sadd.s32 s15, s14  }
0xa1: {  	[tilespmem:s30], [sflag:$0x8] =	stream.linear.gather [hbm4b:s21+s3], $0x50, $0x38;
	[tilespmem:$0xEEC0] =	vst v63  }
0xa2: {  	_ =	swait.ge [sflag:s31], $0x50  }
0xa3: {  	[sflag:s31] =	ssyncset.done $0x0  }
0xa4: {  	[sflag:s31] =	ssyncadd.s32 $0xFFFFFFB0  }
0xa5: {  	_ =	swait.ge [sflag:s31], $0x50  }
0xa6: {  	[sflag:s31] =	ssyncset.done $0x0  }
0xa7: {  	[sflag:s31] =	ssyncadd.s32 $0xFFFFFFB0  }
0xa8: {  	[tilespmem:s0], [sflag:$0x3] =	stream.indirect.gather [hbm4b:s4+s19], $0x40, s23, s19, $0xb8;
	[tilespmem:$0xEEC0] =	vst v63  }
0xa9: {  	_ =	swait.ge [sflag:s1], $0x1400  }
0xaa: {  	[sflag:s1] =	ssyncset.done $0x0  }
0xab: {  	[sflag:s1] =	ssyncadd.s32 $0xFFFFEC00  }
0xac: {  	[spmem:s2] =	stream.indirect.scatter.add.f32 [tilespmem:s26], [sflag:$0xA], $0x40, s20, s19, $0xb8;
	[tilespmem:$0xEEC0] =	vst v63  }
0xad: {  	_ =	swait.ge [sflag:s5], $0x1400  }
0xae: {  	p2 =	seq.s32 s15, $0x9600;
	s12 =	rddreg [dreg:$0x3];
	[sflag:s5] =	ssyncset.done $0x0  }
0xaf: {  	s13 =	rddreg [dreg:$0x4];
	[sflag:s5] =	ssyncadd.s32 $0xFFFFEC00;
	s14 =	sadd.s32 @!p2 s15, s12  }
0xb0: {  	s12 =	simm.s32 @!p2 $0x0;
	s13 =	sadd.s32 @!p2 s15, s13;
	s21 =	sadd.s32 @!p2 $0x500, s14  }
0xb1: {  	[tilespmem:s12], [sflag:$0x5] =	stream.linear.gather @!p2 [hbm4b:s21+s12], $0x50, $0x38;
	[tilespmem:$0xEEC0] =	vst v63  }
0xb2: {  	s11 =	simm.s32 @!p2 $0x140;
	s21 =	sadd.s32 @!p2 $0x500, s13  }
0xb3: {  	[tilespmem:s11], [sflag:$0x5] =	stream.linear.gather @!p2 [hbm4b:s21+s12], $0x50, $0x38;
	[tilespmem:$0xEEC0] =	vst v63  }
0xb4: {  	_ =	swait.ge [sflag:s6], $0x50  }
0xb5: {  	[sflag:s6] =	ssyncset.done $0x0  }
0xb6: {  	[sflag:s6] =	ssyncadd.s32 $0xFFFFFFB0  }
0xb7: {  	_ =	swait.ge [sflag:s6], $0x50  }
0xb8: {  	[sflag:s6] =	ssyncset.done $0x0  }
0xb9: {  	[sflag:s6] =	ssyncadd.s32 $0xFFFFFFB0  }
0xba: {  	[tilespmem:s7], [sflag:$0x4] =	stream.indirect.gather [hbm4b:s4+s19], $0x40, s29, s19, $0xb8;
	[tilespmem:$0xEEC0] =	vst v63  }
0xbb: {  	_ =	swait.ge [sflag:s8], $0x1400  }
0xbc: {  	[sflag:s8] =	ssyncset.done $0x0  }
0xbd: {  	[sflag:s8] =	ssyncadd.s32 $0xFFFFEC00  }
0xbe: {  	[spmem:s2] =	stream.indirect.scatter.add.f32 [tilespmem:s0], [sflag:$0x9], $0x40, s24, s19, $0xb8;
	[tilespmem:$0xEEC0] =	vst v63  }
0xbf: {  	s17 =	smov.u32 s16;
	_ =	swait.ge [sflag:s9], $0x1400  }
0xc0: {  	s15 =	smov.u32 s17;
	[sflag:s9] =	ssyncset.done $0x0  }
0xc1: {  	s11 =	sadd.s32 @!p2 $0x640, s14;
	s14 =	simm.s32 @!p2 $0x50;
	[sflag:s9] =	ssyncadd.s32 $0xFFFFEC00  }
0xc2: {  	[tilespmem:s14], [sflag:$0x6] =	stream.linear.gather @!p2 [hbm4b:s11+s12], $0x50, $0x38;
	[tilespmem:$0xEEC0] =	vst v63  }
0xc3: {  	s17 =	simm.s32 @!p2 $0x190;
	s13 =	sadd.s32 @!p2 $0x640, s13;
	s11 =	simm.s32 @!p2 $0x5  }
0xc4: {  	[tilespmem:s17], [sflag:$0x6] =	stream.linear.gather @!p2 [hbm4b:s13+s12], $0x50, $0x38;
	[tilespmem:$0xEEC0] =	vst v63  }
0xc5: {  	_ =	swait.ge @!p2 [sflag:s11], $0x50  }
0xc6: {  	s16 =	sadd.s32 $0x500, s16;
	[sflag:s11] =	ssyncset.done @!p2 $0x0  }
0xc7: {  	p1 =	sne.s32 s16, $0x9B00;
	[sflag:s11] =	ssyncadd.s32 @!p2 $0xFFFFFFB0  }
.Ltmp0:
0xc8: {  	_ =	swait.ge @!p2 [sflag:s11], $0x50;
	(pc) =	sbr.rel @p1 .LBB2_2-.Ltmp0, $4  }
0xc9: {  	[sflag:s11] =	ssyncset.done @!p2 $0x0  }
0xca: {  	s13 =	simm.s32 @!p2 $0x280;
	[sflag:s11] =	ssyncadd.s32 @!p2 $0xFFFFFFB0  }
0xcb: {  	[tilespmem:s13], [sflag:$0x1] =	stream.indirect.gather @!p2 [hbm4b:s4+s14], $0x40, s12, s14, $0xb8;
	[tilespmem:$0xEEC0] =	vst v63  }
0xcc: {  	p2 =	seq.s32 s15, $0x0;
	_ =	swait.ge [sflag:s10], $0x1400  }
0xcd: {  	[sflag:s10] =	ssyncset.done $0x0  }
0xce: {  	s11 =	simm.s32 @!p2 $0x9;
	[sflag:s10] =	ssyncadd.s32 $0xFFFFEC00  }
0xcf: {  	[spmem:s2] =	stream.indirect.scatter.add.f32 [tilespmem:s7], [sflag:$0xA], $0x40, s30, s19, $0xb8;
	[tilespmem:$0xEEC0] =	vst v63  }
0xd0: {  	_ =	swait.ge @!p2 [sflag:s11], $0x1400  }
0xd1: {  	s12 =	rddreg [dreg:$0x8];
	[sflag:s11] =	ssyncset.done @!p2 $0x0  }
0xd2: {  	s13 =	rddreg [dreg:$0x7];
	[sflag:s11] =	ssyncadd.s32 @!p2 $0xFFFFEC00;
	s14 =	sadd.s32 s15, s12  }
0xd3: {  	[tilespmem:s23], [sflag:$0x7] =	stream.linear.gather [hbm4b:s14+s3], $0x50, $0x38;
	[tilespmem:$0xEEC0] =	vst v63  }
0xd4: {  	s16 =	sadd.s32 s15, s13  }
0xd5: {  	[tilespmem:s24], [sflag:$0x7] =	stream.linear.gather [hbm4b:s16+s3], $0x50, $0x38;
	[tilespmem:$0xEEC0] =	vst v63  }
0xd6: {  	_ =	swait.ge [sflag:s25], $0x50  }
0xd7: {  	[sflag:s25] =	ssyncset.done $0x0  }
0xd8: {  	[sflag:s25] =	ssyncadd.s32 $0xFFFFFFB0  }
0xd9: {  	_ =	swait.ge [sflag:s25], $0x50  }
0xda: {  	[sflag:s25] =	ssyncset.done $0x0  }
0xdb: {  	[sflag:s25] =	ssyncadd.s32 $0xFFFFFFB0  }
0xdc: {  	[tilespmem:s26], [sflag:$0x2] =	stream.indirect.gather [hbm4b:s4+s19], $0x40, s19, s19, $0xb8;
	[tilespmem:$0xEEC0] =	vst v63  }
0xdd: {  	_ =	swait.ge [sflag:s28], $0x1400  }
0xde: {  	[sflag:s28] =	ssyncset.done $0x0  }
0xdf: {  	s11 =	simm.s32 @!p2 $0xA;
	[sflag:s28] =	ssyncadd.s32 $0xFFFFEC00  }
0xe0: {  	[spmem:s2] =	stream.indirect.scatter.add.f32 [tilespmem:s22], [sflag:$0x9], $0x40, s18, s19, $0xb8;
	[tilespmem:$0xEEC0] =	vst v63  }
0xe1: {  	_ =	swait.ge @!p2 [sflag:s11], $0x1400  }
0xe2: {  	s17 =	rddreg [dreg:$0x6];
	[sflag:s11] =	ssyncset.done @!p2 $0x0  }
0xe3: {  	s21 =	rddreg [dreg:$0x5];
	[sflag:s11] =	ssyncadd.s32 @!p2 $0xFFFFEC00;
	s12 =	sadd.s32 s15, s17  }
0xe4: {  	[tilespmem:s29], [sflag:$0x8] =	stream.linear.gather [hbm4b:s12+s3], $0x50, $0x38;
	[tilespmem:$0xEEC0] =	vst v63  }
0xe5: {  	s14 =	sadd.s32 s15, s21  }
0xe6: {  	[tilespmem:s30], [sflag:$0x8] =	stream.linear.gather [hbm4b:s14+s3], $0x50, $0x38;
	[tilespmem:$0xEEC0] =	vst v63  }
0xe7: {  	_ =	swait.ge [sflag:s31], $0x50  }
0xe8: {  	[sflag:s31] =	ssyncset.done $0x0  }
0xe9: {  	[sflag:s31] =	ssyncadd.s32 $0xFFFFFFB0  }
0xea: {  	_ =	swait.ge [sflag:s31], $0x50  }
0xeb: {  	[sflag:s31] =	ssyncset.done $0x0  }
0xec: {  	[sflag:s31] =	ssyncadd.s32 $0xFFFFFFB0  }
0xed: {  	[tilespmem:s0], [sflag:$0x3] =	stream.indirect.gather [hbm4b:s4+s19], $0x40, s23, s19, $0xb8;
	[tilespmem:$0xEEC0] =	vst v63  }
0xee: {  	_ =	swait.ge [sflag:s1], $0x1400  }
0xef: {  	[sflag:s1] =	ssyncset.done $0x0  }
0xf0: {  	[sflag:s1] =	ssyncadd.s32 $0xFFFFEC00  }
0xf1: {  	[spmem:s2] =	stream.indirect.scatter.add.f32 [tilespmem:s26], [sflag:$0xA], $0x40, s20, s19, $0xb8;
	[tilespmem:$0xEEC0] =	vst v63  }
0xf2: {  	p1 =	seq.s32 s15, $0x9600;
	_ =	swait.ge [sflag:s5], $0x1400  }
0xf3: {  	s13 =	simm.s32 @!p1 $0x0;
	s11 =	rddreg [dreg:$0x3]  }
0xf4: {  	s12 =	rddreg [dreg:$0x4];
	[sflag:s5] =	ssyncset.done $0x0;
	s11 =	sadd.s32 @!p1 s15, s11  }
0xf5: {  	[sflag:s5] =	ssyncadd.s32 $0xFFFFEC00;
	s12 =	sadd.s32 @!p1 s15, s12;
	s14 =	sadd.s32 @!p1 $0x500, s11  }
0xf6: {  	[tilespmem:s13], [sflag:$0x5] =	stream.linear.gather @!p1 [hbm4b:s14+s13], $0x50, $0x38;
	[tilespmem:$0xEEC0] =	vst v63  }
0xf7: {  	s15 =	sadd.s32 @!p1 $0x500, s12;
	s14 =	simm.s32 @!p1 $0x140  }
0xf8: {  	[tilespmem:s14], [sflag:$0x5] =	stream.linear.gather @!p1 [hbm4b:s15+s13], $0x50, $0x38;
	[tilespmem:$0xEEC0] =	vst v63  }
0xf9: {  	_ =	swait.ge [sflag:s6], $0x50  }
0xfa: {  	[sflag:s6] =	ssyncset.done $0x0  }
0xfb: {  	[sflag:s6] =	ssyncadd.s32 $0xFFFFFFB0  }
0xfc: {  	_ =	swait.ge [sflag:s6], $0x50  }
0xfd: {  	[sflag:s6] =	ssyncset.done $0x0  }
0xfe: {  	[sflag:s6] =	ssyncadd.s32 $0xFFFFFFB0  }
0xff: {  	[tilespmem:s7], [sflag:$0x4] =	stream.indirect.gather [hbm4b:s4+s19], $0x40, s29, s19, $0xb8;
	[tilespmem:$0xEEC0] =	vst v63  }
0x100: {  	_ =	swait.ge [sflag:s8], $0x1400  }
0x101: {  	[sflag:s8] =	ssyncset.done $0x0  }
0x102: {  	[sflag:s8] =	ssyncadd.s32 $0xFFFFEC00  }
0x103: {  	[spmem:s2] =	stream.indirect.scatter.add.f32 [tilespmem:s0], [sflag:$0x9], $0x40, s24, s19, $0xb8;
	[tilespmem:$0xEEC0] =	vst v63  }
0x104: {  	_ =	swait.ge [sflag:s9], $0x1400  }
0x105: {  	[sflag:s9] =	ssyncset.done $0x0  }
0x106: {  	s11 =	sadd.s32 @!p1 $0x640, s11;
	s14 =	simm.s32 @!p1 $0x50;
	[sflag:s9] =	ssyncadd.s32 $0xFFFFEC00  }
0x107: {  	[tilespmem:s14], [sflag:$0x6] =	stream.linear.gather @!p1 [hbm4b:s11+s13], $0x50, $0x38;
	[tilespmem:$0xEEC0] =	vst v63  }
0x108: {  	s11 =	sadd.s32 @!p1 $0x640, s12;
	s12 =	simm.s32 @!p1 $0x190  }
0x109: {  	[tilespmem:s12], [sflag:$0x6] =	stream.linear.gather @!p1 [hbm4b:s11+s13], $0x50, $0x38;
	[tilespmem:$0xEEC0] =	vst v63  }
0x10a: {  	s11 =	simm.s32 @!p1 $0x5  }
0x10b: {  	_ =	swait.ge @!p1 [sflag:s11], $0x50  }
0x10c: {  	[sflag:s11] =	ssyncset.done @!p1 $0x0  }
0x10d: {  	[sflag:s11] =	ssyncadd.s32 @!p1 $0xFFFFFFB0  }
0x10e: {  	_ =	swait.ge @!p1 [sflag:s11], $0x50  }
0x10f: {  	[sflag:s11] =	ssyncset.done @!p1 $0x0  }
0x110: {  	[sflag:s11] =	ssyncadd.s32 @!p1 $0xFFFFFFB0;
	s11 =	simm.s32 @!p1 $0x280  }
0x111: {  	[tilespmem:s11], [sflag:$0x1] =	stream.indirect.gather @!p1 [hbm4b:s4+s14], $0x40, s13, s14, $0xb8;
	[tilespmem:$0xEEC0] =	vst v63  }
0x112: {  	_ =	swait.ge [sflag:s10], $0x1400  }
0x113: {  	[sflag:s10] =	ssyncset.done $0x0  }
0x114: {  	[sflag:s10] =	ssyncadd.s32 $0xFFFFEC00  }
0x115: {  	[spmem:s2] =	stream.indirect.scatter.add.f32 [tilespmem:s7], [sflag:$0xA], $0x40, s30, s19, $0xb8;
	[tilespmem:$0xEEC0] =	vst v63  }
0x116: {  	_ =	swait.ge [sflag:s5], $0x1400  }
0x117: {  	[sflag:s5] =	ssyncset.done $0x0  }
0x118: {  	[sflag:s5] =	ssyncadd.s32 $0xFFFFEC00  }
0x119: {  	_ =	swait.ge [sflag:s9], $0x1400  }
0x11a: {  	[sflag:s9] =	ssyncset.done $0x0  }
0x11b: {  	s15 =	rddreg [dreg:$0x11];
	[sflag:s9] =	ssyncadd.s32 $0xFFFFEC00  }
0x11c: {  	[tilespmem:s3], [sflag:$0x5] =	stream.linear.gather [hbm4b:s15+s3], $0x50, $0x38;
	[tilespmem:$0xEEC0] =	vst v63  }
0x11d: {  	s14 =	simm.s32 $0x5;
	s16 =	rddreg [dreg:$0x12]  }
0x11e: {  	[tilespmem:s18], [sflag:$0x5] =	stream.linear.gather [hbm4b:s16+s3], $0x50, $0x38;
	[tilespmem:$0xEEC0] =	vst v63  }
0x11f: {  	_ =	swait.ge [sflag:s14], $0x50  }
0x120: {  	[sflag:s14] =	ssyncset.done $0x0  }
0x121: {  	[sflag:s14] =	ssyncadd.s32 $0xFFFFFFB0  }
0x122: {  	_ =	swait.ge [sflag:s14], $0x50  }
0x123: {  	[sflag:s14] =	ssyncset.done $0x0  }
0x124: {  	[sflag:s14] =	ssyncadd.s32 $0xFFFFFFB0  }
0x125: {  	[tilespmem:s22], [sflag:$0x1] =	stream.indirect.gather [hbm4b:s4+s19], $0x40, s3, s19, $0xb8;
	[tilespmem:$0xEEC0] =	vst v63  }
0x126: {  	_ =	swait.ge [sflag:s28], $0x1400  }
0x127: {  	[sflag:s28] =	ssyncset.done $0x0  }
0x128: {  	[sflag:s28] =	ssyncadd.s32 $0xFFFFEC00  }
0x129: {  	[spmem:s2] =	stream.indirect.scatter.add.f32 [tilespmem:s22], [sflag:$0x9], $0x40, s18, s19, $0xb8;
	[tilespmem:$0xEEC0] =	vst v63  }
0x12a: {  	_ =	swait.ge [sflag:s5], $0x1400  }
0x12b: {  	[sflag:s5] =	ssyncset.done $0x0  }
0x12c: {  	[sflag:s5] =	ssyncadd.s32 $0xFFFFEC00  }
0x12d: {  	[bflag:$0x0] =	sbarrier.arrive $0xFFFF  }
0x12e: {  	s12 =	rddreg [dreg:$0x14]  }
0x12f: {  	s11 =	simm.s32 @p0 $0x1FCB;
	s13 =	rddreg [dreg:$0x17]  }
0x130: {  	[hbm:s12], [sflag:s11] =	dma.local @p0 [spmem:s13], $0xC80  }
0x131: {  	s11 =	simm.s32 @p0 $0xB  }
0x132: {  	_ =	swait.ge @p0 [sflag:s11], $0xC80  }
0x133: {  	s12 =	rddreg [dreg:$0x18]  }
0x134: {  	[sflag:s11] =	ssyncset.done @p0 $0x0;
	s13 =	rddreg [dreg:$0x19]  }
0x135: {  	[sflag:s11] =	ssyncadd.s32 @p0 $0xFFFFF380;
	s11 =	rddreg [dreg:$0x13]  }
0x136: {  	[hbm:s11], [sflag:s12] =	dma.local @!p0 [spmem:s13], $0x1400  }
0x137: {  	s11 =	simm.s32 @!p0 $0xB  }
0x138: {  	_ =	swait.ge @!p0 [sflag:s11], $0x1400  }
0x139: {  	s17 =	rddreg [dreg:$0x16]  }
0x13a: {  	s21 =	rddreg [dreg:$0x15];
	s13 =	sadd.s32 $0x1, s17  }
0x13b: {  	p1 =	sne.s32 s13, s21  }
.Ltmp1:
0x13c: {  	_ = 	snop;
	(pc) =	sbr.rel @p1 .LBB2_1-.Ltmp1, $3  }
0x13d: {  	_ =	sdelay $0x1  }
0x13e: {  	[sflag:s11] =	ssyncset.done @!p0 $0x0  }
0x13f: {  	[sflag:s11] =	ssyncadd.s32 @!p0 $0xFFFFEC00  }
0x140: {  	_ =	sfence.sel $0x180000  }
0x141: {  	[bflag:$0x0] =	sbarrier.arrive $0xFFFF  }
0x142: {  	_ =	strace $0x9000004D  }
0x143: {  	s0 =	stileid.u32;
	[bflag:$0x2] =	sbarrier.arrive $0xFFFF  }
0x144: {  	p0 =	sne.s32 s0, $0x0;
	s0 =	rddreg [dreg:$0x2]  }
0x145: {  	s0 =	sadd.s32 @!p0 $0x100000, s0  }
0x146: {  	[sflag:s0] =	ssyncadd.tile.s32 @!p0 $0x1;
	_ =	shalt  }
.Lfunc_end2:
_tile_overlayer_lowered:
.L_overlay_start_2:
0x147: {  	(tag) =	ssettag $0x2  }
0x148: {  	s0 =	rddreg [dreg:$0x0];
	s2 =	stileid.u32  }
0x149: {  	s1 =	rddreg [dreg:$0x1];
	p0 =	sne.s32 s2, $0x0  }
0x14a: {  	s3 =	rddreg [dreg:$0x2];
	[bflag:$0x3] =	sbarrier.arrive $0xFFFF;
	s2 =	simm.s32 @!p0 $0x1C0B  }
0x14b: {  	[timem:s3], [sflag:s2] =	dma.local @!p0 [hbm:s0], s1  }
0x14c: {  	s0 =	simm.s32 @!p0 $0xB  }
0x14d: {  	_ =	swait.ge @!p0 [sflag:s0], s1  }
0x14e: {  	s1 =	ssub.s32 @!p0 $0x0, s1;
	[sflag:s0] =	ssyncset.done @!p0 $0x0  }
0x14f: {  	[sflag:s0] =	ssyncadd.s32 @!p0 s1  }
0x150: {  	[bflag:$0x3] =	sbarrier.arrive $0xFFFF  }
0x151: {  	_ =	shalt  }

// kernel: kernel.8.cloned.1.call-start
scs
__scs_entry_jumppad:
0x0: {  	(pc) =	sbr.rel $0x88, $3  }
0x1: {  	(tag) =	ssettag $0x0;
	lr =	simm.s32 $0x1  }
0x2: {  	[smem:$0x3F82] =	sst lr;
	_ =	strace $0xD0000000  }
0x3: {  	_ = 	snop  }
0x4: {  	_ = 	snop  }
0x5: {  	_ = 	snop  }
0x6: {  	_ = 	snop  }
0x7: {  	_ = 	snop  }
__scs_overlays_trampoline_lowered:
0x8: {  	[smem:$0x3F91] =	sst s0  }
0x9: {  	[smem:$0x3F92] =	sst s1  }
0xa: {  	[smem:$0x3F93] =	sst s2  }
0xb: {  	[smem:$0x3F94] =	sst s3  }
0xc: {  	[smem:$0x3F95] =	sst s4  }
0xd: {  	[smem:$0x3F96] =	sst s5  }
0xe: {  	[smem:$0x3F97] =	sst s6  }
0xf: {  	[smem:$0x3F98] =	sst s7  }
0x10: {  	[smem:$0x3F99] =	sst s8  }
0x11: {  	[smem:$0x3F9A] =	sst s9;
	s0 =	simm.s32 @!p0 $0x0  }
0x12: {  	s1 =	sld [smem:$0x3F80];
	s0 =	simm.s32 @p0 $0x1  }
0x13: {  	[smem:$0x3F9B] =	sst s0;
	s0 =	simm.s32 @!p1 $0x0  }
0x14: {  	s2 =	sld [smem:$0x3F7F];
	s0 =	simm.s32 @p1 $0x1  }
0x15: {  	[smem:$0x3F9C] =	sst s0;
	s0 =	simm.s32 @!p2 $0x0  }
0x16: {  	s3 =	sld [smem:$0x3FDB];
	s0 =	simm.s32 @p2 $0x1  }
0x17: {  	s4 =	simm.s32 $0x1BF5;
	[smem:$0x3F9E] =	sst s0  }
0x18: {  	s0 =	sld [smem:$0x3F81];
	_ =	swait.ge [sflag:s4], $0x0  }
0x19: {  	s7 =	sld [smem:$0x3F82]  }
0x1a: {  	s8 =	sadd.s32 $0xFFFFE003, lr  }
0x1b: {  	s9 =	sadd.s32 $0xFFFFFEF7, lr;
	s5 =	simm.s32 $0xFFFFFFFF;
	p2 =	slt.u32 s8, $0xFFFFF086  }
0x1c: {  	p1 =	slt.u32 s9, $0xF7A;
	s5 =	simm.s32 @!p2 $0x0  }
0x1d: {  	s5 =	simm.s32 @p1 $0x1;
	p0 =	seq.s32 s7, s2  }
0x1e: {  	s7 =	smul.u32 @!p0 $0xF7A, s2;
	p2 =	seq.s32 @!p0 s5, $0x0  }
0x1f: {  	s9 =	smul.u32 $0xF7A, s1;
	s8 =	simm.s32 @!p0 $0x1BF5;
	p2 =	por !p2, p0  }
0x20: {  	[sflag:s8] =	ssyncset.s32 @!p0 $0xFFFFF086;
	s6 =	sadd.s32 @!p0 s3, s7;
	s7 =	simm.s32 @!p0 $0x108  }
0x21: {  	s3 =	sadd.s32 s3, s9;
	s6 =	sadd.s32 @!p0 $0x88, s6;
	s7 =	simm.s32 @p2 $0x1082  }
0x22: {  	[simem:s7], [sflag:s8] =	dma.local @!p0 [hbm:s6], $0xF7A  }
0x23: {  	s9 =	sor.u32 $0xD0000000, s2;
	s6 =	simm.s32 $0x108;
	_ =	swait.ge @!p0 [sflag:s8], $0x0  }
0x24: {  	s3 =	sadd.s32 $0x88, s3;
	s6 =	simm.s32 @!p1 $0x1082;
	[sflag:s4] =	ssyncset.s32 $0xFFFFF086  }
0x25: {  	[simem:s6], [sflag:s4] =	dma.local [hbm:s3], $0xF7A  }
0x26: {  	[smem:$0x3F82] =	sst s1;
	(tag) =	ssettag s2;
	_ =	strace s9  }
0x27: {  	s1 =	sld [smem:$0x3F92]  }
0x28: {  	s2 =	sld [smem:$0x3F93]  }
0x29: {  	s4 =	sld [smem:$0x3F95]  }
0x2a: {  	p0 =	seq.s32 s5, $0x0;
	s5 =	sld [smem:$0x3F96]  }
0x2b: {  	s6 =	sld [smem:$0x3F97]  }
0x2c: {  	s7 =	sld [smem:$0x3F98]  }
0x2d: {  	s3 =	simm.s32 $0x108;
	s8 =	sld [smem:$0x3F99]  }
0x2e: {  	s3 =	simm.s32 @!p0 $0x1082;
	s9 =	sld [smem:$0x3F9A]  }
0x2f: {  	lr =	sadd.s32 s0, s3;
	s0 =	sld [smem:$0x3F91]  }
0x30: {  	s3 =	sld [smem:$0x3F94]  }
0x31: {  	[smem:$0x3F9D] =	sst s10  }
0x32: {  	s10 =	sld [smem:$0x3F9B];
	_ =	sdelay $0x3  }
0x33: {  	p0 =	seq.s32 s10, $0x1;
	s10 =	sld [smem:$0x3F9D];
	_ =	sdelay $0x3  }
0x34: {  	[smem:$0x3F9D] =	sst s10  }
0x35: {  	s10 =	sld [smem:$0x3F9C];
	_ =	sdelay $0x3  }
0x36: {  	p1 =	seq.s32 s10, $0x1;
	s10 =	sld [smem:$0x3F9D];
	_ =	sdelay $0x3  }
0x37: {  	[smem:$0x3F9D] =	sst s10  }
0x38: {  	s10 =	sld [smem:$0x3F9E]  }
0x39: {  	_ = 	snop;
	(pc) =	sbr.ind lr, $3  }
0x3a: {  	_ = 	snop  }
0x3b: {  	_ = 	snop  }
0x3c: {  	p2 =	seq.s32 s10, $0x1;
	s10 =	sld [smem:$0x3F9D]  }
0x3d: {  	_ =	shalt  }
0x3e: {  	_ =	shalt  }
0x3f: {  	_ =	shalt  }
0x40: {  	_ =	shalt  }
0x41: {  	_ =	shalt  }
0x42: {  	_ =	shalt  }
0x43: {  	_ =	shalt  }
0x44: {  	_ =	shalt  }
0x45: {  	_ =	shalt  }
0x46: {  	_ =	shalt  }
0x47: {  	_ =	shalt  }
0x48: {  	_ =	shalt  }
0x49: {  	_ =	shalt  }
0x4a: {  	_ =	shalt  }
0x4b: {  	_ =	shalt  }
0x4c: {  	_ =	shalt  }
0x4d: {  	_ =	shalt  }
0x4e: {  	_ =	shalt  }
0x4f: {  	_ =	shalt  }
0x50: {  	_ =	shalt  }
0x51: {  	_ =	shalt  }
0x52: {  	_ =	shalt  }
0x53: {  	_ =	shalt  }
0x54: {  	_ =	shalt  }
0x55: {  	_ =	shalt  }
0x56: {  	_ =	shalt  }
0x57: {  	_ =	shalt  }
0x58: {  	_ =	shalt  }
0x59: {  	_ =	shalt  }
0x5a: {  	_ =	shalt  }
0x5b: {  	_ =	shalt  }
0x5c: {  	_ =	shalt  }
0x5d: {  	_ =	shalt  }
0x5e: {  	_ =	shalt  }
0x5f: {  	_ =	shalt  }
0x60: {  	_ =	shalt  }
0x61: {  	_ =	shalt  }
0x62: {  	_ =	shalt  }
0x63: {  	_ =	shalt  }
0x64: {  	_ =	shalt  }
0x65: {  	_ =	shalt  }
0x66: {  	_ =	shalt  }
0x67: {  	_ =	shalt  }
0x68: {  	_ =	shalt  }
0x69: {  	_ =	shalt  }
0x6a: {  	_ =	shalt  }
0x6b: {  	_ =	shalt  }
0x6c: {  	_ =	shalt  }
0x6d: {  	_ =	shalt  }
0x6e: {  	_ =	shalt  }
0x6f: {  	_ =	shalt  }
0x70: {  	_ =	shalt  }
0x71: {  	_ =	shalt  }
0x72: {  	_ =	shalt  }
0x73: {  	_ =	shalt  }
0x74: {  	_ =	shalt  }
0x75: {  	_ =	shalt  }
0x76: {  	_ =	shalt  }
0x77: {  	_ =	shalt  }
0x78: {  	_ =	shalt  }
0x79: {  	_ =	shalt  }
0x7a: {  	_ =	shalt  }
0x7b: {  	_ =	shalt  }
0x7c: {  	_ =	shalt  }
0x7d: {  	_ =	shalt  }
0x7e: {  	_ =	shalt  }
0x7f: {  	_ =	shalt  }
0x80: {  	_ =	shalt  }
0x81: {  	_ =	shalt  }
0x82: {  	_ =	shalt  }
0x83: {  	_ =	shalt  }
0x84: {  	_ =	shalt  }
0x85: {  	_ =	shalt  }
0x86: {  	_ =	shalt  }
0x87: {  	_ =	shalt  }
.Lfunc_end0:
.L_simem_size_0:
called_computation_lowered:
.L_overlay_start_0:
0x88: {  	s2 =	sld [smem:$0x3FD9]  }
0x89: {  	s3 =	sld [smem:$0x3FFE];
	_ =	sdelay $0x1  }
0x8a: {  	s1 =	srdreg.scid  }
0x8b: {  	s0 =	sand.u32 $0x1, s1  }
0x8c: {  	s14 =	sshll.u32 s0, $0xA;
	s2 =	sadd.s32 s3, s2  }
0x8d: {  	s2 =	sadd.s32 s2, s14  }
0x8e: {  	[smem:$0x3FA9] =	sst s2  }
0x8f: {  	_ = 	snop  }
0x90: {  	s2 =	sld [smem:$0x3FD0];
	_ =	sdelay $0x2  }
0x91: {  	s15 =	simm.s32 $0xA;
	s4 =	simm.s32 $0x10  }
0x92: {  	[smem:s4], [sflag:s15] =	dma.local [hbm:s2], $0x1  }
0x93: {  	_ =	swait.eq [sflag:s15], $0x1  }
0x94: {  	[sflag:s15] =	ssyncset.done $0x0  }
0x95: {  	[sflag:s15] =	ssyncadd.s32 $0xFFFFFFFF  }
0x96: {  	s16 =	sld [smem:$0x12];
	(tm) =	ssettm $0x1  }
0x97: {  	s17 =	sld [smem:$0x3FFB];
	_ =	sdelay $0x3  }
0x98: {  	_ =	strace s17  }
0x99: {  	s3 =	sld [smem:$0x3FFC];
	_ =	sdelay $0x3  }
0x9a: {  	_ =	strace s3  }
0x9b: {  	s3 =	sld [smem:$0x3FFD];
	_ =	sdelay $0x3  }
0x9c: {  	_ =	strace s3  }
0x9d: {  	_ =	strace $0x8FFFFFFF  }
0x9e: {  	s18 =	sld [smem:$0x3FDB];
	_ =	sdelay $0x1  }
0x9f: {  	s19 =	simm.s32 $_scs_section_size  }
0xa0: {  	s5 =	simm.s32 $_size__tile_overlayer_lowered;
	s6 =	simm.s32 $_tile_overlayer_lowered  }
0xa1: {  	s22 =	simm.s32 $0x1BFF;
	s21 =	sshll.u32 s6, $0x1;
	s3 =	sadd.s32 s19, s18  }
0xa2: {  	s7 =	simm.s32 $0x0;
	s20 =	sshll.u32 s5, $0x1;
	s5 =	sadd.s32 s21, s3  }
0xa3: {  	[timem:s7], [sflag:s22] =	dma.local [hbm:s5], s20  }
0xa4: {  	_ =	swait.ge [sflag:s22], s20  }
0xa5: {  	s4 =	ssub.s32 $0x0, s20;
	[sflag:s22] =	ssyncset.done $0x0  }
0xa6: {  	[sflag:s22] =	ssyncadd.s32 s4;
	_ =	sdelay $0x1  }
0xa7: {  	s23 =	simm.s32 $0x1B8B  }
0xa8: {  	_ =	swait.ge [sflag:s23], $0x1  }
0xa9: {  	[sflag:s23] =	ssyncset.done $0x0  }
0xaa: {  	s25 =	simm.s32 $0x1B8E;
	s24 =	sld [smem:$0x3FFE];
	[sflag:s23] =	ssyncadd.s32 $0xFFFFFFFF  }
0xab: {  	s26 =	simm.s32 $execute0_lowered;
	[smem:$0x3FD2] =	sst s25  }
0xac: {  	s5 =	sshll.u32 s26, $0x1;
	_ =	strace $0x80000046;
	[dreg:$0x1] =	wrdreg $0xFFFFFFFF  }
0xad: {  	s28 =	simm.s32 $_size_execute0_lowered;
	s3 =	sadd.s32 s3, s5;
	[dreg:$0x0] =	wrdreg $0x0  }
0xae: {  	s5 =	sshll.u32 s28, $0x1;
	[dreg:$0x2] =	wrdreg s3  }
0xaf: {  	[dreg:$0x3] =	wrdreg s5  }
0xb0: {  	[dreg:$0x4] =	wrdreg $0xC0  }
0xb1: {  	_ =	task [dreg:s7], $0x5FFFF  }
0xb2: {  	[dreg:$0x1] =	wrdreg $0xFFFFFFFF  }
0xb3: {  	[dreg:$0x0] =	wrdreg $0x60  }
0xb4: {  	[dreg:$0x2] =	wrdreg s24  }
0xb5: {  	[dreg:$0x3] =	wrdreg s16  }
0xb6: {  	[dreg:$0x4] =	wrdreg $0x6400  }
0xb7: {  	[dreg:$0x5] =	wrdreg $0x9  }
0xb8: {  	_ =	task.clear_ibuf [dreg:s7], $0x6FFFF;
	_ =	strace $0x90000046  }
0xb9: {  	s29 =	simm.s32 $0x9;
	_ =	strace $0x80000048  }
0xba: {  	_ =	swait.ge [sflag:s29], $0x1  }
0xbb: {  	[sflag:s29] =	ssyncadd.s32 $0xFFFFFFFF  }
0xbc: {  	_ =	strace $0x90000048  }
0xbd: {  	_ =	sfence  }
0xbe: {  	s30 =	sld [smem:$0x0];
	_ =	sdelay $0x2  }
0xbf: {  	s31 =	sshll.u32 s1, $0xD;
	s1 =	sshrl.u32 s1, $0x2  }
0xc0: {  	s3 =	sand.u32 $0x4000, s31;
	s1 =	sadd.s32 s1, s30  }
0xc1: {  	s0 =	sor.u32 s3, s0;
	s1 =	sshll.u32 s1, $0x11  }
0xc2: {  	s0 =	sor.u32 s1, s0  }
0xc3: {  	s0 =	sadd.s32 $0x8F2B, s0  }
0xc4: {  	[sflag:s0] =	ssyncadd.remote.s32 $0x1  }
0xc5: {  	_ =	sfence.sel $0xFFFF  }
0xc6: {  	[dreg:$0x0] =	wrdreg $0xFFFFFFFF;
	(pc) =	sbr.abs _section_cstart, $3  }
0xc7: {  	[dreg:$0x1] =	wrdreg $0xFFFFFFFF  }
0xc8: {  	_ =	task.clear_ibuf [dreg:s7], $0x2FFFF;
	_ =	strace $0x9FFFFFFF  }
0xc9: {  	(tm) =	ssettm $0x7FFFFFFF  }
tec
execute0_lowered:
.L_overlay_start_1:
0x0: {  	(tag) =	ssettag $0x1  }
0x1: {  	s0 =	rddreg [dreg:$0x0]  }
0x2: {  	s3 =	rddreg [dreg:$0x2]  }
0x3: {  	s4 =	simm.s32 $0x0;
	s17 =	stileid.u32;
	s5 =	srdreg.scid  }
0x4: {  	s28 =	simm.s32 $0x6;
	s29 =	simm.s32 $0x0;
	[smem:$0x7FF] =	sst s4  }
0x5: {  	s1 =	smul.u32 $0x2800, s17;
	s2 =	sadd.s32 $0xF200, s0;
	s14 =	sand.u32 $0x1, s5  }
0x6: {  	s12 =	sshll.u32 s17, $0x1;
	s11 =	sadd.s32 $0x1E000, s0;
	s19 =	sadd.s32 $0x25800, s3  }
0x7: {  	s24 =	smul.u32 $0x14, s17;
	p0 =	seq.s32 s17, $0xF;
	_ =	strace $0x80000047  }
0x8: {  	s7 =	ssub.s32 $0x2, s14;
	s8 =	sor.u32 s14, s12;
	s12 =	smul.u32 $0x27100, s14  }
0x9: {  	s25 =	smul.u32 $0xA, s14;
	s19 =	sshrl.u32 @p0 s19, $0x3;
	s6 =	sshrl.u32 s1, $0x3  }
0xa: {  	s13 =	sshrl.u32 s7, $0x1;
	s9 =	smul.u32 $0x50, s8;
	s15 =	sadd.s32 s1, s3  }
0xb: {  	s8 =	smul.u32 $0xA, s8;
	s6 =	sadd.s32 s6, s0;
	s13 =	ssub.s32 s7, s13  }
0xc: {  	[dreg:$0x4] =	wrdreg s15;
	s0 =	sadd.s32 $0x1DB00, s0;
	s22 =	sadd.s32 s1, s12  }
0xd: {  	s23 =	sshrl.u32 s12, $0x3;
	s15 =	smul.u32 $0xA0, s17;
	s17 =	simm.s32 $0x140  }
0xe: {  	s16 =	sadd.s32 $0x19000, s6;
	s9 =	sshrl.u32 s9, $0x3;
	[dreg:$0x6] =	wrdreg s0  }
0xf: {  	s20 =	sadd.s32 s2, s8;
	s0 =	sshrl.u32 s22, $0x3;
	s1 =	sadd.s32 s11, s23  }
0x10: {  	s13 =	smax.u32 s13, $0x1;
	s22 =	simm.s32 $0x1;
	[dreg:$0x5] =	wrdreg s16  }
0x11: {  	s23 =	simm.s32 $0xF0;
	s18 =	sadd.s32 s2, s9;
	[dreg:$0x7] =	wrdreg s20  }
0x12: {  	s16 =	smul.u32 $0x50, s14;
	s11 =	sadd.s32 s11, s0;
	s12 =	sadd.s32 $0x4B00, s1  }
0x13: {  	s0 =	sadd.s32 s24, s2;
	s20 =	simm.s32 $0x50;
	s24 =	simm.s32 $0x2  }
0x14: {  	s21 =	sadd.s32 $0x140, s18;
	s10 =	sadd.s32 $0x9B00, s18;
	s14 =	sadd.s32 s25, s0  }
0x15: {  	s18 =	simm.s32 $0x7;
	s25 =	simm.s32 $0x5;
	s26 =	sadd.s32 s16, s15  }
0x16: {  	[dreg:$0x8] =	wrdreg s21;
	s15 =	sadd.s32 $0x1E00, s26;
	s16 =	sadd.s32 $0x1400, s26  }
0x17: {  	s21 =	simm.s32 $0xA0;
	s30 =	sshrl.u32 s15, $0x3;
	s31 =	sshrl.u32 s16, $0x3  }
0x18: {  	s26 =	simm.s32 $0x4;
	s15 =	sadd.s32 s30, s2;
	s16 =	sadd.s32 s31, s2  }
.LBB2_1:
0x19: {  	s0 =	rddreg [dreg:$0x1]  }
0x1a: {  	[tilespmem:s17], [sflag:$0x7] =	stream.linear.gather [hbm4b:s0+s4], $0x500, $0x38;
	[tilespmem:$0x2D50] =	vst v63  }
0x1b: {  	_ =	swait.ge [sflag:s18], $0x500  }
0x1c: {  	[sflag:s18] =	ssyncset.done $0x0  }
0x1d: {  	s0 =	simm.s32 @p0 $0x1FC7;
	s1 =	rddreg [dreg:$0x6];
	[sflag:s18] =	ssyncadd.s32 $0xFFFFFB00  }
0x1e: {  	[spmem:s19], [sflag:s0] =	dma.local @p0 [hbm:s1], $0x320  }
0x1f: {  	s0 =	simm.s32 @p0 $0x7  }
0x20: {  	_ =	swait.ge @p0 [sflag:s0], $0x320  }
0x21: {  	s1 =	stileid.u32;
	[sflag:s0] =	ssyncset.done @p0 $0x0  }
0x22: {  	s1 =	sshll.u32 @!p0 s1, $0x6;
	[sflag:s0] =	ssyncadd.s32 @p0 $0xFFFFFCE0;
	s0 =	rddreg [dreg:$0x4]  }
0x23: {  	s30 =	sor.u32 @!p0 $0x1C07, s1;
	s31 =	sshrl.u32 @!p0 s0, $0x3;
	s0 =	rddreg [dreg:$0x5]  }
0x24: {  	[spmem:s31], [sflag:s30] =	dma.local @!p0 [hbm:s0], $0x500  }
0x25: {  	s0 =	simm.s32 @!p0 $0x7  }
0x26: {  	_ =	swait.ge @!p0 [sflag:s0], $0x500  }
0x27: {  	[sflag:s0] =	ssyncset.done @!p0 $0x0  }
0x28: {  	[sflag:s0] =	ssyncadd.s32 @!p0 $0xFFFFFB00  }
0x29: {  	[bflag:$0x0] =	sbarrier.arrive $0xFFFF  }
0x2a: {  	p1 =	por $0x1, $0x1;
	s6 =	rddreg [dreg:$0x7]  }
0x2b: {  	[tilespmem:s4], [sflag:$0x1] =	stream.linear.gather [hbm4b:s6+s4], $0x50, $0x38;
	[tilespmem:$0x2D50] =	vst v63  }
0x2c: {  	s0 =	simm.s32 @!p1 $0x5;
	s7 =	rddreg [dreg:$0x8]  }
0x2d: {  	[tilespmem:s20], [sflag:$0x2] =	stream.linear.gather [hbm4b:s7+s4], $0x50, $0x38;
	[tilespmem:$0x2D50] =	vst v63  }
0x2e: {  	_ =	swait.ge @!p1 [sflag:s0], $0x500  }
0x2f: {  	[sflag:s0] =	ssyncset.done @!p1 $0x0  }
0x30: {  	s8 =	sadd.s32 $0x0, s16;
	[sflag:s0] =	ssyncadd.s32 @!p1 $0xFFFFFB00  }
0x31: {  	[tilespmem:s21], [sflag:$0x3] =	stream.linear.gather [hbm4b:s8+s4], $0x50, $0x38;
	[tilespmem:$0x2D50] =	vst v63  }
0x32: {  	_ =	swait.ge [sflag:s22], $0x50  }
0x33: {  	[sflag:s22] =	ssyncset.done $0x0  }
0x34: {  	s0 =	simm.s32 @!p1 $0x6;
	[sflag:s22] =	ssyncadd.s32 $0xFFFFFFB0  }
0x35: {  	[spmem:s3] =	stream.indirect.scatter.add.f32 [tilespmem:s17], [sflag:$0x5], $0x10, s4, s20, $0xb8;
	[tilespmem:$0x2D50] =	vst v63  }
0x36: {  	_ =	swait.ge @!p1 [sflag:s0], $0x500  }
0x37: {  	[sflag:s0] =	ssyncset.done @!p1 $0x0  }
0x38: {  	s9 =	sadd.s32 $0x0, s15;
	[sflag:s0] =	ssyncadd.s32 @!p1 $0xFFFFFB00  }
0x39: {  	[tilespmem:s23], [sflag:$0x4] =	stream.linear.gather [hbm4b:s9+s4], $0x50, $0x38;
	[tilespmem:$0x2D50] =	vst v63  }
0x3a: {  	_ =	swait.ge [sflag:s24], $0x50  }
0x3b: {  	[sflag:s24] =	ssyncset.done $0x0  }
0x3c: {  	[sflag:s24] =	ssyncadd.s32 $0xFFFFFFB0  }
0x3d: {  	[spmem:s3] =	stream.indirect.scatter.add.f32 [tilespmem:s17], [sflag:$0x6], $0x10, s20, s20, $0xb8;
	[tilespmem:$0x2D50] =	vst v63  }
0x3e: {  	_ =	swait.ge [sflag:s25], $0x500  }
0x3f: {  	p1 =	por $0x0, $0x0;
	[sflag:s25] =	ssyncset.done $0x0  }
0x40: {  	s0 =	simm.s32 @p1 $0x3;
	[sflag:s25] =	ssyncadd.s32 $0xFFFFFB00  }
0x41: {  	_ =	swait.ge @p1 [sflag:s0], $0x50  }
0x42: {  	s1 =	simm.s32 @p1 $0x140;
	s2 =	simm.s32 @p1 $0x6;
	[sflag:s0] =	ssyncset.done @p1 $0x0  }
0x43: {  	s5 =	simm.s32 @p1 $0xA0;
	[sflag:s0] =	ssyncadd.s32 @p1 $0xFFFFFFB0;
	s0 =	simm.s32 @p1 $0x50  }
0x44: {  	[spmem:s3] =	stream.indirect.scatter.add.f32 @p1 [tilespmem:s1], [sflag:$0x5], $0x10, s5, s0, $0xb8;
	[tilespmem:$0x2D50] =	vst v63  }
0x45: {  	_ =	swait.ge @p1 [sflag:s2], $0x500  }
0x46: {  	s0 =	sadd.s32 @!p1 $0x0, s14;
	s5 =	simm.s32 @!p1 $0x3;
	[sflag:s2] =	ssyncset.done @p1 $0x0  }
0x47: {  	s1 =	sadd.s32 @!p1 $0x500, s0;
	[sflag:s2] =	ssyncadd.s32 @p1 $0xFFFFFB00;
	s2 =	simm.s32 @!p1 $0x0  }
0x48: {  	[tilespmem:s2], [sflag:$0x1] =	stream.linear.gather @!p1 [hbm4b:s1+s2], $0x50, $0x38;
	[tilespmem:$0x2D50] =	vst v63  }
0x49: {  	_ =	swait.ge @!p1 [sflag:s5], $0x50  }
0x4a: {  	s6 =	simm.s32 @!p1 $0xA0;
	[sflag:s5] =	ssyncset.done @!p1 $0x0  }
0x4b: {  	s1 =	simm.s32 @!p1 $0x140;
	[sflag:s5] =	ssyncadd.s32 @!p1 $0xFFFFFFB0;
	s5 =	simm.s32 @!p1 $0x50  }
0x4c: {  	[spmem:s3] =	stream.indirect.scatter.add.f32 @!p1 [tilespmem:s1], [sflag:$0x5], $0x10, s6, s5, $0xb8;
	[tilespmem:$0x2D50] =	vst v63  }
0x4d: {  	s1 =	simm.s32 @!p1 $0x6  }
0x4e: {  	_ =	swait.ge @!p1 [sflag:s1], $0x500  }
0x4f: {  	[sflag:s1] =	ssyncset.done @!p1 $0x0  }
0x50: {  	s0 =	sadd.s32 @!p1 $0x640, s0;
	[sflag:s1] =	ssyncadd.s32 @!p1 $0xFFFFFB00  }
0x51: {  	[tilespmem:s5], [sflag:$0x2] =	stream.linear.gather @!p1 [hbm4b:s0+s2], $0x50, $0x38;
	[tilespmem:$0x2D50] =	vst v63  }
0x52: {  	p2 =	por $0x0, $0x0;
	_ =	swait.ge [sflag:s26], $0x50  }
0x53: {  	s0 =	simm.s32 $0x500;
	s2 =	simm.s32 $0xA00;
	[sflag:s26] =	ssyncset.done $0x0  }
.LBB2_2:
0x54: {  	s5 =	simm.s32 @!p2 $0x5  }
0x55: {  	[sflag:s26] =	ssyncadd.s32 $0xFFFFFFB0;
	s1 =	smov.u32 s2;
	s2 =	sadd.s32 $0x500, s2  }
0x56: {  	[spmem:s3] =	stream.indirect.scatter.add.f32 [tilespmem:s17], [sflag:$0x6], $0x10, s23, s20, $0xb8;
	[tilespmem:$0x2D50] =	vst v63  }
0x57: {  	p1 =	sne.s32 s2, $0x9B00;
	_ =	swait.ge @!p2 [sflag:s5], $0x500  }
0x58: {  	[sflag:s5] =	ssyncset.done @!p2 $0x0  }
0x59: {  	[sflag:s5] =	ssyncadd.s32 @!p2 $0xFFFFFB00;
	s5 =	sadd.s32 s0, s16  }
0x5a: {  	[tilespmem:s21], [sflag:$0x3] =	stream.linear.gather [hbm4b:s5+s4], $0x50, $0x38;
	[tilespmem:$0x2D50] =	vst v63  }
0x5b: {  	_ =	swait.ge [sflag:s22], $0x50  }
0x5c: {  	[sflag:s22] =	ssyncset.done $0x0  }
0x5d: {  	s5 =	simm.s32 @!p2 $0x6;
	[sflag:s22] =	ssyncadd.s32 $0xFFFFFFB0  }
0x5e: {  	[spmem:s3] =	stream.indirect.scatter.add.f32 [tilespmem:s17], [sflag:$0x5], $0x10, s4, s20, $0xb8;
	[tilespmem:$0x2D50] =	vst v63  }
0x5f: {  	_ =	swait.ge @!p2 [sflag:s5], $0x500  }
0x60: {  	[sflag:s5] =	ssyncset.done @!p2 $0x0  }
0x61: {  	[sflag:s5] =	ssyncadd.s32 @!p2 $0xFFFFFB00;
	s5 =	sadd.s32 s0, s15  }
0x62: {  	[tilespmem:s23], [sflag:$0x4] =	stream.linear.gather [hbm4b:s5+s4], $0x50, $0x38;
	[tilespmem:$0x2D50] =	vst v63  }
0x63: {  	_ =	swait.ge [sflag:s24], $0x50  }
0x64: {  	[sflag:s24] =	ssyncset.done $0x0  }
0x65: {  	[sflag:s24] =	ssyncadd.s32 $0xFFFFFFB0  }
0x66: {  	[spmem:s3] =	stream.indirect.scatter.add.f32 [tilespmem:s17], [sflag:$0x6], $0x10, s20, s20, $0xb8;
	[tilespmem:$0x2D50] =	vst v63  }
0x67: {  	_ =	swait.ge [sflag:s25], $0x500  }
0x68: {  	p2 =	seq.s32 s0, $0x9600;
	[sflag:s25] =	ssyncset.done $0x0  }
0x69: {  	s5 =	simm.s32 @p2 $0x3;
	s0 =	sadd.s32 @!p2 s0, s14;
	[sflag:s25] =	ssyncadd.s32 $0xFFFFFB00  }
0x6a: {  	s6 =	sadd.s32 @!p2 $0x500, s0;
	s7 =	sadd.s32 @!p2 $0x640, s0;
	_ =	swait.ge @p2 [sflag:s5], $0x50  }
0x6b: {  	s8 =	simm.s32 @p2 $0x6;
	s0 =	simm.s32 @p2 $0x140;
	[sflag:s5] =	ssyncset.done @p2 $0x0  }
0x6c: {  	s9 =	simm.s32 @p2 $0xA0;
	[sflag:s5] =	ssyncadd.s32 @p2 $0xFFFFFFB0;
	s5 =	simm.s32 @p2 $0x50  }
0x6d: {  	[spmem:s3] =	stream.indirect.scatter.add.f32 @p2 [tilespmem:s0], [sflag:$0x5], $0x10, s9, s5, $0xb8;
	[tilespmem:$0x2D50] =	vst v63  }
0x6e: {  	s0 =	smov.u32 s1;
	_ =	swait.ge @p2 [sflag:s8], $0x500  }
0x6f: {  	[sflag:s8] =	ssyncset.done @p2 $0x0  }
0x70: {  	s1 =	simm.s32 @!p2 $0x0;
	s5 =	simm.s32 @!p2 $0x3;
	[sflag:s8] =	ssyncadd.s32 @p2 $0xFFFFFB00  }
0x71: {  	[tilespmem:s1], [sflag:$0x1] =	stream.linear.gather @!p2 [hbm4b:s6+s1], $0x50, $0x38;
	[tilespmem:$0x2D50] =	vst v63  }
0x72: {  	_ =	swait.ge @!p2 [sflag:s5], $0x50  }
0x73: {  	s8 =	simm.s32 @!p2 $0x6;
	s6 =	simm.s32 @!p2 $0x140;
	[sflag:s5] =	ssyncset.done @!p2 $0x0  }
0x74: {  	s9 =	simm.s32 @!p2 $0xA0;
	[sflag:s5] =	ssyncadd.s32 @!p2 $0xFFFFFFB0;
	s5 =	simm.s32 @!p2 $0x50  }
0x75: {  	[spmem:s3] =	stream.indirect.scatter.add.f32 @!p2 [tilespmem:s6], [sflag:$0x5], $0x10, s9, s5, $0xb8;
	[tilespmem:$0x2D50] =	vst v63  }
0x76: {  	_ =	swait.ge @!p2 [sflag:s8], $0x500  }
.Ltmp0:
0x77: {  	[sflag:s8] =	ssyncset.done @!p2 $0x0;
	(pc) =	sbr.rel @p1 .LBB2_2-.Ltmp0, $4  }
0x78: {  	[sflag:s8] =	ssyncadd.s32 @!p2 $0xFFFFFB00  }
0x79: {  	[tilespmem:s5], [sflag:$0x2] =	stream.linear.gather @!p2 [hbm4b:s7+s1], $0x50, $0x38;
	[tilespmem:$0x2D50] =	vst v63  }
0x7a: {  	_ =	swait.ge [sflag:s26], $0x50  }
0x7b: {  	p2 =	seq.s32 s0, $0x0;
	[sflag:s26] =	ssyncset.done $0x0  }
0x7c: {  	s1 =	simm.s32 @!p2 $0x5;
	[sflag:s26] =	ssyncadd.s32 $0xFFFFFFB0  }
0x7d: {  	[spmem:s3] =	stream.indirect.scatter.add.f32 [tilespmem:s17], [sflag:$0x6], $0x10, s23, s20, $0xb8;
	[tilespmem:$0x2D50] =	vst v63  }
0x7e: {  	_ =	swait.ge @!p2 [sflag:s1], $0x500  }
0x7f: {  	[sflag:s1] =	ssyncset.done @!p2 $0x0  }
0x80: {  	s8 =	sadd.s32 s0, s16;
	[sflag:s1] =	ssyncadd.s32 @!p2 $0xFFFFFB00  }
0x81: {  	[tilespmem:s21], [sflag:$0x3] =	stream.linear.gather [hbm4b:s8+s4], $0x50, $0x38;
	[tilespmem:$0x2D50] =	vst v63  }
0x82: {  	_ =	swait.ge [sflag:s22], $0x50  }
0x83: {  	[sflag:s22] =	ssyncset.done $0x0  }
0x84: {  	s1 =	simm.s32 @!p2 $0x6;
	[sflag:s22] =	ssyncadd.s32 $0xFFFFFFB0  }
0x85: {  	[spmem:s3] =	stream.indirect.scatter.add.f32 [tilespmem:s17], [sflag:$0x5], $0x10, s4, s20, $0xb8;
	[tilespmem:$0x2D50] =	vst v63  }
0x86: {  	_ =	swait.ge @!p2 [sflag:s1], $0x500  }
0x87: {  	[sflag:s1] =	ssyncset.done @!p2 $0x0  }
0x88: {  	s9 =	sadd.s32 s0, s15;
	[sflag:s1] =	ssyncadd.s32 @!p2 $0xFFFFFB00  }
0x89: {  	[tilespmem:s23], [sflag:$0x4] =	stream.linear.gather [hbm4b:s9+s4], $0x50, $0x38;
	[tilespmem:$0x2D50] =	vst v63  }
0x8a: {  	_ =	swait.ge [sflag:s24], $0x50  }
0x8b: {  	[sflag:s24] =	ssyncset.done $0x0  }
0x8c: {  	[sflag:s24] =	ssyncadd.s32 $0xFFFFFFB0  }
0x8d: {  	[spmem:s3] =	stream.indirect.scatter.add.f32 [tilespmem:s17], [sflag:$0x6], $0x10, s20, s20, $0xb8;
	[tilespmem:$0x2D50] =	vst v63  }
0x8e: {  	_ =	swait.ge [sflag:s25], $0x500  }
0x8f: {  	p1 =	seq.s32 s0, $0x9600;
	[sflag:s25] =	ssyncset.done $0x0  }
0x90: {  	s1 =	simm.s32 @p1 $0x3;
	[sflag:s25] =	ssyncadd.s32 $0xFFFFFB00  }
0x91: {  	_ =	swait.ge @p1 [sflag:s1], $0x50  }
0x92: {  	s2 =	simm.s32 @p1 $0x140;
	s5 =	simm.s32 @p1 $0x6;
	[sflag:s1] =	ssyncset.done @p1 $0x0  }
0x93: {  	s6 =	simm.s32 @p1 $0xA0;
	[sflag:s1] =	ssyncadd.s32 @p1 $0xFFFFFFB0;
	s1 =	simm.s32 @p1 $0x50  }
0x94: {  	[spmem:s3] =	stream.indirect.scatter.add.f32 @p1 [tilespmem:s2], [sflag:$0x5], $0x10, s6, s1, $0xb8;
	[tilespmem:$0x2D50] =	vst v63  }
0x95: {  	s0 =	sadd.s32 @!p1 s0, s14;
	_ =	swait.ge @p1 [sflag:s5], $0x500  }
0x96: {  	s1 =	sadd.s32 @!p1 $0x500, s0;
	[sflag:s5] =	ssyncset.done @p1 $0x0  }
0x97: {  	s2 =	simm.s32 @!p1 $0x0;
	[sflag:s5] =	ssyncadd.s32 @p1 $0xFFFFFB00;
	s5 =	simm.s32 @!p1 $0x3  }
0x98: {  	[tilespmem:s2], [sflag:$0x1] =	stream.linear.gather @!p1 [hbm4b:s1+s2], $0x50, $0x38;
	[tilespmem:$0x2D50] =	vst v63  }
0x99: {  	_ =	swait.ge @!p1 [sflag:s5], $0x50  }
0x9a: {  	s6 =	simm.s32 @!p1 $0xA0;
	[sflag:s5] =	ssyncset.done @!p1 $0x0  }
0x9b: {  	s1 =	simm.s32 @!p1 $0x140;
	[sflag:s5] =	ssyncadd.s32 @!p1 $0xFFFFFFB0;
	s5 =	simm.s32 @!p1 $0x50  }
0x9c: {  	[spmem:s3] =	stream.indirect.scatter.add.f32 @!p1 [tilespmem:s1], [sflag:$0x5], $0x10, s6, s5, $0xb8;
	[tilespmem:$0x2D50] =	vst v63  }
0x9d: {  	s1 =	simm.s32 @!p1 $0x6  }
0x9e: {  	_ =	swait.ge @!p1 [sflag:s1], $0x500  }
0x9f: {  	[sflag:s1] =	ssyncset.done @!p1 $0x0  }
0xa0: {  	s0 =	sadd.s32 @!p1 $0x640, s0;
	[sflag:s1] =	ssyncadd.s32 @!p1 $0xFFFFFB00  }
0xa1: {  	[tilespmem:s5], [sflag:$0x2] =	stream.linear.gather @!p1 [hbm4b:s0+s2], $0x50, $0x38;
	[tilespmem:$0x2D50] =	vst v63  }
0xa2: {  	_ =	swait.ge [sflag:s26], $0x50  }
0xa3: {  	[sflag:s26] =	ssyncset.done $0x0  }
0xa4: {  	[sflag:s26] =	ssyncadd.s32 $0xFFFFFFB0  }
0xa5: {  	[spmem:s3] =	stream.indirect.scatter.add.f32 [tilespmem:s17], [sflag:$0x6], $0x10, s23, s20, $0xb8;
	[tilespmem:$0x2D50] =	vst v63  }
0xa6: {  	_ =	swait.ge [sflag:s25], $0x500  }
0xa7: {  	[sflag:s25] =	ssyncset.done $0x0  }
0xa8: {  	[sflag:s25] =	ssyncadd.s32 $0xFFFFFB00  }
0xa9: {  	_ =	swait.ge [sflag:s28], $0x500  }
0xaa: {  	[sflag:s28] =	ssyncset.done $0x0  }
0xab: {  	[sflag:s28] =	ssyncadd.s32 $0xFFFFFB00  }
0xac: {  	[tilespmem:s4], [sflag:$0x1] =	stream.linear.gather [hbm4b:s10+s4], $0x50, $0x38;
	[tilespmem:$0x2D50] =	vst v63  }
0xad: {  	_ =	swait.ge [sflag:s22], $0x50  }
0xae: {  	[sflag:s22] =	ssyncset.done $0x0  }
0xaf: {  	[sflag:s22] =	ssyncadd.s32 $0xFFFFFFB0  }
0xb0: {  	[spmem:s3] =	stream.indirect.scatter.add.f32 [tilespmem:s17], [sflag:$0x5], $0x10, s4, s20, $0xb8;
	[tilespmem:$0x2D50] =	vst v63  }
0xb1: {  	_ =	swait.ge [sflag:s25], $0x500  }
0xb2: {  	[sflag:s25] =	ssyncset.done $0x0  }
0xb3: {  	[sflag:s25] =	ssyncadd.s32 $0xFFFFFB00  }
0xb4: {  	s0 =	simm.s32 @p0 $0x1FC7;
	[bflag:$0x0] =	sbarrier.arrive $0xFFFF  }
0xb5: {  	[hbm:s12], [sflag:s0] =	dma.local @p0 [spmem:s19], $0x320  }
0xb6: {  	s0 =	simm.s32 @p0 $0x7  }
0xb7: {  	s29 =	sadd.s32 $0x1, s29;
	_ =	swait.ge @p0 [sflag:s0], $0x320  }
0xb8: {  	p1 =	sne.s32 s29, s13;
	[sflag:s0] =	ssyncset.done @p0 $0x0  }
.Ltmp1:
0xb9: {  	[sflag:s0] =	ssyncadd.s32 @p0 $0xFFFFFCE0;
	s0 =	simm.s32 @!p0 $0x7;
	(pc) =	sbr.rel @p1 .LBB2_1-.Ltmp1, $4  }
0xba: {  	[hbm:s11], [sflag:s30] =	dma.local @!p0 [spmem:s31], $0x500  }
0xbb: {  	_ =	swait.ge @!p0 [sflag:s0], $0x500  }
0xbc: {  	[sflag:s0] =	ssyncset.done @!p0 $0x0  }
0xbd: {  	[sflag:s0] =	ssyncadd.s32 @!p0 $0xFFFFFB00  }
0xbe: {  	_ =	sfence.sel $0x180000  }
0xbf: {  	[bflag:$0x0] =	sbarrier.arrive $0xFFFF  }
0xc0: {  	_ =	strace $0x90000047  }
0xc1: {  	s0 =	stileid.u32;
	[bflag:$0x2] =	sbarrier.arrive $0xFFFF  }
0xc2: {  	p0 =	sne.s32 s0, $0x0;
	s0 =	rddreg [dreg:$0x3]  }
0xc3: {  	s0 =	sadd.s32 @!p0 $0x100000, s0  }
0xc4: {  	[sflag:s0] =	ssyncadd.tile.s32 @!p0 $0x1;
	_ =	shalt  }
.Lfunc_end2:
_tile_overlayer_lowered:
.L_overlay_start_2:
0xc5: {  	(tag) =	ssettag $0x2  }
0xc6: {  	s0 =	rddreg [dreg:$0x0];
	s2 =	stileid.u32  }
0xc7: {  	s1 =	rddreg [dreg:$0x1];
	p0 =	sne.s32 s2, $0x0  }
0xc8: {  	s3 =	rddreg [dreg:$0x2];
	[bflag:$0x3] =	sbarrier.arrive $0xFFFF;
	s2 =	simm.s32 @!p0 $0x1C07  }
0xc9: {  	[timem:s3], [sflag:s2] =	dma.local @!p0 [hbm:s0], s1  }
0xca: {  	s0 =	simm.s32 @!p0 $0x7  }
0xcb: {  	_ =	swait.ge @!p0 [sflag:s0], s1  }
0xcc: {  	s1 =	ssub.s32 @!p0 $0x0, s1;
	[sflag:s0] =	ssyncset.done @!p0 $0x0  }
0xcd: {  	[sflag:s0] =	ssyncadd.s32 @!p0 s1  }
0xce: {  	[bflag:$0x3] =	sbarrier.arrive $0xFFFF  }
0xcf: {  	_ =	shalt  }

</sc_bundles>
